<compile_context>
chip_gen: v7x
topology: tpu7x:2x2x1
jax: 0.10.2.dev20260603
libtpu: 0.0.44.dev20260713+nightly
codegen_flags: <defaults>
</compile_context>

<pallas_src>
import functools

import jax
import jax.numpy as jnp
from jax import lax
from jax.experimental import pallas as pl
from jax.experimental.pallas import tpu as pltpu
from jax.experimental.pallas import tpu_sc as plsc

_N = 10000
_E = 320000
_R = 8
_D = 128

_NC = 2
_NS = 16
_NW = _NC * _NS
_CH = 128
_CPW = 80
_EP = _NW * _CPW * _CH
_NROWS = _EP // _CH
_NPAD = 10240
_RPT = _NPAD // _NS
_LANES = 16


_HALF = _CPW // 2


def _sc_gather_scatter_body(table, srcs, etys, dsts, out,
                            idx_v, ety_v, dst_v, row_a, row_b, agg_sh,
                            sem_a, sem_b):
    c = lax.axis_index("c")
    s = lax.axis_index("s")
    w = c * _NS + s
    base = w * _CPW

    def _zrow(j, carry):
        for k in range(_D // _LANES):
            row_a[j, pl.ds(k * _LANES, _LANES)] = jnp.zeros(
                (_LANES,), jnp.float32)
        return carry
    lax.fori_loop(0, _CH, _zrow, 0)
    for i in range(_RPT // _CH):
        pltpu.sync_copy(row_a, agg_sh.at[pl.ds(s * _RPT + i * _CH, _CH)])

    plsc.subcore_barrier()

    def _gstart(j, buf, sem):
        pltpu.make_async_copy(table.at[idx_v.at[j]], buf, sem).start()

    def _gwait(j, buf, sem):
        pltpu.make_async_copy(table.at[idx_v.at[j]], buf, sem).wait()

    for half in range(2):
        hbase = base + half * _HALF
        pltpu.sync_copy(srcs.at[pl.ds(hbase, _HALF)], idx_v)
        pltpu.sync_copy(etys.at[pl.ds(hbase, _HALF)], ety_v)
        pltpu.sync_copy(dsts.at[pl.ds(hbase, _HALF)], dst_v)

        def _idxrow(j, carry):
            for k in range(_CH // _LANES):
                sl = (j, pl.ds(k * _LANES, _LANES))
                idx_v[sl] = ety_v[sl] * _N + idx_v[sl]
            return carry
        lax.fori_loop(0, _HALF, _idxrow, 0)

        _gstart(0, row_a, sem_a)

        def _pair(i, carry):
            j0 = 2 * i
            j1 = j0 + 1
            _gwait(j0, row_a, sem_a)
            _gstart(j1, row_b, sem_b)
            pltpu.sync_copy(row_a, agg_sh.at[dst_v.at[j0]], add=True)
            _gwait(j1, row_b, sem_b)

            @pl.when(j0 + 2 < _HALF)
            def _():
                _gstart(j0 + 2, row_a, sem_a)

            pltpu.sync_copy(row_b, agg_sh.at[dst_v.at[j1]], add=True)
            return carry

        lax.fori_loop(0, _HALF // 2, _pair, 0)

    plsc.subcore_barrier()

    pltpu.sync_copy(agg_sh.at[pl.ds(s * _RPT, _RPT)],
                    out.at[c, pl.ds(s * _RPT, _RPT)])


_sc_gather_scatter = functools.partial(
    pl.kernel,
    out_type=jax.ShapeDtypeStruct((_NC, _NPAD, _D), jnp.float32),
    mesh=plsc.VectorSubcoreMesh(core_axis_name="c", subcore_axis_name="s"),
    scratch_types=[
        pltpu.VMEM((_HALF, _CH), jnp.int32),
        pltpu.VMEM((_HALF, _CH), jnp.int32),
        pltpu.VMEM((_HALF, _CH), jnp.int32),
        pltpu.VMEM((_CH, _D), jnp.float32),
        pltpu.VMEM((_CH, _D), jnp.float32),
        pltpu.VMEM_SHARED((_NPAD, _D), jnp.float32),
        pltpu.SemaphoreType.DMA,
        pltpu.SemaphoreType.DMA,
    ],
)(_sc_gather_scatter_body)


_BN = 400
_NB = _N // _BN


def _mm_body(x_ref, w_ref, o_ref):
    o_ref[...] = jnp.dot(x_ref[...], w_ref[0],
                         preferred_element_type=jnp.float32)


def _mm_all(x, wall):
    return pl.pallas_call(
        _mm_body,
        grid=(_R + 1,),
        in_specs=[
            pl.BlockSpec((_N, _D), lambda r: (0, 0)),
            pl.BlockSpec((1, _D, _D), lambda r: (r, 0, 0)),
        ],
        out_specs=pl.BlockSpec((_N, _D), lambda r: (r, 0)),
        out_shape=jax.ShapeDtypeStruct(((_R + 1) * _N, _D), jnp.float32),
    )(x, wall)


def _epi_body(a_ref, xw_ref, b_ref, o_ref, *, act):
    h = a_ref[0] + a_ref[1] + xw_ref[...] + b_ref[...]
    o_ref[...] = jnp.maximum(h, 0.0) if act else h


def _epilogue(aggs, xwall, b, act):
    return pl.pallas_call(
        functools.partial(_epi_body, act=act),
        grid=(_NB,),
        in_specs=[
            pl.BlockSpec((_NC, _BN, _D), lambda j: (0, j, 0)),
            pl.BlockSpec((_BN, _D), lambda j: (_R * _NB + j, 0)),
            pl.BlockSpec((1, _D), lambda j: (0, 0)),
        ],
        out_specs=pl.BlockSpec((_BN, _D), lambda j: (j, 0)),
        out_shape=jax.ShapeDtypeStruct((_N, _D), jnp.float32),
    )(aggs, xwall, b.reshape(1, _D))


def _layer(x, wall, b, srcs, etys, dsts, act):
    table = _mm_all(x, wall)
    aggs = _sc_gather_scatter(table, srcs, etys, dsts)
    return _epilogue(aggs, table, b, act)


def kernel(feats, edge_index, etype, W1, Wloop1, b1, W2, Wloop2, b2):
    src = edge_index[0]
    dst = edge_index[1]
    pad = _EP - _E
    zpad = jnp.zeros((pad,), jnp.int32)
    spad = jnp.arange(pad, dtype=jnp.int32) % _N
    dpad = _N + (jnp.arange(pad, dtype=jnp.int32) % (_NPAD - _N))
    srcs = jnp.concatenate([src, spad]).reshape(_NROWS, _CH)
    etys = jnp.concatenate([etype, zpad]).reshape(_NROWS, _CH)
    dsts = jnp.concatenate([dst, dpad]).reshape(_NROWS, _CH)
    wall1 = jnp.concatenate([W1, Wloop1[None]], axis=0)
    wall2 = jnp.concatenate([W2, Wloop2[None]], axis=0)
    h = _layer(feats, wall1, b1, srcs, etys, dsts, act=True)
    h = _layer(h, wall2, b2, srcs, etys, dsts, act=False)
    return h

# --- scband reference (transcript-rebuilt; emitter-appended) ---
"""Pipeline reference for scband-gcargcn-31284541784428 (READ-ONLY COPY).

The authoritative reference and input builder live on the scoring server;
editing this copy changes nothing except your own understanding.
"""

import jax, jax.numpy as jnp
import numpy as np

N = 10000
E = 320000
R = 8
D = 128

def setup_inputs(seed: int = 0) -> dict:
    key = jax.random.key(seed)
    ks = jax.random.split(key, 9)
    feats = jax.random.normal(ks[0], (N, D), dtype=jnp.float32)
    edge_index = jax.random.randint(ks[1], (2, E), 0, N, dtype=jnp.int32)
    etype = jax.random.randint(ks[2], (E,), 0, R, dtype=jnp.int32)
    # Layer 1 params (RelGraphConv, regularizer='none', self_loop=True, bias=True)
    W1 = jax.random.normal(ks[3], (R, D, D), dtype=jnp.float32) * 0.05
    Wloop1 = jax.random.normal(ks[4], (D, D), dtype=jnp.float32) * 0.05
    b1 = jnp.zeros((D,), dtype=jnp.float32)
    # Layer 2 params
    W2 = jax.random.normal(ks[5], (R, D, D), dtype=jnp.float32) * 0.05
    Wloop2 = jax.random.normal(ks[6], (D, D), dtype=jnp.float32) * 0.05
    b2 = jnp.zeros((D,), dtype=jnp.float32)
    return {"feats": feats, "edge_index": edge_index, "etype": etype,
            "W1": W1, "Wloop1": Wloop1, "b1": b1,
            "W2": W2, "Wloop2": Wloop2, "b2": b2}

def _rel_graph_conv(x, W, Wloop, b, src, dst, etype, activation):
    # DGL RelGraphConv (regularizer='none'): per-edge message m_e = x[src_e] @ W[etype_e]
    # Compute x @ W for all relations first (N*R*D), then gather per (src, etype).
    n = x.shape[0]
    r = W.shape[0]
    xW = jnp.einsum('ni,rio->nro', x, W)          # [N, R, D_out]
    flat = xW.reshape(n * r, xW.shape[-1])         # [N*R, D_out]
    msg = flat[src * r + etype]                    # gather: [E, D_out]
    agg = jax.ops.segment_sum(msg, dst, num_segments=n)  # scatter-add
    h = agg + x @ Wloop + b                        # self-loop + bias
    if activation:
        h = jax.nn.relu(h)
    return h  # dropout is identity in eval mode

def reference(feats, edge_index, etype, W1, Wloop1, b1, W2, Wloop2, b2):
    src = edge_index[0]
    dst = edge_index[1]
    h = _rel_graph_conv(feats, W1, Wloop1, b1, src, dst, etype, activation=True)
    # inter-layer dropout is identity in eval mode
    h = _rel_graph_conv(h, W2, Wloop2, b2, src, dst, etype, activation=False)
    return h

if __name__ == "__main__":
    import jax
    _d = setup_inputs()
    print(jax.jit(kernel)(*tuple(_d.values())))

</pallas_src>

<mosaic_0001>
#map = affine_map<(d0, d1) -> (0, 0)>
#map1 = affine_map<(d0, d1) -> (0, 0, 0)>
module attributes {stable_mosaic.version = 14 : i64} {
  func.func @_sc_gather_scatter_body(%arg0: i32, %arg1: i32, %arg2: memref<90000x128xf32, #tpu.memory_space<hbm>>, %arg3: memref<2560x128xi32, #tpu.memory_space<hbm>>, %arg4: memref<2560x128xi32, #tpu.memory_space<hbm>>, %arg5: memref<2560x128xi32, #tpu.memory_space<hbm>>, %arg6: memref<2x10240x128xf32, #tpu.memory_space<hbm>>, %arg7: memref<40x128xi32, #tpu.memory_space<vmem>>, %arg8: memref<40x128xi32, #tpu.memory_space<vmem>>, %arg9: memref<40x128xi32, #tpu.memory_space<vmem>>, %arg10: memref<128x128xf32, #tpu.memory_space<vmem>>, %arg11: memref<128x128xf32, #tpu.memory_space<vmem>>, %arg12: memref<10240x128xf32, #tpu.memory_space<vmem_shared>>, %arg13: memref<!tpu.dma_semaphore, #tpu.memory_space<semaphore_mem>>, %arg14: memref<!tpu.dma_semaphore, #tpu.memory_space<semaphore_mem>>) attributes {dimension_semantics = [#tpu.dimension_semantics<core_parallel>, #tpu.dimension_semantics<subcore_parallel>], iteration_bounds = array<i64: 2, 16>, scalar_prefetch = 0 : i64, scratch_operands = 8 : i64, tpu.core_type = #tpu.core_type<sc_vector_subcore>, window_params = [{transform_indices = #map}, {transform_indices = #map}, {transform_indices = #map}, {transform_indices = #map}, {transform_indices = #map1}]} {
    %mul3A = arith.constant 16 : i32
    %mul3A_0 = arith.muli %arg0, %mul3A : i32
    %add3A = arith.addi %mul3A_0, %arg1 : i32
    %mul3A_1 = arith.constant 80 : i32
    %mul3A_2 = arith.muli %add3A, %mul3A_1 : i32
    %scan3A = arith.constant 0 : i32
    %scan3A_3 = arith.constant 0 : i32
    %scan3A_4 = arith.constant 128 : i32
    %scan3A_5 = arith.addi %scan3A_3, %scan3A_4 : i32
    %scan3A_6 = arith.constant 1 : i32
    scf.for %scan3A_74 = %scan3A_3 to %scan3A_5 step %scan3A_6  : i32 {
      %broadcast_in_dim3A = arith.constant 0.000000e+00 : f32
      %broadcast_in_dim3A_75 = vector.broadcast %broadcast_in_dim3A : f32 to vector<16xf32>
      %swap3A = arith.index_cast %scan3A_74 : i32 to index
      %swap3A_76 = arith.constant 0 : index
      %swap3A_77 = tpu.vector_load %arg10[%swap3A, %swap3A_76] {strides = array<i32>} : memref<128x128xf32, #tpu.memory_space<vmem>>, vector<1x16xf32>,
      %swap3A_78 = vector.shape_cast %swap3A_77 : vector<1x16xf32> to vector<16xf32>
      %swap3A_79 = vector.shape_cast %broadcast_in_dim3A_75 : vector<16xf32> to vector<1x16xf32>
      tpu.vector_store %arg10[%swap3A, %swap3A_76], %swap3A_79 {strides = array<i32>} : memref<128x128xf32, #tpu.memory_space<vmem>>, vector<1x16xf32>,
      %broadcast_in_dim3A_80 = arith.constant 0.000000e+00 : f32
      %broadcast_in_dim3A_81 = vector.broadcast %broadcast_in_dim3A_80 : f32 to vector<16xf32>
      %swap3A_82 = arith.index_cast %scan3A_74 : i32 to index
      %swap3A_83 = arith.constant 16 : index
      %swap3A_84 = tpu.vector_load %arg10[%swap3A_82, %swap3A_83] {strides = array<i32>} : memref<128x128xf32, #tpu.memory_space<vmem>>, vector<1x16xf32>,
      %swap3A_85 = vector.shape_cast %swap3A_84 : vector<1x16xf32> to vector<16xf32>
      %swap3A_86 = vector.shape_cast %broadcast_in_dim3A_81 : vector<16xf32> to vector<1x16xf32>
      tpu.vector_store %arg10[%swap3A_82, %swap3A_83], %swap3A_86 {strides = array<i32>} : memref<128x128xf32, #tpu.memory_space<vmem>>, vector<1x16xf32>,
      %broadcast_in_dim3A_87 = arith.constant 0.000000e+00 : f32
      %broadcast_in_dim3A_88 = vector.broadcast %broadcast_in_dim3A_87 : f32 to vector<16xf32>
      %swap3A_89 = arith.index_cast %scan3A_74 : i32 to index
      %swap3A_90 = arith.constant 32 : index
      %swap3A_91 = tpu.vector_load %arg10[%swap3A_89, %swap3A_90] {strides = array<i32>} : memref<128x128xf32, #tpu.memory_space<vmem>>, vector<1x16xf32>,
      %swap3A_92 = vector.shape_cast %swap3A_91 : vector<1x16xf32> to vector<16xf32>
      %swap3A_93 = vector.shape_cast %broadcast_in_dim3A_88 : vector<16xf32> to vector<1x16xf32>
      tpu.vector_store %arg10[%swap3A_89, %swap3A_90], %swap3A_93 {strides = array<i32>} : memref<128x128xf32, #tpu.memory_space<vmem>>, vector<1x16xf32>,
      %broadcast_in_dim3A_94 = arith.constant 0.000000e+00 : f32
      %broadcast_in_dim3A_95 = vector.broadcast %broadcast_in_dim3A_94 : f32 to vector<16xf32>
      %swap3A_96 = arith.index_cast %scan3A_74 : i32 to index
      %swap3A_97 = arith.constant 48 : index
      %swap3A_98 = tpu.vector_load %arg10[%swap3A_96, %swap3A_97] {strides = array<i32>} : memref<128x128xf32, #tpu.memory_space<vmem>>, vector<1x16xf32>,
      %swap3A_99 = vector.shape_cast %swap3A_98 : vector<1x16xf32> to vector<16xf32>
      %swap3A_100 = vector.shape_cast %broadcast_in_dim3A_95 : vector<16xf32> to vector<1x16xf32>
      tpu.vector_store %arg10[%swap3A_96, %swap3A_97], %swap3A_100 {strides = array<i32>} : memref<128x128xf32, #tpu.memory_space<vmem>>, vector<1x16xf32>,
      %broadcast_in_dim3A_101 = arith.constant 0.000000e+00 : f32
      %broadcast_in_dim3A_102 = vector.broadcast %broadcast_in_dim3A_101 : f32 to vector<16xf32>
      %swap3A_103 = arith.index_cast %scan3A_74 : i32 to index
      %swap3A_104 = arith.constant 64 : index
      %swap3A_105 = tpu.vector_load %arg10[%swap3A_103, %swap3A_104] {strides = array<i32>} : memref<128x128xf32, #tpu.memory_space<vmem>>, vector<1x16xf32>,
      %swap3A_106 = vector.shape_cast %swap3A_105 : vector<1x16xf32> to vector<16xf32>
      %swap3A_107 = vector.shape_cast %broadcast_in_dim3A_102 : vector<16xf32> to vector<1x16xf32>
      tpu.vector_store %arg10[%swap3A_103, %swap3A_104], %swap3A_107 {strides = array<i32>} : memref<128x128xf32, #tpu.memory_space<vmem>>, vector<1x16xf32>,
      %broadcast_in_dim3A_108 = arith.constant 0.000000e+00 : f32
      %broadcast_in_dim3A_109 = vector.broadcast %broadcast_in_dim3A_108 : f32 to vector<16xf32>
      %swap3A_110 = arith.index_cast %scan3A_74 : i32 to index
      %swap3A_111 = arith.constant 80 : index
      %swap3A_112 = tpu.vector_load %arg10[%swap3A_110, %swap3A_111] {strides = array<i32>} : memref<128x128xf32, #tpu.memory_space<vmem>>, vector<1x16xf32>,
      %swap3A_113 = vector.shape_cast %swap3A_112 : vector<1x16xf32> to vector<16xf32>
      %swap3A_114 = vector.shape_cast %broadcast_in_dim3A_109 : vector<16xf32> to vector<1x16xf32>
      tpu.vector_store %arg10[%swap3A_110, %swap3A_111], %swap3A_114 {strides = array<i32>} : memref<128x128xf32, #tpu.memory_space<vmem>>, vector<1x16xf32>,
      %broadcast_in_dim3A_115 = arith.constant 0.000000e+00 : f32
      %broadcast_in_dim3A_116 = vector.broadcast %broadcast_in_dim3A_115 : f32 to vector<16xf32>
      %swap3A_117 = arith.index_cast %scan3A_74 : i32 to index
      %swap3A_118 = arith.constant 96 : index
      %swap3A_119 = tpu.vector_load %arg10[%swap3A_117, %swap3A_118] {strides = array<i32>} : memref<128x128xf32, #tpu.memory_space<vmem>>, vector<1x16xf32>,
      %swap3A_120 = vector.shape_cast %swap3A_119 : vector<1x16xf32> to vector<16xf32>
      %swap3A_121 = vector.shape_cast %broadcast_in_dim3A_116 : vector<16xf32> to vector<1x16xf32>
      tpu.vector_store %arg10[%swap3A_117, %swap3A_118], %swap3A_121 {strides = array<i32>} : memref<128x128xf32, #tpu.memory_space<vmem>>, vector<1x16xf32>,
      %broadcast_in_dim3A_122 = arith.constant 0.000000e+00 : f32
      %broadcast_in_dim3A_123 = vector.broadcast %broadcast_in_dim3A_122 : f32 to vector<16xf32>
      %swap3A_124 = arith.index_cast %scan3A_74 : i32 to index
      %swap3A_125 = arith.constant 112 : index
      %swap3A_126 = tpu.vector_load %arg10[%swap3A_124, %swap3A_125] {strides = array<i32>} : memref<128x128xf32, #tpu.memory_space<vmem>>, vector<1x16xf32>,
      %swap3A_127 = vector.shape_cast %swap3A_126 : vector<1x16xf32> to vector<16xf32>
      %swap3A_128 = vector.shape_cast %broadcast_in_dim3A_123 : vector<16xf32> to vector<1x16xf32>
      tpu.vector_store %arg10[%swap3A_124, %swap3A_125], %swap3A_128 {strides = array<i32>} : memref<128x128xf32, #tpu.memory_space<vmem>>, vector<1x16xf32>,
    }
    %scan3A_7 = arith.constant 128 : i32
    %mul3A_8 = arith.constant 640 : i32
    %mul3A_9 = arith.muli %arg1, %mul3A_8 : i32
    %add3A_10 = arith.constant 0 : i32
    %add3A_11 = arith.addi %mul3A_9, %add3A_10 : i32
    "tpu.region"() ({
      %run_scoped3A = tpu.sem_alloc : memref<!tpu.dma_semaphore, #tpu.memory_space<semaphore_mem>>
      %dma_start3A_74 = arith.constant 0 : i32
      %dma_start3A_75 = tpu.memref_slice %arg12[%add3A_11, %dma_start3A_74] : memref<10240x128xf32, #tpu.memory_space<vmem_shared>> -> memref<128x128xf32, #tpu.memory_space<vmem_shared>>
      %dma_start3A_76 = arith.constant 0 : i32
      %dma_start3A_77 = tpu.memref_slice %arg12[%add3A_11, %dma_start3A_76] : memref<10240x128xf32, #tpu.memory_space<vmem_shared>> -> memref<128x128xf32, #tpu.memory_space<vmem_shared>>
      tpu.enqueue_dma source(%arg10 : memref<128x128xf32, #tpu.memory_space<vmem>>) target(%dma_start3A_77 : memref<128x128xf32, #tpu.memory_space<vmem_shared>>) target_semaphore(%run_scoped3A : memref<!tpu.dma_semaphore, #tpu.memory_space<semaphore_mem>>)
      %dma_wait3A = arith.constant 0 : i32
      %dma_wait3A_78 = tpu.memref_slice %arg12[%add3A_11, %dma_wait3A] : memref<10240x128xf32, #tpu.memory_space<vmem_shared>> -> memref<128x128xf32, #tpu.memory_space<vmem_shared>>
      %dma_wait3A_79 = arith.constant 0 : i32
      %dma_wait3A_80 = tpu.memref_slice %arg12[%add3A_11, %dma_wait3A_79] : memref<10240x128xf32, #tpu.memory_space<vmem_shared>> -> memref<128x128xf32, #tpu.memory_space<vmem_shared>>
      tpu.wait_dma2 semaphore(%run_scoped3A : memref<!tpu.dma_semaphore, #tpu.memory_space<semaphore_mem>>) src(%arg10 : memref<128x128xf32, #tpu.memory_space<vmem>>) dst(%dma_wait3A_80 : memref<128x128xf32, #tpu.memory_space<vmem_shared>>)
      tpu.yield
    }) : () -> ()
    %mul3A_12 = arith.constant 640 : i32
    %mul3A_13 = arith.muli %arg1, %mul3A_12 : i32
    %add3A_14 = arith.constant 128 : i32
    %add3A_15 = arith.addi %mul3A_13, %add3A_14 : i32
    "tpu.region"() ({
      %run_scoped3A = tpu.sem_alloc : memref<!tpu.dma_semaphore, #tpu.memory_space<semaphore_mem>>
      %dma_start3A_74 = arith.constant 0 : i32
      %dma_start3A_75 = tpu.memref_slice %arg12[%add3A_15, %dma_start3A_74] : memref<10240x128xf32, #tpu.memory_space<vmem_shared>> -> memref<128x128xf32, #tpu.memory_space<vmem_shared>>
      %dma_start3A_76 = arith.constant 0 : i32
      %dma_start3A_77 = tpu.memref_slice %arg12[%add3A_15, %dma_start3A_76] : memref<10240x128xf32, #tpu.memory_space<vmem_shared>> -> memref<128x128xf32, #tpu.memory_space<vmem_shared>>
      tpu.enqueue_dma source(%arg10 : memref<128x128xf32, #tpu.memory_space<vmem>>) target(%dma_start3A_77 : memref<128x128xf32, #tpu.memory_space<vmem_shared>>) target_semaphore(%run_scoped3A : memref<!tpu.dma_semaphore, #tpu.memory_space<semaphore_mem>>)
      %dma_wait3A = arith.constant 0 : i32
      %dma_wait3A_78 = tpu.memref_slice %arg12[%add3A_15, %dma_wait3A] : memref<10240x128xf32, #tpu.memory_space<vmem_shared>> -> memref<128x128xf32, #tpu.memory_space<vmem_shared>>
      %dma_wait3A_79 = arith.constant 0 : i32
      %dma_wait3A_80 = tpu.memref_slice %arg12[%add3A_15, %dma_wait3A_79] : memref<10240x128xf32, #tpu.memory_space<vmem_shared>> -> memref<128x128xf32, #tpu.memory_space<vmem_shared>>
      tpu.wait_dma2 semaphore(%run_scoped3A : memref<!tpu.dma_semaphore, #tpu.memory_space<semaphore_mem>>) src(%arg10 : memref<128x128xf32, #tpu.memory_space<vmem>>) dst(%dma_wait3A_80 : memref<128x128xf32, #tpu.memory_space<vmem_shared>>)
      tpu.yield
    }) : () -> ()
    %mul3A_16 = arith.constant 640 : i32
    %mul3A_17 = arith.muli %arg1, %mul3A_16 : i32
    %add3A_18 = arith.constant 256 : i32
    %add3A_19 = arith.addi %mul3A_17, %add3A_18 : i32
    "tpu.region"() ({
      %run_scoped3A = tpu.sem_alloc : memref<!tpu.dma_semaphore, #tpu.memory_space<semaphore_mem>>
      %dma_start3A_74 = arith.constant 0 : i32
      %dma_start3A_75 = tpu.memref_slice %arg12[%add3A_19, %dma_start3A_74] : memref<10240x128xf32, #tpu.memory_space<vmem_shared>> -> memref<128x128xf32, #tpu.memory_space<vmem_shared>>
      %dma_start3A_76 = arith.constant 0 : i32
      %dma_start3A_77 = tpu.memref_slice %arg12[%add3A_19, %dma_start3A_76] : memref<10240x128xf32, #tpu.memory_space<vmem_shared>> -> memref<128x128xf32, #tpu.memory_space<vmem_shared>>
      tpu.enqueue_dma source(%arg10 : memref<128x128xf32, #tpu.memory_space<vmem>>) target(%dma_start3A_77 : memref<128x128xf32, #tpu.memory_space<vmem_shared>>) target_semaphore(%run_scoped3A : memref<!tpu.dma_semaphore, #tpu.memory_space<semaphore_mem>>)
      %dma_wait3A = arith.constant 0 : i32
      %dma_wait3A_78 = tpu.memref_slice %arg12[%add3A_19, %dma_wait3A] : memref<10240x128xf32, #tpu.memory_space<vmem_shared>> -> memref<128x128xf32, #tpu.memory_space<vmem_shared>>
      %dma_wait3A_79 = arith.constant 0 : i32
      %dma_wait3A_80 = tpu.memref_slice %arg12[%add3A_19, %dma_wait3A_79] : memref<10240x128xf32, #tpu.memory_space<vmem_shared>> -> memref<128x128xf32, #tpu.memory_space<vmem_shared>>
      tpu.wait_dma2 semaphore(%run_scoped3A : memref<!tpu.dma_semaphore, #tpu.memory_space<semaphore_mem>>) src(%arg10 : memref<128x128xf32, #tpu.memory_space<vmem>>) dst(%dma_wait3A_80 : memref<128x128xf32, #tpu.memory_space<vmem_shared>>)
      tpu.yield
    }) : () -> ()
    %mul3A_20 = arith.constant 640 : i32
    %mul3A_21 = arith.muli %arg1, %mul3A_20 : i32
    %add3A_22 = arith.constant 384 : i32
    %add3A_23 = arith.addi %mul3A_21, %add3A_22 : i32
    "tpu.region"() ({
      %run_scoped3A = tpu.sem_alloc : memref<!tpu.dma_semaphore, #tpu.memory_space<semaphore_mem>>
      %dma_start3A_74 = arith.constant 0 : i32
      %dma_start3A_75 = tpu.memref_slice %arg12[%add3A_23, %dma_start3A_74] : memref<10240x128xf32, #tpu.memory_space<vmem_shared>> -> memref<128x128xf32, #tpu.memory_space<vmem_shared>>
      %dma_start3A_76 = arith.constant 0 : i32
      %dma_start3A_77 = tpu.memref_slice %arg12[%add3A_23, %dma_start3A_76] : memref<10240x128xf32, #tpu.memory_space<vmem_shared>> -> memref<128x128xf32, #tpu.memory_space<vmem_shared>>
      tpu.enqueue_dma source(%arg10 : memref<128x128xf32, #tpu.memory_space<vmem>>) target(%dma_start3A_77 : memref<128x128xf32, #tpu.memory_space<vmem_shared>>) target_semaphore(%run_scoped3A : memref<!tpu.dma_semaphore, #tpu.memory_space<semaphore_mem>>)
      %dma_wait3A = arith.constant 0 : i32
      %dma_wait3A_78 = tpu.memref_slice %arg12[%add3A_23, %dma_wait3A] : memref<10240x128xf32, #tpu.memory_space<vmem_shared>> -> memref<128x128xf32, #tpu.memory_space<vmem_shared>>
      %dma_wait3A_79 = arith.constant 0 : i32
      %dma_wait3A_80 = tpu.memref_slice %arg12[%add3A_23, %dma_wait3A_79] : memref<10240x128xf32, #tpu.memory_space<vmem_shared>> -> memref<128x128xf32, #tpu.memory_space<vmem_shared>>
      tpu.wait_dma2 semaphore(%run_scoped3A : memref<!tpu.dma_semaphore, #tpu.memory_space<semaphore_mem>>) src(%arg10 : memref<128x128xf32, #tpu.memory_space<vmem>>) dst(%dma_wait3A_80 : memref<128x128xf32, #tpu.memory_space<vmem_shared>>)
      tpu.yield
    }) : () -> ()
    %mul3A_24 = arith.constant 640 : i32
    %mul3A_25 = arith.muli %arg1, %mul3A_24 : i32
    %add3A_26 = arith.constant 512 : i32
    %add3A_27 = arith.addi %mul3A_25, %add3A_26 : i32
    "tpu.region"() ({
      %run_scoped3A = tpu.sem_alloc : memref<!tpu.dma_semaphore, #tpu.memory_space<semaphore_mem>>
      %dma_start3A_74 = arith.constant 0 : i32
      %dma_start3A_75 = tpu.memref_slice %arg12[%add3A_27, %dma_start3A_74] : memref<10240x128xf32, #tpu.memory_space<vmem_shared>> -> memref<128x128xf32, #tpu.memory_space<vmem_shared>>
      %dma_start3A_76 = arith.constant 0 : i32
      %dma_start3A_77 = tpu.memref_slice %arg12[%add3A_27, %dma_start3A_76] : memref<10240x128xf32, #tpu.memory_space<vmem_shared>> -> memref<128x128xf32, #tpu.memory_space<vmem_shared>>
      tpu.enqueue_dma source(%arg10 : memref<128x128xf32, #tpu.memory_space<vmem>>) target(%dma_start3A_77 : memref<128x128xf32, #tpu.memory_space<vmem_shared>>) target_semaphore(%run_scoped3A : memref<!tpu.dma_semaphore, #tpu.memory_space<semaphore_mem>>)
      %dma_wait3A = arith.constant 0 : i32
      %dma_wait3A_78 = tpu.memref_slice %arg12[%add3A_27, %dma_wait3A] : memref<10240x128xf32, #tpu.memory_space<vmem_shared>> -> memref<128x128xf32, #tpu.memory_space<vmem_shared>>
      %dma_wait3A_79 = arith.constant 0 : i32
      %dma_wait3A_80 = tpu.memref_slice %arg12[%add3A_27, %dma_wait3A_79] : memref<10240x128xf32, #tpu.memory_space<vmem_shared>> -> memref<128x128xf32, #tpu.memory_space<vmem_shared>>
      tpu.wait_dma2 semaphore(%run_scoped3A : memref<!tpu.dma_semaphore, #tpu.memory_space<semaphore_mem>>) src(%arg10 : memref<128x128xf32, #tpu.memory_space<vmem>>) dst(%dma_wait3A_80 : memref<128x128xf32, #tpu.memory_space<vmem_shared>>)
      tpu.yield
    }) : () -> ()
    %barrier3A = arith.constant 0 : index
    tpu.barrier barrier_id(%barrier3A)
    %add3A_28 = arith.constant 0 : i32
    %add3A_29 = arith.addi %mul3A_2, %add3A_28 : i32
    "tpu.region"() ({
      %run_scoped3A = tpu.sem_alloc : memref<!tpu.dma_semaphore, #tpu.memory_space<semaphore_mem>>
      %dma_start3A_74 = arith.constant 0 : i32
      %dma_start3A_75 = tpu.memref_slice %arg3[%add3A_29, %dma_start3A_74] : memref<2560x128xi32, #tpu.memory_space<hbm>> -> memref<40x128xi32, #tpu.memory_space<hbm>>
      %dma_start3A_76 = arith.constant 0 : i32
      %dma_start3A_77 = tpu.memref_slice %arg3[%add3A_29, %dma_start3A_76] : memref<2560x128xi32, #tpu.memory_space<hbm>> -> memref<40x128xi32, #tpu.memory_space<hbm>>
      tpu.enqueue_dma source(%dma_start3A_77 : memref<40x128xi32, #tpu.memory_space<hbm>>) target(%arg7 : memref<40x128xi32, #tpu.memory_space<vmem>>) target_semaphore(%run_scoped3A : memref<!tpu.dma_semaphore, #tpu.memory_space<semaphore_mem>>)
      %dma_wait3A = arith.constant 0 : i32
      %dma_wait3A_78 = tpu.memref_slice %arg3[%add3A_29, %dma_wait3A] : memref<2560x128xi32, #tpu.memory_space<hbm>> -> memref<40x128xi32, #tpu.memory_space<hbm>>
      %dma_wait3A_79 = arith.constant 0 : i32
      %dma_wait3A_80 = tpu.memref_slice %arg3[%add3A_29, %dma_wait3A_79] : memref<2560x128xi32, #tpu.memory_space<hbm>> -> memref<40x128xi32, #tpu.memory_space<hbm>>
      tpu.wait_dma2 semaphore(%run_scoped3A : memref<!tpu.dma_semaphore, #tpu.memory_space<semaphore_mem>>) src(%dma_wait3A_80 : memref<40x128xi32, #tpu.memory_space<hbm>>) dst(%arg7 : memref<40x128xi32, #tpu.memory_space<vmem>>)
      tpu.yield
    }) : () -> ()
    "tpu.region"() ({
      %run_scoped3A = tpu.sem_alloc : memref<!tpu.dma_semaphore, #tpu.memory_space<semaphore_mem>>
      %dma_start3A_74 = arith.constant 0 : i32
      %dma_start3A_75 = tpu.memref_slice %arg4[%add3A_29, %dma_start3A_74] : memref<2560x128xi32, #tpu.memory_space<hbm>> -> memref<40x128xi32, #tpu.memory_space<hbm>>
      %dma_start3A_76 = arith.constant 0 : i32
      %dma_start3A_77 = tpu.memref_slice %arg4[%add3A_29, %dma_start3A_76] : memref<2560x128xi32, #tpu.memory_space<hbm>> -> memref<40x128xi32, #tpu.memory_space<hbm>>
      tpu.enqueue_dma source(%dma_start3A_77 : memref<40x128xi32, #tpu.memory_space<hbm>>) target(%arg8 : memref<40x128xi32, #tpu.memory_space<vmem>>) target_semaphore(%run_scoped3A : memref<!tpu.dma_semaphore, #tpu.memory_space<semaphore_mem>>)
      %dma_wait3A = arith.constant 0 : i32
      %dma_wait3A_78 = tpu.memref_slice %arg4[%add3A_29, %dma_wait3A] : memref<2560x128xi32, #tpu.memory_space<hbm>> -> memref<40x128xi32, #tpu.memory_space<hbm>>
      %dma_wait3A_79 = arith.constant 0 : i32
      %dma_wait3A_80 = tpu.memref_slice %arg4[%add3A_29, %dma_wait3A_79] : memref<2560x128xi32, #tpu.memory_space<hbm>> -> memref<40x128xi32, #tpu.memory_space<hbm>>
      tpu.wait_dma2 semaphore(%run_scoped3A : memref<!tpu.dma_semaphore, #tpu.memory_space<semaphore_mem>>) src(%dma_wait3A_80 : memref<40x128xi32, #tpu.memory_space<hbm>>) dst(%arg8 : memref<40x128xi32, #tpu.memory_space<vmem>>)
      tpu.yield
    }) : () -> ()
    "tpu.region"() ({
      %run_scoped3A = tpu.sem_alloc : memref<!tpu.dma_semaphore, #tpu.memory_space<semaphore_mem>>
      %dma_start3A_74 = arith.constant 0 : i32
      %dma_start3A_75 = tpu.memref_slice %arg5[%add3A_29, %dma_start3A_74] : memref<2560x128xi32, #tpu.memory_space<hbm>> -> memref<40x128xi32, #tpu.memory_space<hbm>>
      %dma_start3A_76 = arith.constant 0 : i32
      %dma_start3A_77 = tpu.memref_slice %arg5[%add3A_29, %dma_start3A_76] : memref<2560x128xi32, #tpu.memory_space<hbm>> -> memref<40x128xi32, #tpu.memory_space<hbm>>
      tpu.enqueue_dma source(%dma_start3A_77 : memref<40x128xi32, #tpu.memory_space<hbm>>) target(%arg9 : memref<40x128xi32, #tpu.memory_space<vmem>>) target_semaphore(%run_scoped3A : memref<!tpu.dma_semaphore, #tpu.memory_space<semaphore_mem>>)
      %dma_wait3A = arith.constant 0 : i32
      %dma_wait3A_78 = tpu.memref_slice %arg5[%add3A_29, %dma_wait3A] : memref<2560x128xi32, #tpu.memory_space<hbm>> -> memref<40x128xi32, #tpu.memory_space<hbm>>
      %dma_wait3A_79 = arith.constant 0 : i32
      %dma_wait3A_80 = tpu.memref_slice %arg5[%add3A_29, %dma_wait3A_79] : memref<2560x128xi32, #tpu.memory_space<hbm>> -> memref<40x128xi32, #tpu.memory_space<hbm>>
      tpu.wait_dma2 semaphore(%run_scoped3A : memref<!tpu.dma_semaphore, #tpu.memory_space<semaphore_mem>>) src(%dma_wait3A_80 : memref<40x128xi32, #tpu.memory_space<hbm>>) dst(%arg9 : memref<40x128xi32, #tpu.memory_space<vmem>>)
      tpu.yield
    }) : () -> ()
    %scan3A_30 = arith.constant 0 : i32
    %scan3A_31 = arith.constant 0 : i32
    %scan3A_32 = arith.constant 40 : i32
    %scan3A_33 = arith.addi %scan3A_31, %scan3A_32 : i32
    %scan3A_34 = arith.constant 1 : i32
    scf.for %scan3A_74 = %scan3A_31 to %scan3A_33 step %scan3A_34  : i32 {
      %get3A = arith.index_cast %scan3A_74 : i32 to index
      %get3A_75 = arith.constant 0 : index
      %get3A_76 = tpu.vector_load %arg8[%get3A, %get3A_75] {strides = array<i32>} : memref<40x128xi32, #tpu.memory_space<vmem>>, vector<1x16xi32>,
      %get3A_77 = vector.shape_cast %get3A_76 : vector<1x16xi32> to vector<16xi32>
      %mul3A_78 = arith.constant 10000 : i32
      %mul3A_79 = vector.broadcast %mul3A_78 : i32 to vector<16xi32>
      %mul3A_80 = arith.muli %get3A_77, %mul3A_79 : vector<16xi32>
      %get3A_81 = arith.index_cast %scan3A_74 : i32 to index
      %get3A_82 = arith.constant 0 : index
      %get3A_83 = tpu.vector_load %arg7[%get3A_81, %get3A_82] {strides = array<i32>} : memref<40x128xi32, #tpu.memory_space<vmem>>, vector<1x16xi32>,
      %get3A_84 = vector.shape_cast %get3A_83 : vector<1x16xi32> to vector<16xi32>
      %add3A_85 = arith.addi %mul3A_80, %get3A_84 : vector<16xi32>
      %swap3A = arith.index_cast %scan3A_74 : i32 to index
      %swap3A_86 = arith.constant 0 : index
      %swap3A_87 = tpu.vector_load %arg7[%swap3A, %swap3A_86] {strides = array<i32>} : memref<40x128xi32, #tpu.memory_space<vmem>>, vector<1x16xi32>,
      %swap3A_88 = vector.shape_cast %swap3A_87 : vector<1x16xi32> to vector<16xi32>
      %swap3A_89 = vector.shape_cast %add3A_85 : vector<16xi32> to vector<1x16xi32>
      tpu.vector_store %arg7[%swap3A, %swap3A_86], %swap3A_89 {strides = array<i32>} : memref<40x128xi32, #tpu.memory_space<vmem>>, vector<1x16xi32>,
      %get3A_90 = arith.index_cast %scan3A_74 : i32 to index
      %get3A_91 = arith.constant 16 : index
      %get3A_92 = tpu.vector_load %arg8[%get3A_90, %get3A_91] {strides = array<i32>} : memref<40x128xi32, #tpu.memory_space<vmem>>, vector<1x16xi32>,
      %get3A_93 = vector.shape_cast %get3A_92 : vector<1x16xi32> to vector<16xi32>
      %mul3A_94 = arith.constant 10000 : i32
      %mul3A_95 = vector.broadcast %mul3A_94 : i32 to vector<16xi32>
      %mul3A_96 = arith.muli %get3A_93, %mul3A_95 : vector<16xi32>
      %get3A_97 = arith.index_cast %scan3A_74 : i32 to index
      %get3A_98 = arith.constant 16 : index
      %get3A_99 = tpu.vector_load %arg7[%get3A_97, %get3A_98] {strides = array<i32>} : memref<40x128xi32, #tpu.memory_space<vmem>>, vector<1x16xi32>,
      %get3A_100 = vector.shape_cast %get3A_99 : vector<1x16xi32> to vector<16xi32>
      %add3A_101 = arith.addi %mul3A_96, %get3A_100 : vector<16xi32>
      %swap3A_102 = arith.index_cast %scan3A_74 : i32 to index
      %swap3A_103 = arith.constant 16 : index
      %swap3A_104 = tpu.vector_load %arg7[%swap3A_102, %swap3A_103] {strides = array<i32>} : memref<40x128xi32, #tpu.memory_space<vmem>>, vector<1x16xi32>,
      %swap3A_105 = vector.shape_cast %swap3A_104 : vector<1x16xi32> to vector<16xi32>
      %swap3A_106 = vector.shape_cast %add3A_101 : vector<16xi32> to vector<1x16xi32>
      tpu.vector_store %arg7[%swap3A_102, %swap3A_103], %swap3A_106 {strides = array<i32>} : memref<40x128xi32, #tpu.memory_space<vmem>>, vector<1x16xi32>,
      %get3A_107 = arith.index_cast %scan3A_74 : i32 to index
      %get3A_108 = arith.constant 32 : index
      %get3A_109 = tpu.vector_load %arg8[%get3A_107, %get3A_108] {strides = array<i32>} : memref<40x128xi32, #tpu.memory_space<vmem>>, vector<1x16xi32>,
      %get3A_110 = vector.shape_cast %get3A_109 : vector<1x16xi32> to vector<16xi32>
      %mul3A_111 = arith.constant 10000 : i32
      %mul3A_112 = vector.broadcast %mul3A_111 : i32 to vector<16xi32>
      %mul3A_113 = arith.muli %get3A_110, %mul3A_112 : vector<16xi32>
      %get3A_114 = arith.index_cast %scan3A_74 : i32 to index
      %get3A_115 = arith.constant 32 : index
      %get3A_116 = tpu.vector_load %arg7[%get3A_114, %get3A_115] {strides = array<i32>} : memref<40x128xi32, #tpu.memory_space<vmem>>, vector<1x16xi32>,
      %get3A_117 = vector.shape_cast %get3A_116 : vector<1x16xi32> to vector<16xi32>
      %add3A_118 = arith.addi %mul3A_113, %get3A_117 : vector<16xi32>
      %swap3A_119 = arith.index_cast %scan3A_74 : i32 to index
      %swap3A_120 = arith.constant 32 : index
      %swap3A_121 = tpu.vector_load %arg7[%swap3A_119, %swap3A_120] {strides = array<i32>} : memref<40x128xi32, #tpu.memory_space<vmem>>, vector<1x16xi32>,
      %swap3A_122 = vector.shape_cast %swap3A_121 : vector<1x16xi32> to vector<16xi32>
      %swap3A_123 = vector.shape_cast %add3A_118 : vector<16xi32> to vector<1x16xi32>
      tpu.vector_store %arg7[%swap3A_119, %swap3A_120], %swap3A_123 {strides = array<i32>} : memref<40x128xi32, #tpu.memory_space<vmem>>, vector<1x16xi32>,
      %get3A_124 = arith.index_cast %scan3A_74 : i32 to index
      %get3A_125 = arith.constant 48 : index
      %get3A_126 = tpu.vector_load %arg8[%get3A_124, %get3A_125] {strides = array<i32>} : memref<40x128xi32, #tpu.memory_space<vmem>>, vector<1x16xi32>,
      %get3A_127 = vector.shape_cast %get3A_126 : vector<1x16xi32> to vector<16xi32>
      %mul3A_128 = arith.constant 10000 : i32
      %mul3A_129 = vector.broadcast %mul3A_128 : i32 to vector<16xi32>
      %mul3A_130 = arith.muli %get3A_127, %mul3A_129 : vector<16xi32>
      %get3A_131 = arith.index_cast %scan3A_74 : i32 to index
      %get3A_132 = arith.constant 48 : index
      %get3A_133 = tpu.vector_load %arg7[%get3A_131, %get3A_132] {strides = array<i32>} : memref<40x128xi32, #tpu.memory_space<vmem>>, vector<1x16xi32>,
      %get3A_134 = vector.shape_cast %get3A_133 : vector<1x16xi32> to vector<16xi32>
      %add3A_135 = arith.addi %mul3A_130, %get3A_134 : vector<16xi32>
      %swap3A_136 = arith.index_cast %scan3A_74 : i32 to index
      %swap3A_137 = arith.constant 48 : index
      %swap3A_138 = tpu.vector_load %arg7[%swap3A_136, %swap3A_137] {strides = array<i32>} : memref<40x128xi32, #tpu.memory_space<vmem>>, vector<1x16xi32>,
      %swap3A_139 = vector.shape_cast %swap3A_138 : vector<1x16xi32> to vector<16xi32>
      %swap3A_140 = vector.shape_cast %add3A_135 : vector<16xi32> to vector<1x16xi32>
      tpu.vector_store %arg7[%swap3A_136, %swap3A_137], %swap3A_140 {strides = array<i32>} : memref<40x128xi32, #tpu.memory_space<vmem>>, vector<1x16xi32>,
      %get3A_141 = arith.index_cast %scan3A_74 : i32 to index
      %get3A_142 = arith.constant 64 : index
      %get3A_143 = tpu.vector_load %arg8[%get3A_141, %get3A_142] {strides = array<i32>} : memref<40x128xi32, #tpu.memory_space<vmem>>, vector<1x16xi32>,
      %get3A_144 = vector.shape_cast %get3A_143 : vector<1x16xi32> to vector<16xi32>
      %mul3A_145 = arith.constant 10000 : i32
      %mul3A_146 = vector.broadcast %mul3A_145 : i32 to vector<16xi32>
      %mul3A_147 = arith.muli %get3A_144, %mul3A_146 : vector<16xi32>
      %get3A_148 = arith.index_cast %scan3A_74 : i32 to index
      %get3A_149 = arith.constant 64 : index
      %get3A_150 = tpu.vector_load %arg7[%get3A_148, %get3A_149] {strides = array<i32>} : memref<40x128xi32, #tpu.memory_space<vmem>>, vector<1x16xi32>,
      %get3A_151 = vector.shape_cast %get3A_150 : vector<1x16xi32> to vector<16xi32>
      %add3A_152 = arith.addi %mul3A_147, %get3A_151 : vector<16xi32>
      %swap3A_153 = arith.index_cast %scan3A_74 : i32 to index
      %swap3A_154 = arith.constant 64 : index
      %swap3A_155 = tpu.vector_load %arg7[%swap3A_153, %swap3A_154] {strides = array<i32>} : memref<40x128xi32, #tpu.memory_space<vmem>>, vector<1x16xi32>,
      %swap3A_156 = vector.shape_cast %swap3A_155 : vector<1x16xi32> to vector<16xi32>
      %swap3A_157 = vector.shape_cast %add3A_152 : vector<16xi32> to vector<1x16xi32>
      tpu.vector_store %arg7[%swap3A_153, %swap3A_154], %swap3A_157 {strides = array<i32>} : memref<40x128xi32, #tpu.memory_space<vmem>>, vector<1x16xi32>,
      %get3A_158 = arith.index_cast %scan3A_74 : i32 to index
      %get3A_159 = arith.constant 80 : index
      %get3A_160 = tpu.vector_load %arg8[%get3A_158, %get3A_159] {strides = array<i32>} : memref<40x128xi32, #tpu.memory_space<vmem>>, vector<1x16xi32>,
      %get3A_161 = vector.shape_cast %get3A_160 : vector<1x16xi32> to vector<16xi32>
      %mul3A_162 = arith.constant 10000 : i32
      %mul3A_163 = vector.broadcast %mul3A_162 : i32 to vector<16xi32>
      %mul3A_164 = arith.muli %get3A_161, %mul3A_163 : vector<16xi32>
      %get3A_165 = arith.index_cast %scan3A_74 : i32 to index
      %get3A_166 = arith.constant 80 : index
      %get3A_167 = tpu.vector_load %arg7[%get3A_165, %get3A_166] {strides = array<i32>} : memref<40x128xi32, #tpu.memory_space<vmem>>, vector<1x16xi32>,
      %get3A_168 = vector.shape_cast %get3A_167 : vector<1x16xi32> to vector<16xi32>
      %add3A_169 = arith.addi %mul3A_164, %get3A_168 : vector<16xi32>
      %swap3A_170 = arith.index_cast %scan3A_74 : i32 to index
      %swap3A_171 = arith.constant 80 : index
      %swap3A_172 = tpu.vector_load %arg7[%swap3A_170, %swap3A_171] {strides = array<i32>} : memref<40x128xi32, #tpu.memory_space<vmem>>, vector<1x16xi32>,
      %swap3A_173 = vector.shape_cast %swap3A_172 : vector<1x16xi32> to vector<16xi32>
      %swap3A_174 = vector.shape_cast %add3A_169 : vector<16xi32> to vector<1x16xi32>
      tpu.vector_store %arg7[%swap3A_170, %swap3A_171], %swap3A_174 {strides = array<i32>} : memref<40x128xi32, #tpu.memory_space<vmem>>, vector<1x16xi32>,
      %get3A_175 = arith.index_cast %scan3A_74 : i32 to index
      %get3A_176 = arith.constant 96 : index
      %get3A_177 = tpu.vector_load %arg8[%get3A_175, %get3A_176] {strides = array<i32>} : memref<40x128xi32, #tpu.memory_space<vmem>>, vector<1x16xi32>,
      %get3A_178 = vector.shape_cast %get3A_177 : vector<1x16xi32> to vector<16xi32>
      %mul3A_179 = arith.constant 10000 : i32
      %mul3A_180 = vector.broadcast %mul3A_179 : i32 to vector<16xi32>
      %mul3A_181 = arith.muli %get3A_178, %mul3A_180 : vector<16xi32>
      %get3A_182 = arith.index_cast %scan3A_74 : i32 to index
      %get3A_183 = arith.constant 96 : index
      %get3A_184 = tpu.vector_load %arg7[%get3A_182, %get3A_183] {strides = array<i32>} : memref<40x128xi32, #tpu.memory_space<vmem>>, vector<1x16xi32>,
      %get3A_185 = vector.shape_cast %get3A_184 : vector<1x16xi32> to vector<16xi32>
      %add3A_186 = arith.addi %mul3A_181, %get3A_185 : vector<16xi32>
      %swap3A_187 = arith.index_cast %scan3A_74 : i32 to index
      %swap3A_188 = arith.constant 96 : index
      %swap3A_189 = tpu.vector_load %arg7[%swap3A_187, %swap3A_188] {strides = array<i32>} : memref<40x128xi32, #tpu.memory_space<vmem>>, vector<1x16xi32>,
      %swap3A_190 = vector.shape_cast %swap3A_189 : vector<1x16xi32> to vector<16xi32>
      %swap3A_191 = vector.shape_cast %add3A_186 : vector<16xi32> to vector<1x16xi32>
      tpu.vector_store %arg7[%swap3A_187, %swap3A_188], %swap3A_191 {strides = array<i32>} : memref<40x128xi32, #tpu.memory_space<vmem>>, vector<1x16xi32>,
      %get3A_192 = arith.index_cast %scan3A_74 : i32 to index
      %get3A_193 = arith.constant 112 : index
      %get3A_194 = tpu.vector_load %arg8[%get3A_192, %get3A_193] {strides = array<i32>} : memref<40x128xi32, #tpu.memory_space<vmem>>, vector<1x16xi32>,
      %get3A_195 = vector.shape_cast %get3A_194 : vector<1x16xi32> to vector<16xi32>
      %mul3A_196 = arith.constant 10000 : i32
      %mul3A_197 = vector.broadcast %mul3A_196 : i32 to vector<16xi32>
      %mul3A_198 = arith.muli %get3A_195, %mul3A_197 : vector<16xi32>
      %get3A_199 = arith.index_cast %scan3A_74 : i32 to index
      %get3A_200 = arith.constant 112 : index
      %get3A_201 = tpu.vector_load %arg7[%get3A_199, %get3A_200] {strides = array<i32>} : memref<40x128xi32, #tpu.memory_space<vmem>>, vector<1x16xi32>,
      %get3A_202 = vector.shape_cast %get3A_201 : vector<1x16xi32> to vector<16xi32>
      %add3A_203 = arith.addi %mul3A_198, %get3A_202 : vector<16xi32>
      %swap3A_204 = arith.index_cast %scan3A_74 : i32 to index
      %swap3A_205 = arith.constant 112 : index
      %swap3A_206 = tpu.vector_load %arg7[%swap3A_204, %swap3A_205] {strides = array<i32>} : memref<40x128xi32, #tpu.memory_space<vmem>>, vector<1x16xi32>,
      %swap3A_207 = vector.shape_cast %swap3A_206 : vector<1x16xi32> to vector<16xi32>
      %swap3A_208 = vector.shape_cast %add3A_203 : vector<16xi32> to vector<1x16xi32>
      tpu.vector_store %arg7[%swap3A_204, %swap3A_205], %swap3A_208 {strides = array<i32>} : memref<40x128xi32, #tpu.memory_space<vmem>>, vector<1x16xi32>,
    }
    %scan3A_35 = arith.constant 40 : i32
    %dma_start3A = arith.constant 0 : i32
    %dma_start3A_36 = arith.constant 0 : i32
    %dma_start3A_37 = tpu.memref_slice %arg7[%dma_start3A, %dma_start3A_36] : memref<40x128xi32, #tpu.memory_space<vmem>> -> memref<1x128xi32, #tpu.memory_space<vmem>>
    %dma_start3A_38 = tpu.memref_squeeze %dma_start3A_37 : memref<1x128xi32, #tpu.memory_space<vmem>> -> memref<128xi32, #tpu.memory_space<vmem>>
    %dma_start3A_39 = arith.constant 0 : i32
    %dma_start3A_40 = arith.constant 0 : i32
    %dma_start3A_41 = tpu.memref_slice %arg2[%dma_start3A_39, %dma_start3A_40] : memref<90000x128xf32, #tpu.memory_space<hbm>> -> memref<90000x128xf32, #tpu.memory_space<hbm>>
    tpu.enqueue_indirect_dma source(%dma_start3A_41 : memref<90000x128xf32, #tpu.memory_space<hbm>>) target(%arg10 : memref<128x128xf32, #tpu.memory_space<vmem>>) offsets(%dma_start3A_38 : memref<128xi32, #tpu.memory_space<vmem>>) semaphore(%arg13 : memref<!tpu.dma_semaphore, #tpu.memory_space<semaphore_mem>>)
    %scan3A_42 = arith.constant 0 : i32
    %scan3A_43 = arith.constant 0 : i32
    %scan3A_44 = arith.constant 20 : i32
    %scan3A_45 = arith.addi %scan3A_43, %scan3A_44 : i32
    %scan3A_46 = arith.constant 1 : i32
    scf.for %scan3A_74 = %scan3A_43 to %scan3A_45 step %scan3A_46  : i32 {
      %mul3A_75 = arith.constant 2 : i32
      %mul3A_76 = arith.muli %mul3A_75, %scan3A_74 : i32
      %add3A_77 = arith.constant 1 : i32
      %add3A_78 = arith.addi %mul3A_76, %add3A_77 : i32
      %dma_wait3A = arith.constant 0 : i32
      %dma_wait3A_79 = tpu.memref_slice %arg7[%mul3A_76, %dma_wait3A] : memref<40x128xi32, #tpu.memory_space<vmem>> -> memref<1x128xi32, #tpu.memory_space<vmem>>
      %dma_wait3A_80 = tpu.memref_squeeze %dma_wait3A_79 : memref<1x128xi32, #tpu.memory_space<vmem>> -> memref<128xi32, #tpu.memory_space<vmem>>
      %dma_wait3A_81 = arith.constant 0 : i32
      %dma_wait3A_82 = arith.constant 0 : i32
      %dma_wait3A_83 = tpu.memref_slice %arg2[%dma_wait3A_81, %dma_wait3A_82] : memref<90000x128xf32, #tpu.memory_space<hbm>> -> memref<90000x128xf32, #tpu.memory_space<hbm>>
      tpu.wait_indirect_dma semaphore(%arg13 : memref<!tpu.dma_semaphore, #tpu.memory_space<semaphore_mem>>) src(%dma_wait3A_83 : memref<90000x128xf32, #tpu.memory_space<hbm>>) dst(%arg10 : memref<128x128xf32, #tpu.memory_space<vmem>>)
      %dma_start3A_84 = arith.constant 0 : i32
      %dma_start3A_85 = tpu.memref_slice %arg7[%add3A_78, %dma_start3A_84] : memref<40x128xi32, #tpu.memory_space<vmem>> -> memref<1x128xi32, #tpu.memory_space<vmem>>
      %dma_start3A_86 = tpu.memref_squeeze %dma_start3A_85 : memref<1x128xi32, #tpu.memory_space<vmem>> -> memref<128xi32, #tpu.memory_space<vmem>>
      %dma_start3A_87 = arith.constant 0 : i32
      %dma_start3A_88 = arith.constant 0 : i32
      %dma_start3A_89 = tpu.memref_slice %arg2[%dma_start3A_87, %dma_start3A_88] : memref<90000x128xf32, #tpu.memory_space<hbm>> -> memref<90000x128xf32, #tpu.memory_space<hbm>>
      tpu.enqueue_indirect_dma source(%dma_start3A_89 : memref<90000x128xf32, #tpu.memory_space<hbm>>) target(%arg11 : memref<128x128xf32, #tpu.memory_space<vmem>>) offsets(%dma_start3A_86 : memref<128xi32, #tpu.memory_space<vmem>>) semaphore(%arg14 : memref<!tpu.dma_semaphore, #tpu.memory_space<semaphore_mem>>)
      "tpu.region"() ({
        %run_scoped3A = tpu.sem_alloc : memref<!tpu.dma_semaphore, #tpu.memory_space<semaphore_mem>>
        %dma_start3A_100 = arith.constant 0 : i32
        %dma_start3A_101 = tpu.memref_slice %arg9[%mul3A_76, %dma_start3A_100] : memref<40x128xi32, #tpu.memory_space<vmem>> -> memref<1x128xi32, #tpu.memory_space<vmem>>
        %dma_start3A_102 = tpu.memref_squeeze %dma_start3A_101 : memref<1x128xi32, #tpu.memory_space<vmem>> -> memref<128xi32, #tpu.memory_space<vmem>>
        %dma_start3A_103 = arith.constant 0 : i32
        %dma_start3A_104 = arith.constant 0 : i32
        %dma_start3A_105 = tpu.memref_slice %arg12[%dma_start3A_103, %dma_start3A_104] : memref<10240x128xf32, #tpu.memory_space<vmem_shared>> -> memref<10240x128xf32, #tpu.memory_space<vmem_shared>>
        tpu.enqueue_indirect_dma source(%arg10 : memref<128x128xf32, #tpu.memory_space<vmem>>) target(%dma_start3A_105 : memref<10240x128xf32, #tpu.memory_space<vmem_shared>>) offsets(%dma_start3A_102 : memref<128xi32, #tpu.memory_space<vmem>>) semaphore(%run_scoped3A : memref<!tpu.dma_semaphore, #tpu.memory_space<semaphore_mem>>) {add = true}
        %dma_wait3A_106 = arith.constant 0 : i32
        %dma_wait3A_107 = tpu.memref_slice %arg9[%mul3A_76, %dma_wait3A_106] : memref<40x128xi32, #tpu.memory_space<vmem>> -> memref<1x128xi32, #tpu.memory_space<vmem>>
        %dma_wait3A_108 = tpu.memref_squeeze %dma_wait3A_107 : memref<1x128xi32, #tpu.memory_space<vmem>> -> memref<128xi32, #tpu.memory_space<vmem>>
        %dma_wait3A_109 = arith.constant 0 : i32
        %dma_wait3A_110 = arith.constant 0 : i32
        %dma_wait3A_111 = tpu.memref_slice %arg12[%dma_wait3A_109, %dma_wait3A_110] : memref<10240x128xf32, #tpu.memory_space<vmem_shared>> -> memref<10240x128xf32, #tpu.memory_space<vmem_shared>>
        tpu.wait_indirect_dma semaphore(%run_scoped3A : memref<!tpu.dma_semaphore, #tpu.memory_space<semaphore_mem>>) src(%arg10 : memref<128x128xf32, #tpu.memory_space<vmem>>) dst(%dma_wait3A_111 : memref<10240x128xf32, #tpu.memory_space<vmem_shared>>)
        tpu.yield
      }) : () -> ()
      %dma_wait3A_90 = arith.constant 0 : i32
      %dma_wait3A_91 = tpu.memref_slice %arg7[%add3A_78, %dma_wait3A_90] : memref<40x128xi32, #tpu.memory_space<vmem>> -> memref<1x128xi32, #tpu.memory_space<vmem>>
      %dma_wait3A_92 = tpu.memref_squeeze %dma_wait3A_91 : memref<1x128xi32, #tpu.memory_space<vmem>> -> memref<128xi32, #tpu.memory_space<vmem>>
      %dma_wait3A_93 = arith.constant 0 : i32
      %dma_wait3A_94 = arith.constant 0 : i32
      %dma_wait3A_95 = tpu.memref_slice %arg2[%dma_wait3A_93, %dma_wait3A_94] : memref<90000x128xf32, #tpu.memory_space<hbm>> -> memref<90000x128xf32, #tpu.memory_space<hbm>>
      tpu.wait_indirect_dma semaphore(%arg14 : memref<!tpu.dma_semaphore, #tpu.memory_space<semaphore_mem>>) src(%dma_wait3A_95 : memref<90000x128xf32, #tpu.memory_space<hbm>>) dst(%arg11 : memref<128x128xf32, #tpu.memory_space<vmem>>)
      %add3A_96 = arith.constant 2 : i32
      %add3A_97 = arith.addi %mul3A_76, %add3A_96 : i32
      %lt3A = arith.constant 40 : i32
      %lt3A_98 = arith.cmpi slt, %add3A_97, %lt3A : i32
      %convert_element_type3A = arith.extui %lt3A_98 : i1 to i32
      %cond3A = arith.constant 0 : i32
      %cond3A_99 = arith.cmpi ne, %convert_element_type3A, %cond3A : i32
      scf.if %cond3A_99 {
        %add3A_100 = arith.constant 2 : i32
        %add3A_101 = arith.addi %mul3A_76, %add3A_100 : i32
        %dma_start3A_102 = arith.constant 0 : i32
        %dma_start3A_103 = tpu.memref_slice %arg7[%add3A_101, %dma_start3A_102] : memref<40x128xi32, #tpu.memory_space<vmem>> -> memref<1x128xi32, #tpu.memory_space<vmem>>
        %dma_start3A_104 = tpu.memref_squeeze %dma_start3A_103 : memref<1x128xi32, #tpu.memory_space<vmem>> -> memref<128xi32, #tpu.memory_space<vmem>>
        %dma_start3A_105 = arith.constant 0 : i32
        %dma_start3A_106 = arith.constant 0 : i32
        %dma_start3A_107 = tpu.memref_slice %arg2[%dma_start3A_105, %dma_start3A_106] : memref<90000x128xf32, #tpu.memory_space<hbm>> -> memref<90000x128xf32, #tpu.memory_space<hbm>>
        tpu.enqueue_indirect_dma source(%dma_start3A_107 : memref<90000x128xf32, #tpu.memory_space<hbm>>) target(%arg10 : memref<128x128xf32, #tpu.memory_space<vmem>>) offsets(%dma_start3A_104 : memref<128xi32, #tpu.memory_space<vmem>>) semaphore(%arg13 : memref<!tpu.dma_semaphore, #tpu.memory_space<semaphore_mem>>)
      } else {
      }
      "tpu.region"() ({
        %run_scoped3A = tpu.sem_alloc : memref<!tpu.dma_semaphore, #tpu.memory_space<semaphore_mem>>
        %dma_start3A_100 = arith.constant 0 : i32
        %dma_start3A_101 = tpu.memref_slice %arg9[%add3A_78, %dma_start3A_100] : memref<40x128xi32, #tpu.memory_space<vmem>> -> memref<1x128xi32, #tpu.memory_space<vmem>>
        %dma_start3A_102 = tpu.memref_squeeze %dma_start3A_101 : memref<1x128xi32, #tpu.memory_space<vmem>> -> memref<128xi32, #tpu.memory_space<vmem>>
        %dma_start3A_103 = arith.constant 0 : i32
        %dma_start3A_104 = arith.constant 0 : i32
        %dma_start3A_105 = tpu.memref_slice %arg12[%dma_start3A_103, %dma_start3A_104] : memref<10240x128xf32, #tpu.memory_space<vmem_shared>> -> memref<10240x128xf32, #tpu.memory_space<vmem_shared>>
        tpu.enqueue_indirect_dma source(%arg11 : memref<128x128xf32, #tpu.memory_space<vmem>>) target(%dma_start3A_105 : memref<10240x128xf32, #tpu.memory_space<vmem_shared>>) offsets(%dma_start3A_102 : memref<128xi32, #tpu.memory_space<vmem>>) semaphore(%run_scoped3A : memref<!tpu.dma_semaphore, #tpu.memory_space<semaphore_mem>>) {add = true}
        %dma_wait3A_106 = arith.constant 0 : i32
        %dma_wait3A_107 = tpu.memref_slice %arg9[%add3A_78, %dma_wait3A_106] : memref<40x128xi32, #tpu.memory_space<vmem>> -> memref<1x128xi32, #tpu.memory_space<vmem>>
        %dma_wait3A_108 = tpu.memref_squeeze %dma_wait3A_107 : memref<1x128xi32, #tpu.memory_space<vmem>> -> memref<128xi32, #tpu.memory_space<vmem>>
        %dma_wait3A_109 = arith.constant 0 : i32
        %dma_wait3A_110 = arith.constant 0 : i32
        %dma_wait3A_111 = tpu.memref_slice %arg12[%dma_wait3A_109, %dma_wait3A_110] : memref<10240x128xf32, #tpu.memory_space<vmem_shared>> -> memref<10240x128xf32, #tpu.memory_space<vmem_shared>>
        tpu.wait_indirect_dma semaphore(%run_scoped3A : memref<!tpu.dma_semaphore, #tpu.memory_space<semaphore_mem>>) src(%arg11 : memref<128x128xf32, #tpu.memory_space<vmem>>) dst(%dma_wait3A_111 : memref<10240x128xf32, #tpu.memory_space<vmem_shared>>)
        tpu.yield
      }) : () -> ()
    }
    %scan3A_47 = arith.constant 20 : i32
    %add3A_48 = arith.constant 40 : i32
    %add3A_49 = arith.addi %mul3A_2, %add3A_48 : i32
    "tpu.region"() ({
      %run_scoped3A = tpu.sem_alloc : memref<!tpu.dma_semaphore, #tpu.memory_space<semaphore_mem>>
      %dma_start3A_74 = arith.constant 0 : i32
      %dma_start3A_75 = tpu.memref_slice %arg3[%add3A_49, %dma_start3A_74] : memref<2560x128xi32, #tpu.memory_space<hbm>> -> memref<40x128xi32, #tpu.memory_space<hbm>>
      %dma_start3A_76 = arith.constant 0 : i32
      %dma_start3A_77 = tpu.memref_slice %arg3[%add3A_49, %dma_start3A_76] : memref<2560x128xi32, #tpu.memory_space<hbm>> -> memref<40x128xi32, #tpu.memory_space<hbm>>
      tpu.enqueue_dma source(%dma_start3A_77 : memref<40x128xi32, #tpu.memory_space<hbm>>) target(%arg7 : memref<40x128xi32, #tpu.memory_space<vmem>>) target_semaphore(%run_scoped3A : memref<!tpu.dma_semaphore, #tpu.memory_space<semaphore_mem>>)
      %dma_wait3A = arith.constant 0 : i32
      %dma_wait3A_78 = tpu.memref_slice %arg3[%add3A_49, %dma_wait3A] : memref<2560x128xi32, #tpu.memory_space<hbm>> -> memref<40x128xi32, #tpu.memory_space<hbm>>
      %dma_wait3A_79 = arith.constant 0 : i32
      %dma_wait3A_80 = tpu.memref_slice %arg3[%add3A_49, %dma_wait3A_79] : memref<2560x128xi32, #tpu.memory_space<hbm>> -> memref<40x128xi32, #tpu.memory_space<hbm>>
      tpu.wait_dma2 semaphore(%run_scoped3A : memref<!tpu.dma_semaphore, #tpu.memory_space<semaphore_mem>>) src(%dma_wait3A_80 : memref<40x128xi32, #tpu.memory_space<hbm>>) dst(%arg7 : memref<40x128xi32, #tpu.memory_space<vmem>>)
      tpu.yield
    }) : () -> ()
    "tpu.region"() ({
      %run_scoped3A = tpu.sem_alloc : memref<!tpu.dma_semaphore, #tpu.memory_space<semaphore_mem>>
      %dma_start3A_74 = arith.constant 0 : i32
      %dma_start3A_75 = tpu.memref_slice %arg4[%add3A_49, %dma_start3A_74] : memref<2560x128xi32, #tpu.memory_space<hbm>> -> memref<40x128xi32, #tpu.memory_space<hbm>>
      %dma_start3A_76 = arith.constant 0 : i32
      %dma_start3A_77 = tpu.memref_slice %arg4[%add3A_49, %dma_start3A_76] : memref<2560x128xi32, #tpu.memory_space<hbm>> -> memref<40x128xi32, #tpu.memory_space<hbm>>
      tpu.enqueue_dma source(%dma_start3A_77 : memref<40x128xi32, #tpu.memory_space<hbm>>) target(%arg8 : memref<40x128xi32, #tpu.memory_space<vmem>>) target_semaphore(%run_scoped3A : memref<!tpu.dma_semaphore, #tpu.memory_space<semaphore_mem>>)
      %dma_wait3A = arith.constant 0 : i32
      %dma_wait3A_78 = tpu.memref_slice %arg4[%add3A_49, %dma_wait3A] : memref<2560x128xi32, #tpu.memory_space<hbm>> -> memref<40x128xi32, #tpu.memory_space<hbm>>
      %dma_wait3A_79 = arith.constant 0 : i32
      %dma_wait3A_80 = tpu.memref_slice %arg4[%add3A_49, %dma_wait3A_79] : memref<2560x128xi32, #tpu.memory_space<hbm>> -> memref<40x128xi32, #tpu.memory_space<hbm>>
      tpu.wait_dma2 semaphore(%run_scoped3A : memref<!tpu.dma_semaphore, #tpu.memory_space<semaphore_mem>>) src(%dma_wait3A_80 : memref<40x128xi32, #tpu.memory_space<hbm>>) dst(%arg8 : memref<40x128xi32, #tpu.memory_space<vmem>>)
      tpu.yield
    }) : () -> ()
    "tpu.region"() ({
      %run_scoped3A = tpu.sem_alloc : memref<!tpu.dma_semaphore, #tpu.memory_space<semaphore_mem>>
      %dma_start3A_74 = arith.constant 0 : i32
      %dma_start3A_75 = tpu.memref_slice %arg5[%add3A_49, %dma_start3A_74] : memref<2560x128xi32, #tpu.memory_space<hbm>> -> memref<40x128xi32, #tpu.memory_space<hbm>>
      %dma_start3A_76 = arith.constant 0 : i32
      %dma_start3A_77 = tpu.memref_slice %arg5[%add3A_49, %dma_start3A_76] : memref<2560x128xi32, #tpu.memory_space<hbm>> -> memref<40x128xi32, #tpu.memory_space<hbm>>
      tpu.enqueue_dma source(%dma_start3A_77 : memref<40x128xi32, #tpu.memory_space<hbm>>) target(%arg9 : memref<40x128xi32, #tpu.memory_space<vmem>>) target_semaphore(%run_scoped3A : memref<!tpu.dma_semaphore, #tpu.memory_space<semaphore_mem>>)
      %dma_wait3A = arith.constant 0 : i32
      %dma_wait3A_78 = tpu.memref_slice %arg5[%add3A_49, %dma_wait3A] : memref<2560x128xi32, #tpu.memory_space<hbm>> -> memref<40x128xi32, #tpu.memory_space<hbm>>
      %dma_wait3A_79 = arith.constant 0 : i32
      %dma_wait3A_80 = tpu.memref_slice %arg5[%add3A_49, %dma_wait3A_79] : memref<2560x128xi32, #tpu.memory_space<hbm>> -> memref<40x128xi32, #tpu.memory_space<hbm>>
      tpu.wait_dma2 semaphore(%run_scoped3A : memref<!tpu.dma_semaphore, #tpu.memory_space<semaphore_mem>>) src(%dma_wait3A_80 : memref<40x128xi32, #tpu.memory_space<hbm>>) dst(%arg9 : memref<40x128xi32, #tpu.memory_space<vmem>>)
      tpu.yield
    }) : () -> ()
    %scan3A_50 = arith.constant 0 : i32
    %scan3A_51 = arith.constant 0 : i32
    %scan3A_52 = arith.constant 40 : i32
    %scan3A_53 = arith.addi %scan3A_51, %scan3A_52 : i32
    %scan3A_54 = arith.constant 1 : i32
    scf.for %scan3A_74 = %scan3A_51 to %scan3A_53 step %scan3A_54  : i32 {
      %get3A = arith.index_cast %scan3A_74 : i32 to index
      %get3A_75 = arith.constant 0 : index
      %get3A_76 = tpu.vector_load %arg8[%get3A, %get3A_75] {strides = array<i32>} : memref<40x128xi32, #tpu.memory_space<vmem>>, vector<1x16xi32>,
      %get3A_77 = vector.shape_cast %get3A_76 : vector<1x16xi32> to vector<16xi32>
      %mul3A_78 = arith.constant 10000 : i32
      %mul3A_79 = vector.broadcast %mul3A_78 : i32 to vector<16xi32>
      %mul3A_80 = arith.muli %get3A_77, %mul3A_79 : vector<16xi32>
      %get3A_81 = arith.index_cast %scan3A_74 : i32 to index
      %get3A_82 = arith.constant 0 : index
      %get3A_83 = tpu.vector_load %arg7[%get3A_81, %get3A_82] {strides = array<i32>} : memref<40x128xi32, #tpu.memory_space<vmem>>, vector<1x16xi32>,
      %get3A_84 = vector.shape_cast %get3A_83 : vector<1x16xi32> to vector<16xi32>
      %add3A_85 = arith.addi %mul3A_80, %get3A_84 : vector<16xi32>
      %swap3A = arith.index_cast %scan3A_74 : i32 to index
      %swap3A_86 = arith.constant 0 : index
      %swap3A_87 = tpu.vector_load %arg7[%swap3A, %swap3A_86] {strides = array<i32>} : memref<40x128xi32, #tpu.memory_space<vmem>>, vector<1x16xi32>,
      %swap3A_88 = vector.shape_cast %swap3A_87 : vector<1x16xi32> to vector<16xi32>
      %swap3A_89 = vector.shape_cast %add3A_85 : vector<16xi32> to vector<1x16xi32>
      tpu.vector_store %arg7[%swap3A, %swap3A_86], %swap3A_89 {strides = array<i32>} : memref<40x128xi32, #tpu.memory_space<vmem>>, vector<1x16xi32>,
      %get3A_90 = arith.index_cast %scan3A_74 : i32 to index
      %get3A_91 = arith.constant 16 : index
      %get3A_92 = tpu.vector_load %arg8[%get3A_90, %get3A_91] {strides = array<i32>} : memref<40x128xi32, #tpu.memory_space<vmem>>, vector<1x16xi32>,
      %get3A_93 = vector.shape_cast %get3A_92 : vector<1x16xi32> to vector<16xi32>
      %mul3A_94 = arith.constant 10000 : i32
      %mul3A_95 = vector.broadcast %mul3A_94 : i32 to vector<16xi32>
      %mul3A_96 = arith.muli %get3A_93, %mul3A_95 : vector<16xi32>
      %get3A_97 = arith.index_cast %scan3A_74 : i32 to index
      %get3A_98 = arith.constant 16 : index
      %get3A_99 = tpu.vector_load %arg7[%get3A_97, %get3A_98] {strides = array<i32>} : memref<40x128xi32, #tpu.memory_space<vmem>>, vector<1x16xi32>,
      %get3A_100 = vector.shape_cast %get3A_99 : vector<1x16xi32> to vector<16xi32>
      %add3A_101 = arith.addi %mul3A_96, %get3A_100 : vector<16xi32>
      %swap3A_102 = arith.index_cast %scan3A_74 : i32 to index
      %swap3A_103 = arith.constant 16 : index
      %swap3A_104 = tpu.vector_load %arg7[%swap3A_102, %swap3A_103] {strides = array<i32>} : memref<40x128xi32, #tpu.memory_space<vmem>>, vector<1x16xi32>,
      %swap3A_105 = vector.shape_cast %swap3A_104 : vector<1x16xi32> to vector<16xi32>
      %swap3A_106 = vector.shape_cast %add3A_101 : vector<16xi32> to vector<1x16xi32>
      tpu.vector_store %arg7[%swap3A_102, %swap3A_103], %swap3A_106 {strides = array<i32>} : memref<40x128xi32, #tpu.memory_space<vmem>>, vector<1x16xi32>,
      %get3A_107 = arith.index_cast %scan3A_74 : i32 to index
      %get3A_108 = arith.constant 32 : index
      %get3A_109 = tpu.vector_load %arg8[%get3A_107, %get3A_108] {strides = array<i32>} : memref<40x128xi32, #tpu.memory_space<vmem>>, vector<1x16xi32>,
      %get3A_110 = vector.shape_cast %get3A_109 : vector<1x16xi32> to vector<16xi32>
      %mul3A_111 = arith.constant 10000 : i32
      %mul3A_112 = vector.broadcast %mul3A_111 : i32 to vector<16xi32>
      %mul3A_113 = arith.muli %get3A_110, %mul3A_112 : vector<16xi32>
      %get3A_114 = arith.index_cast %scan3A_74 : i32 to index
      %get3A_115 = arith.constant 32 : index
      %get3A_116 = tpu.vector_load %arg7[%get3A_114, %get3A_115] {strides = array<i32>} : memref<40x128xi32, #tpu.memory_space<vmem>>, vector<1x16xi32>,
      %get3A_117 = vector.shape_cast %get3A_116 : vector<1x16xi32> to vector<16xi32>
      %add3A_118 = arith.addi %mul3A_113, %get3A_117 : vector<16xi32>
      %swap3A_119 = arith.index_cast %scan3A_74 : i32 to index
      %swap3A_120 = arith.constant 32 : index
      %swap3A_121 = tpu.vector_load %arg7[%swap3A_119, %swap3A_120] {strides = array<i32>} : memref<40x128xi32, #tpu.memory_space<vmem>>, vector<1x16xi32>,
      %swap3A_122 = vector.shape_cast %swap3A_121 : vector<1x16xi32> to vector<16xi32>
      %swap3A_123 = vector.shape_cast %add3A_118 : vector<16xi32> to vector<1x16xi32>
      tpu.vector_store %arg7[%swap3A_119, %swap3A_120], %swap3A_123 {strides = array<i32>} : memref<40x128xi32, #tpu.memory_space<vmem>>, vector<1x16xi32>,
      %get3A_124 = arith.index_cast %scan3A_74 : i32 to index
      %get3A_125 = arith.constant 48 : index
      %get3A_126 = tpu.vector_load %arg8[%get3A_124, %get3A_125] {strides = array<i32>} : memref<40x128xi32, #tpu.memory_space<vmem>>, vector<1x16xi32>,
      %get3A_127 = vector.shape_cast %get3A_126 : vector<1x16xi32> to vector<16xi32>
      %mul3A_128 = arith.constant 10000 : i32
      %mul3A_129 = vector.broadcast %mul3A_128 : i32 to vector<16xi32>
      %mul3A_130 = arith.muli %get3A_127, %mul3A_129 : vector<16xi32>
      %get3A_131 = arith.index_cast %scan3A_74 : i32 to index
      %get3A_132 = arith.constant 48 : index
      %get3A_133 = tpu.vector_load %arg7[%get3A_131, %get3A_132] {strides = array<i32>} : memref<40x128xi32, #tpu.memory_space<vmem>>, vector<1x16xi32>,
      %get3A_134 = vector.shape_cast %get3A_133 : vector<1x16xi32> to vector<16xi32>
      %add3A_135 = arith.addi %mul3A_130, %get3A_134 : vector<16xi32>
      %swap3A_136 = arith.index_cast %scan3A_74 : i32 to index
      %swap3A_137 = arith.constant 48 : index
      %swap3A_138 = tpu.vector_load %arg7[%swap3A_136, %swap3A_137] {strides = array<i32>} : memref<40x128xi32, #tpu.memory_space<vmem>>, vector<1x16xi32>,
      %swap3A_139 = vector.shape_cast %swap3A_138 : vector<1x16xi32> to vector<16xi32>
      %swap3A_140 = vector.shape_cast %add3A_135 : vector<16xi32> to vector<1x16xi32>
      tpu.vector_store %arg7[%swap3A_136, %swap3A_137], %swap3A_140 {strides = array<i32>} : memref<40x128xi32, #tpu.memory_space<vmem>>, vector<1x16xi32>,
      %get3A_141 = arith.index_cast %scan3A_74 : i32 to index
      %get3A_142 = arith.constant 64 : index
      %get3A_143 = tpu.vector_load %arg8[%get3A_141, %get3A_142] {strides = array<i32>} : memref<40x128xi32, #tpu.memory_space<vmem>>, vector<1x16xi32>,
      %get3A_144 = vector.shape_cast %get3A_143 : vector<1x16xi32> to vector<16xi32>
      %mul3A_145 = arith.constant 10000 : i32
      %mul3A_146 = vector.broadcast %mul3A_145 : i32 to vector<16xi32>
      %mul3A_147 = arith.muli %get3A_144, %mul3A_146 : vector<16xi32>
      %get3A_148 = arith.index_cast %scan3A_74 : i32 to index
      %get3A_149 = arith.constant 64 : index
      %get3A_150 = tpu.vector_load %arg7[%get3A_148, %get3A_149] {strides = array<i32>} : memref<40x128xi32, #tpu.memory_space<vmem>>, vector<1x16xi32>,
      %get3A_151 = vector.shape_cast %get3A_150 : vector<1x16xi32> to vector<16xi32>
      %add3A_152 = arith.addi %mul3A_147, %get3A_151 : vector<16xi32>
      %swap3A_153 = arith.index_cast %scan3A_74 : i32 to index
      %swap3A_154 = arith.constant 64 : index
      %swap3A_155 = tpu.vector_load %arg7[%swap3A_153, %swap3A_154] {strides = array<i32>} : memref<40x128xi32, #tpu.memory_space<vmem>>, vector<1x16xi32>,
      %swap3A_156 = vector.shape_cast %swap3A_155 : vector<1x16xi32> to vector<16xi32>
      %swap3A_157 = vector.shape_cast %add3A_152 : vector<16xi32> to vector<1x16xi32>
      tpu.vector_store %arg7[%swap3A_153, %swap3A_154], %swap3A_157 {strides = array<i32>} : memref<40x128xi32, #tpu.memory_space<vmem>>, vector<1x16xi32>,
      %get3A_158 = arith.index_cast %scan3A_74 : i32 to index
      %get3A_159 = arith.constant 80 : index
      %get3A_160 = tpu.vector_load %arg8[%get3A_158, %get3A_159] {strides = array<i32>} : memref<40x128xi32, #tpu.memory_space<vmem>>, vector<1x16xi32>,
      %get3A_161 = vector.shape_cast %get3A_160 : vector<1x16xi32> to vector<16xi32>
      %mul3A_162 = arith.constant 10000 : i32
      %mul3A_163 = vector.broadcast %mul3A_162 : i32 to vector<16xi32>
      %mul3A_164 = arith.muli %get3A_161, %mul3A_163 : vector<16xi32>
      %get3A_165 = arith.index_cast %scan3A_74 : i32 to index
      %get3A_166 = arith.constant 80 : index
      %get3A_167 = tpu.vector_load %arg7[%get3A_165, %get3A_166] {strides = array<i32>} : memref<40x128xi32, #tpu.memory_space<vmem>>, vector<1x16xi32>,
      %get3A_168 = vector.shape_cast %get3A_167 : vector<1x16xi32> to vector<16xi32>
      %add3A_169 = arith.addi %mul3A_164, %get3A_168 : vector<16xi32>
      %swap3A_170 = arith.index_cast %scan3A_74 : i32 to index
      %swap3A_171 = arith.constant 80 : index
      %swap3A_172 = tpu.vector_load %arg7[%swap3A_170, %swap3A_171] {strides = array<i32>} : memref<40x128xi32, #tpu.memory_space<vmem>>, vector<1x16xi32>,
      %swap3A_173 = vector.shape_cast %swap3A_172 : vector<1x16xi32> to vector<16xi32>
      %swap3A_174 = vector.shape_cast %add3A_169 : vector<16xi32> to vector<1x16xi32>
      tpu.vector_store %arg7[%swap3A_170, %swap3A_171], %swap3A_174 {strides = array<i32>} : memref<40x128xi32, #tpu.memory_space<vmem>>, vector<1x16xi32>,
      %get3A_175 = arith.index_cast %scan3A_74 : i32 to index
      %get3A_176 = arith.constant 96 : index
      %get3A_177 = tpu.vector_load %arg8[%get3A_175, %get3A_176] {strides = array<i32>} : memref<40x128xi32, #tpu.memory_space<vmem>>, vector<1x16xi32>,
      %get3A_178 = vector.shape_cast %get3A_177 : vector<1x16xi32> to vector<16xi32>
      %mul3A_179 = arith.constant 10000 : i32
      %mul3A_180 = vector.broadcast %mul3A_179 : i32 to vector<16xi32>
      %mul3A_181 = arith.muli %get3A_178, %mul3A_180 : vector<16xi32>
      %get3A_182 = arith.index_cast %scan3A_74 : i32 to index
      %get3A_183 = arith.constant 96 : index
      %get3A_184 = tpu.vector_load %arg7[%get3A_182, %get3A_183] {strides = array<i32>} : memref<40x128xi32, #tpu.memory_space<vmem>>, vector<1x16xi32>,
      %get3A_185 = vector.shape_cast %get3A_184 : vector<1x16xi32> to vector<16xi32>
      %add3A_186 = arith.addi %mul3A_181, %get3A_185 : vector<16xi32>
      %swap3A_187 = arith.index_cast %scan3A_74 : i32 to index
      %swap3A_188 = arith.constant 96 : index
      %swap3A_189 = tpu.vector_load %arg7[%swap3A_187, %swap3A_188] {strides = array<i32>} : memref<40x128xi32, #tpu.memory_space<vmem>>, vector<1x16xi32>,
      %swap3A_190 = vector.shape_cast %swap3A_189 : vector<1x16xi32> to vector<16xi32>
      %swap3A_191 = vector.shape_cast %add3A_186 : vector<16xi32> to vector<1x16xi32>
      tpu.vector_store %arg7[%swap3A_187, %swap3A_188], %swap3A_191 {strides = array<i32>} : memref<40x128xi32, #tpu.memory_space<vmem>>, vector<1x16xi32>,
      %get3A_192 = arith.index_cast %scan3A_74 : i32 to index
      %get3A_193 = arith.constant 112 : index
      %get3A_194 = tpu.vector_load %arg8[%get3A_192, %get3A_193] {strides = array<i32>} : memref<40x128xi32, #tpu.memory_space<vmem>>, vector<1x16xi32>,
      %get3A_195 = vector.shape_cast %get3A_194 : vector<1x16xi32> to vector<16xi32>
      %mul3A_196 = arith.constant 10000 : i32
      %mul3A_197 = vector.broadcast %mul3A_196 : i32 to vector<16xi32>
      %mul3A_198 = arith.muli %get3A_195, %mul3A_197 : vector<16xi32>
      %get3A_199 = arith.index_cast %scan3A_74 : i32 to index
      %get3A_200 = arith.constant 112 : index
      %get3A_201 = tpu.vector_load %arg7[%get3A_199, %get3A_200] {strides = array<i32>} : memref<40x128xi32, #tpu.memory_space<vmem>>, vector<1x16xi32>,
      %get3A_202 = vector.shape_cast %get3A_201 : vector<1x16xi32> to vector<16xi32>
      %add3A_203 = arith.addi %mul3A_198, %get3A_202 : vector<16xi32>
      %swap3A_204 = arith.index_cast %scan3A_74 : i32 to index
      %swap3A_205 = arith.constant 112 : index
      %swap3A_206 = tpu.vector_load %arg7[%swap3A_204, %swap3A_205] {strides = array<i32>} : memref<40x128xi32, #tpu.memory_space<vmem>>, vector<1x16xi32>,
      %swap3A_207 = vector.shape_cast %swap3A_206 : vector<1x16xi32> to vector<16xi32>
      %swap3A_208 = vector.shape_cast %add3A_203 : vector<16xi32> to vector<1x16xi32>
      tpu.vector_store %arg7[%swap3A_204, %swap3A_205], %swap3A_208 {strides = array<i32>} : memref<40x128xi32, #tpu.memory_space<vmem>>, vector<1x16xi32>,
    }
    %scan3A_55 = arith.constant 40 : i32
    %dma_start3A_56 = arith.constant 0 : i32
    %dma_start3A_57 = arith.constant 0 : i32
    %dma_start3A_58 = tpu.memref_slice %arg7[%dma_start3A_56, %dma_start3A_57] : memref<40x128xi32, #tpu.memory_space<vmem>> -> memref<1x128xi32, #tpu.memory_space<vmem>>
    %dma_start3A_59 = tpu.memref_squeeze %dma_start3A_58 : memref<1x128xi32, #tpu.memory_space<vmem>> -> memref<128xi32, #tpu.memory_space<vmem>>
    %dma_start3A_60 = arith.constant 0 : i32
    %dma_start3A_61 = arith.constant 0 : i32
    %dma_start3A_62 = tpu.memref_slice %arg2[%dma_start3A_60, %dma_start3A_61] : memref<90000x128xf32, #tpu.memory_space<hbm>> -> memref<90000x128xf32, #tpu.memory_space<hbm>>
    tpu.enqueue_indirect_dma source(%dma_start3A_62 : memref<90000x128xf32, #tpu.memory_space<hbm>>) target(%arg10 : memref<128x128xf32, #tpu.memory_space<vmem>>) offsets(%dma_start3A_59 : memref<128xi32, #tpu.memory_space<vmem>>) semaphore(%arg13 : memref<!tpu.dma_semaphore, #tpu.memory_space<semaphore_mem>>)
    %scan3A_63 = arith.constant 0 : i32
    %scan3A_64 = arith.constant 0 : i32
    %scan3A_65 = arith.constant 20 : i32
    %scan3A_66 = arith.addi %scan3A_64, %scan3A_65 : i32
    %scan3A_67 = arith.constant 1 : i32
    scf.for %scan3A_74 = %scan3A_64 to %scan3A_66 step %scan3A_67  : i32 {
      %mul3A_75 = arith.constant 2 : i32
      %mul3A_76 = arith.muli %mul3A_75, %scan3A_74 : i32
      %add3A_77 = arith.constant 1 : i32
      %add3A_78 = arith.addi %mul3A_76, %add3A_77 : i32
      %dma_wait3A = arith.constant 0 : i32
      %dma_wait3A_79 = tpu.memref_slice %arg7[%mul3A_76, %dma_wait3A] : memref<40x128xi32, #tpu.memory_space<vmem>> -> memref<1x128xi32, #tpu.memory_space<vmem>>
      %dma_wait3A_80 = tpu.memref_squeeze %dma_wait3A_79 : memref<1x128xi32, #tpu.memory_space<vmem>> -> memref<128xi32, #tpu.memory_space<vmem>>
      %dma_wait3A_81 = arith.constant 0 : i32
      %dma_wait3A_82 = arith.constant 0 : i32
      %dma_wait3A_83 = tpu.memref_slice %arg2[%dma_wait3A_81, %dma_wait3A_82] : memref<90000x128xf32, #tpu.memory_space<hbm>> -> memref<90000x128xf32, #tpu.memory_space<hbm>>
      tpu.wait_indirect_dma semaphore(%arg13 : memref<!tpu.dma_semaphore, #tpu.memory_space<semaphore_mem>>) src(%dma_wait3A_83 : memref<90000x128xf32, #tpu.memory_space<hbm>>) dst(%arg10 : memref<128x128xf32, #tpu.memory_space<vmem>>)
      %dma_start3A_84 = arith.constant 0 : i32
      %dma_start3A_85 = tpu.memref_slice %arg7[%add3A_78, %dma_start3A_84] : memref<40x128xi32, #tpu.memory_space<vmem>> -> memref<1x128xi32, #tpu.memory_space<vmem>>
      %dma_start3A_86 = tpu.memref_squeeze %dma_start3A_85 : memref<1x128xi32, #tpu.memory_space<vmem>> -> memref<128xi32, #tpu.memory_space<vmem>>
      %dma_start3A_87 = arith.constant 0 : i32
      %dma_start3A_88 = arith.constant 0 : i32
      %dma_start3A_89 = tpu.memref_slice %arg2[%dma_start3A_87, %dma_start3A_88] : memref<90000x128xf32, #tpu.memory_space<hbm>> -> memref<90000x128xf32, #tpu.memory_space<hbm>>
      tpu.enqueue_indirect_dma source(%dma_start3A_89 : memref<90000x128xf32, #tpu.memory_space<hbm>>) target(%arg11 : memref<128x128xf32, #tpu.memory_space<vmem>>) offsets(%dma_start3A_86 : memref<128xi32, #tpu.memory_space<vmem>>) semaphore(%arg14 : memref<!tpu.dma_semaphore, #tpu.memory_space<semaphore_mem>>)
      "tpu.region"() ({
        %run_scoped3A = tpu.sem_alloc : memref<!tpu.dma_semaphore, #tpu.memory_space<semaphore_mem>>
        %dma_start3A_100 = arith.constant 0 : i32
        %dma_start3A_101 = tpu.memref_slice %arg9[%mul3A_76, %dma_start3A_100] : memref<40x128xi32, #tpu.memory_space<vmem>> -> memref<1x128xi32, #tpu.memory_space<vmem>>
        %dma_start3A_102 = tpu.memref_squeeze %dma_start3A_101 : memref<1x128xi32, #tpu.memory_space<vmem>> -> memref<128xi32, #tpu.memory_space<vmem>>
        %dma_start3A_103 = arith.constant 0 : i32
        %dma_start3A_104 = arith.constant 0 : i32
        %dma_start3A_105 = tpu.memref_slice %arg12[%dma_start3A_103, %dma_start3A_104] : memref<10240x128xf32, #tpu.memory_space<vmem_shared>> -> memref<10240x128xf32, #tpu.memory_space<vmem_shared>>
        tpu.enqueue_indirect_dma source(%arg10 : memref<128x128xf32, #tpu.memory_space<vmem>>) target(%dma_start3A_105 : memref<10240x128xf32, #tpu.memory_space<vmem_shared>>) offsets(%dma_start3A_102 : memref<128xi32, #tpu.memory_space<vmem>>) semaphore(%run_scoped3A : memref<!tpu.dma_semaphore, #tpu.memory_space<semaphore_mem>>) {add = true}
        %dma_wait3A_106 = arith.constant 0 : i32
        %dma_wait3A_107 = tpu.memref_slice %arg9[%mul3A_76, %dma_wait3A_106] : memref<40x128xi32, #tpu.memory_space<vmem>> -> memref<1x128xi32, #tpu.memory_space<vmem>>
        %dma_wait3A_108 = tpu.memref_squeeze %dma_wait3A_107 : memref<1x128xi32, #tpu.memory_space<vmem>> -> memref<128xi32, #tpu.memory_space<vmem>>
        %dma_wait3A_109 = arith.constant 0 : i32
        %dma_wait3A_110 = arith.constant 0 : i32
        %dma_wait3A_111 = tpu.memref_slice %arg12[%dma_wait3A_109, %dma_wait3A_110] : memref<10240x128xf32, #tpu.memory_space<vmem_shared>> -> memref<10240x128xf32, #tpu.memory_space<vmem_shared>>
        tpu.wait_indirect_dma semaphore(%run_scoped3A : memref<!tpu.dma_semaphore, #tpu.memory_space<semaphore_mem>>) src(%arg10 : memref<128x128xf32, #tpu.memory_space<vmem>>) dst(%dma_wait3A_111 : memref<10240x128xf32, #tpu.memory_space<vmem_shared>>)
        tpu.yield
      }) : () -> ()
      %dma_wait3A_90 = arith.constant 0 : i32
      %dma_wait3A_91 = tpu.memref_slice %arg7[%add3A_78, %dma_wait3A_90] : memref<40x128xi32, #tpu.memory_space<vmem>> -> memref<1x128xi32, #tpu.memory_space<vmem>>
      %dma_wait3A_92 = tpu.memref_squeeze %dma_wait3A_91 : memref<1x128xi32, #tpu.memory_space<vmem>> -> memref<128xi32, #tpu.memory_space<vmem>>
      %dma_wait3A_93 = arith.constant 0 : i32
      %dma_wait3A_94 = arith.constant 0 : i32
      %dma_wait3A_95 = tpu.memref_slice %arg2[%dma_wait3A_93, %dma_wait3A_94] : memref<90000x128xf32, #tpu.memory_space<hbm>> -> memref<90000x128xf32, #tpu.memory_space<hbm>>
      tpu.wait_indirect_dma semaphore(%arg14 : memref<!tpu.dma_semaphore, #tpu.memory_space<semaphore_mem>>) src(%dma_wait3A_95 : memref<90000x128xf32, #tpu.memory_space<hbm>>) dst(%arg11 : memref<128x128xf32, #tpu.memory_space<vmem>>)
      %add3A_96 = arith.constant 2 : i32
      %add3A_97 = arith.addi %mul3A_76, %add3A_96 : i32
      %lt3A = arith.constant 40 : i32
      %lt3A_98 = arith.cmpi slt, %add3A_97, %lt3A : i32
      %convert_element_type3A = arith.extui %lt3A_98 : i1 to i32
      %cond3A = arith.constant 0 : i32
      %cond3A_99 = arith.cmpi ne, %convert_element_type3A, %cond3A : i32
      scf.if %cond3A_99 {
        %add3A_100 = arith.constant 2 : i32
        %add3A_101 = arith.addi %mul3A_76, %add3A_100 : i32
        %dma_start3A_102 = arith.constant 0 : i32
        %dma_start3A_103 = tpu.memref_slice %arg7[%add3A_101, %dma_start3A_102] : memref<40x128xi32, #tpu.memory_space<vmem>> -> memref<1x128xi32, #tpu.memory_space<vmem>>
        %dma_start3A_104 = tpu.memref_squeeze %dma_start3A_103 : memref<1x128xi32, #tpu.memory_space<vmem>> -> memref<128xi32, #tpu.memory_space<vmem>>
        %dma_start3A_105 = arith.constant 0 : i32
        %dma_start3A_106 = arith.constant 0 : i32
        %dma_start3A_107 = tpu.memref_slice %arg2[%dma_start3A_105, %dma_start3A_106] : memref<90000x128xf32, #tpu.memory_space<hbm>> -> memref<90000x128xf32, #tpu.memory_space<hbm>>
        tpu.enqueue_indirect_dma source(%dma_start3A_107 : memref<90000x128xf32, #tpu.memory_space<hbm>>) target(%arg10 : memref<128x128xf32, #tpu.memory_space<vmem>>) offsets(%dma_start3A_104 : memref<128xi32, #tpu.memory_space<vmem>>) semaphore(%arg13 : memref<!tpu.dma_semaphore, #tpu.memory_space<semaphore_mem>>)
      } else {
      }
      "tpu.region"() ({
        %run_scoped3A = tpu.sem_alloc : memref<!tpu.dma_semaphore, #tpu.memory_space<semaphore_mem>>
        %dma_start3A_100 = arith.constant 0 : i32
        %dma_start3A_101 = tpu.memref_slice %arg9[%add3A_78, %dma_start3A_100] : memref<40x128xi32, #tpu.memory_space<vmem>> -> memref<1x128xi32, #tpu.memory_space<vmem>>
        %dma_start3A_102 = tpu.memref_squeeze %dma_start3A_101 : memref<1x128xi32, #tpu.memory_space<vmem>> -> memref<128xi32, #tpu.memory_space<vmem>>
        %dma_start3A_103 = arith.constant 0 : i32
        %dma_start3A_104 = arith.constant 0 : i32
        %dma_start3A_105 = tpu.memref_slice %arg12[%dma_start3A_103, %dma_start3A_104] : memref<10240x128xf32, #tpu.memory_space<vmem_shared>> -> memref<10240x128xf32, #tpu.memory_space<vmem_shared>>
        tpu.enqueue_indirect_dma source(%arg11 : memref<128x128xf32, #tpu.memory_space<vmem>>) target(%dma_start3A_105 : memref<10240x128xf32, #tpu.memory_space<vmem_shared>>) offsets(%dma_start3A_102 : memref<128xi32, #tpu.memory_space<vmem>>) semaphore(%run_scoped3A : memref<!tpu.dma_semaphore, #tpu.memory_space<semaphore_mem>>) {add = true}
        %dma_wait3A_106 = arith.constant 0 : i32
        %dma_wait3A_107 = tpu.memref_slice %arg9[%add3A_78, %dma_wait3A_106] : memref<40x128xi32, #tpu.memory_space<vmem>> -> memref<1x128xi32, #tpu.memory_space<vmem>>
        %dma_wait3A_108 = tpu.memref_squeeze %dma_wait3A_107 : memref<1x128xi32, #tpu.memory_space<vmem>> -> memref<128xi32, #tpu.memory_space<vmem>>
        %dma_wait3A_109 = arith.constant 0 : i32
        %dma_wait3A_110 = arith.constant 0 : i32
        %dma_wait3A_111 = tpu.memref_slice %arg12[%dma_wait3A_109, %dma_wait3A_110] : memref<10240x128xf32, #tpu.memory_space<vmem_shared>> -> memref<10240x128xf32, #tpu.memory_space<vmem_shared>>
        tpu.wait_indirect_dma semaphore(%run_scoped3A : memref<!tpu.dma_semaphore, #tpu.memory_space<semaphore_mem>>) src(%arg11 : memref<128x128xf32, #tpu.memory_space<vmem>>) dst(%dma_wait3A_111 : memref<10240x128xf32, #tpu.memory_space<vmem_shared>>)
        tpu.yield
      }) : () -> ()
    }
    %scan3A_68 = arith.constant 20 : i32
    %barrier3A_69 = arith.constant 0 : index
    tpu.barrier barrier_id(%barrier3A_69)
    %mul3A_70 = arith.constant 640 : i32
    %mul3A_71 = arith.muli %arg1, %mul3A_70 : i32
    %mul3A_72 = arith.constant 640 : i32
    %mul3A_73 = arith.muli %arg1, %mul3A_72 : i32
    "tpu.region"() ({
      %run_scoped3A = tpu.sem_alloc : memref<!tpu.dma_semaphore, #tpu.memory_space<semaphore_mem>>
      %dma_start3A_74 = arith.constant 0 : i32
      %dma_start3A_75 = tpu.memref_slice %arg6[%arg0, %mul3A_73, %dma_start3A_74] : memref<2x10240x128xf32, #tpu.memory_space<hbm>> -> memref<1x640x128xf32, #tpu.memory_space<hbm>>
      %dma_start3A_76 = tpu.memref_squeeze %dma_start3A_75 : memref<1x640x128xf32, #tpu.memory_space<hbm>> -> memref<640x128xf32, #tpu.memory_space<hbm>>
      %dma_start3A_77 = arith.constant 0 : i32
      %dma_start3A_78 = tpu.memref_slice %arg12[%mul3A_71, %dma_start3A_77] : memref<10240x128xf32, #tpu.memory_space<vmem_shared>> -> memref<640x128xf32, #tpu.memory_space<vmem_shared>>
      tpu.enqueue_dma source(%dma_start3A_78 : memref<640x128xf32, #tpu.memory_space<vmem_shared>>) target(%dma_start3A_76 : memref<640x128xf32, #tpu.memory_space<hbm>>) target_semaphore(%run_scoped3A : memref<!tpu.dma_semaphore, #tpu.memory_space<semaphore_mem>>)
      %dma_wait3A = arith.constant 0 : i32
      %dma_wait3A_79 = tpu.memref_slice %arg6[%arg0, %mul3A_73, %dma_wait3A] : memref<2x10240x128xf32, #tpu.memory_space<hbm>> -> memref<1x640x128xf32, #tpu.memory_space<hbm>>
      %dma_wait3A_80 = tpu.memref_squeeze %dma_wait3A_79 : memref<1x640x128xf32, #tpu.memory_space<hbm>> -> memref<640x128xf32, #tpu.memory_space<hbm>>
      %dma_wait3A_81 = arith.constant 0 : i32
      %dma_wait3A_82 = tpu.memref_slice %arg12[%mul3A_71, %dma_wait3A_81] : memref<10240x128xf32, #tpu.memory_space<vmem_shared>> -> memref<640x128xf32, #tpu.memory_space<vmem_shared>>
      tpu.wait_dma2 semaphore(%run_scoped3A : memref<!tpu.dma_semaphore, #tpu.memory_space<semaphore_mem>>) src(%dma_wait3A_82 : memref<640x128xf32, #tpu.memory_space<vmem_shared>>) dst(%dma_wait3A_80 : memref<640x128xf32, #tpu.memory_space<hbm>>)
      tpu.yield
    }) : () -> ()
    return
  }
}

#map = affine_map<(d0, d1) -> (0, 0)>
#map1 = affine_map<(d0, d1) -> (0, 0, 0)>
module attributes {stable_mosaic.version = 14 : i64} {
  func.func @_sc_gather_scatter_body(%arg0: i32, %arg1: i32, %arg2: memref<90000x128xf32, #tpu.memory_space<hbm>>, %arg3: memref<2560x128xi32, #tpu.memory_space<hbm>>, %arg4: memref<2560x128xi32, #tpu.memory_space<hbm>>, %arg5: memref<2560x128xi32, #tpu.memory_space<hbm>>, %arg6: memref<2x10240x128xf32, #tpu.memory_space<hbm>>, %arg7: memref<40x128xi32, #tpu.memory_space<vmem>>, %arg8: memref<40x128xi32, #tpu.memory_space<vmem>>, %arg9: memref<40x128xi32, #tpu.memory_space<vmem>>, %arg10: memref<128x128xf32, #tpu.memory_space<vmem>>, %arg11: memref<128x128xf32, #tpu.memory_space<vmem>>, %arg12: memref<10240x128xf32, #tpu.memory_space<vmem_shared>>, %arg13: memref<!tpu.dma_semaphore, #tpu.memory_space<semaphore_mem>>, %arg14: memref<!tpu.dma_semaphore, #tpu.memory_space<semaphore_mem>>) attributes {dimension_semantics = [#tpu.dimension_semantics<core_parallel>, #tpu.dimension_semantics<subcore_parallel>], iteration_bounds = array<i64: 2, 16>, scalar_prefetch = 0 : i64, scratch_operands = 8 : i64, tpu.core_type = #tpu.core_type<sc_vector_subcore>, window_params = [{transform_indices = #map}, {transform_indices = #map}, {transform_indices = #map}, {transform_indices = #map}, {transform_indices = #map1}]} {
    %mul3A = arith.constant 16 : i32
    %mul3A_0 = arith.muli %arg0, %mul3A : i32
    %add3A = arith.addi %mul3A_0, %arg1 : i32
    %mul3A_1 = arith.constant 80 : i32
    %mul3A_2 = arith.muli %add3A, %mul3A_1 : i32
    %scan3A = arith.constant 0 : i32
    %scan3A_3 = arith.constant 0 : i32
    %scan3A_4 = arith.constant 128 : i32
    %scan3A_5 = arith.addi %scan3A_3, %scan3A_4 : i32
    %scan3A_6 = arith.constant 1 : i32
    scf.for %scan3A_74 = %scan3A_3 to %scan3A_5 step %scan3A_6  : i32 {
      %broadcast_in_dim3A = arith.constant 0.000000e+00 : f32
      %broadcast_in_dim3A_75 = vector.broadcast %broadcast_in_dim3A : f32 to vector<16xf32>
      %swap3A = arith.index_cast %scan3A_74 : i32 to index
      %swap3A_76 = arith.constant 0 : index
      %swap3A_77 = tpu.vector_load %arg10[%swap3A, %swap3A_76] {strides = array<i32>} : memref<128x128xf32, #tpu.memory_space<vmem>>, vector<1x16xf32>,
      %swap3A_78 = vector.shape_cast %swap3A_77 : vector<1x16xf32> to vector<16xf32>
      %swap3A_79 = vector.shape_cast %broadcast_in_dim3A_75 : vector<16xf32> to vector<1x16xf32>
      tpu.vector_store %arg10[%swap3A, %swap3A_76], %swap3A_79 {strides = array<i32>} : memref<128x128xf32, #tpu.memory_space<vmem>>, vector<1x16xf32>,
      %broadcast_in_dim3A_80 = arith.constant 0.000000e+00 : f32
      %broadcast_in_dim3A_81 = vector.broadcast %broadcast_in_dim3A_80 : f32 to vector<16xf32>
      %swap3A_82 = arith.index_cast %scan3A_74 : i32 to index
      %swap3A_83 = arith.constant 16 : index
      %swap3A_84 = tpu.vector_load %arg10[%swap3A_82, %swap3A_83] {strides = array<i32>} : memref<128x128xf32, #tpu.memory_space<vmem>>, vector<1x16xf32>,
      %swap3A_85 = vector.shape_cast %swap3A_84 : vector<1x16xf32> to vector<16xf32>
      %swap3A_86 = vector.shape_cast %broadcast_in_dim3A_81 : vector<16xf32> to vector<1x16xf32>
      tpu.vector_store %arg10[%swap3A_82, %swap3A_83], %swap3A_86 {strides = array<i32>} : memref<128x128xf32, #tpu.memory_space<vmem>>, vector<1x16xf32>,
      %broadcast_in_dim3A_87 = arith.constant 0.000000e+00 : f32
      %broadcast_in_dim3A_88 = vector.broadcast %broadcast_in_dim3A_87 : f32 to vector<16xf32>
      %swap3A_89 = arith.index_cast %scan3A_74 : i32 to index
      %swap3A_90 = arith.constant 32 : index
      %swap3A_91 = tpu.vector_load %arg10[%swap3A_89, %swap3A_90] {strides = array<i32>} : memref<128x128xf32, #tpu.memory_space<vmem>>, vector<1x16xf32>,
      %swap3A_92 = vector.shape_cast %swap3A_91 : vector<1x16xf32> to vector<16xf32>
      %swap3A_93 = vector.shape_cast %broadcast_in_dim3A_88 : vector<16xf32> to vector<1x16xf32>
      tpu.vector_store %arg10[%swap3A_89, %swap3A_90], %swap3A_93 {strides = array<i32>} : memref<128x128xf32, #tpu.memory_space<vmem>>, vector<1x16xf32>,
      %broadcast_in_dim3A_94 = arith.constant 0.000000e+00 : f32
      %broadcast_in_dim3A_95 = vector.broadcast %broadcast_in_dim3A_94 : f32 to vector<16xf32>
      %swap3A_96 = arith.index_cast %scan3A_74 : i32 to index
      %swap3A_97 = arith.constant 48 : index
      %swap3A_98 = tpu.vector_load %arg10[%swap3A_96, %swap3A_97] {strides = array<i32>} : memref<128x128xf32, #tpu.memory_space<vmem>>, vector<1x16xf32>,
      %swap3A_99 = vector.shape_cast %swap3A_98 : vector<1x16xf32> to vector<16xf32>
      %swap3A_100 = vector.shape_cast %broadcast_in_dim3A_95 : vector<16xf32> to vector<1x16xf32>
      tpu.vector_store %arg10[%swap3A_96, %swap3A_97], %swap3A_100 {strides = array<i32>} : memref<128x128xf32, #tpu.memory_space<vmem>>, vector<1x16xf32>,
      %broadcast_in_dim3A_101 = arith.constant 0.000000e+00 : f32
      %broadcast_in_dim3A_102 = vector.broadcast %broadcast_in_dim3A_101 : f32 to vector<16xf32>
      %swap3A_103 = arith.index_cast %scan3A_74 : i32 to index
      %swap3A_104 = arith.constant 64 : index
      %swap3A_105 = tpu.vector_load %arg10[%swap3A_103, %swap3A_104] {strides = array<i32>} : memref<128x128xf32, #tpu.memory_space<vmem>>, vector<1x16xf32>,
      %swap3A_106 = vector.shape_cast %swap3A_105 : vector<1x16xf32> to vector<16xf32>
      %swap3A_107 = vector.shape_cast %broadcast_in_dim3A_102 : vector<16xf32> to vector<1x16xf32>
      tpu.vector_store %arg10[%swap3A_103, %swap3A_104], %swap3A_107 {strides = array<i32>} : memref<128x128xf32, #tpu.memory_space<vmem>>, vector<1x16xf32>,
      %broadcast_in_dim3A_108 = arith.constant 0.000000e+00 : f32
      %broadcast_in_dim3A_109 = vector.broadcast %broadcast_in_dim3A_108 : f32 to vector<16xf32>
      %swap3A_110 = arith.index_cast %scan3A_74 : i32 to index
      %swap3A_111 = arith.constant 80 : index
      %swap3A_112 = tpu.vector_load %arg10[%swap3A_110, %swap3A_111] {strides = array<i32>} : memref<128x128xf32, #tpu.memory_space<vmem>>, vector<1x16xf32>,
      %swap3A_113 = vector.shape_cast %swap3A_112 : vector<1x16xf32> to vector<16xf32>
      %swap3A_114 = vector.shape_cast %broadcast_in_dim3A_109 : vector<16xf32> to vector<1x16xf32>
      tpu.vector_store %arg10[%swap3A_110, %swap3A_111], %swap3A_114 {strides = array<i32>} : memref<128x128xf32, #tpu.memory_space<vmem>>, vector<1x16xf32>,
      %broadcast_in_dim3A_115 = arith.constant 0.000000e+00 : f32
      %broadcast_in_dim3A_116 = vector.broadcast %broadcast_in_dim3A_115 : f32 to vector<16xf32>
      %swap3A_117 = arith.index_cast %scan3A_74 : i32 to index
      %swap3A_118 = arith.constant 96 : index
      %swap3A_119 = tpu.vector_load %arg10[%swap3A_117, %swap3A_118] {strides = array<i32>} : memref<128x128xf32, #tpu.memory_space<vmem>>, vector<1x16xf32>,
      %swap3A_120 = vector.shape_cast %swap3A_119 : vector<1x16xf32> to vector<16xf32>
      %swap3A_121 = vector.shape_cast %broadcast_in_dim3A_116 : vector<16xf32> to vector<1x16xf32>
      tpu.vector_store %arg10[%swap3A_117, %swap3A_118], %swap3A_121 {strides = array<i32>} : memref<128x128xf32, #tpu.memory_space<vmem>>, vector<1x16xf32>,
      %broadcast_in_dim3A_122 = arith.constant 0.000000e+00 : f32
      %broadcast_in_dim3A_123 = vector.broadcast %broadcast_in_dim3A_122 : f32 to vector<16xf32>
      %swap3A_124 = arith.index_cast %scan3A_74 : i32 to index
      %swap3A_125 = arith.constant 112 : index
      %swap3A_126 = tpu.vector_load %arg10[%swap3A_124, %swap3A_125] {strides = array<i32>} : memref<128x128xf32, #tpu.memory_space<vmem>>, vector<1x16xf32>,
      %swap3A_127 = vector.shape_cast %swap3A_126 : vector<1x16xf32> to vector<16xf32>
      %swap3A_128 = vector.shape_cast %broadcast_in_dim3A_123 : vector<16xf32> to vector<1x16xf32>
      tpu.vector_store %arg10[%swap3A_124, %swap3A_125], %swap3A_128 {strides = array<i32>} : memref<128x128xf32, #tpu.memory_space<vmem>>, vector<1x16xf32>,
    }
    %scan3A_7 = arith.constant 128 : i32
    %mul3A_8 = arith.constant 640 : i32
    %mul3A_9 = arith.muli %arg1, %mul3A_8 : i32
    %add3A_10 = arith.constant 0 : i32
    %add3A_11 = arith.addi %mul3A_9, %add3A_10 : i32
    "tpu.region"() ({
      %run_scoped3A = tpu.sem_alloc : memref<!tpu.dma_semaphore, #tpu.memory_space<semaphore_mem>>
      %dma_start3A_74 = arith.constant 0 : i32
      %dma_start3A_75 = tpu.memref_slice %arg12[%add3A_11, %dma_start3A_74] : memref<10240x128xf32, #tpu.memory_space<vmem_shared>> -> memref<128x128xf32, #tpu.memory_space<vmem_shared>>
      %dma_start3A_76 = arith.constant 0 : i32
      %dma_start3A_77 = tpu.memref_slice %arg12[%add3A_11, %dma_start3A_76] : memref<10240x128xf32, #tpu.memory_space<vmem_shared>> -> memref<128x128xf32, #tpu.memory_space<vmem_shared>>
      tpu.enqueue_dma source(%arg10 : memref<128x128xf32, #tpu.memory_space<vmem>>) target(%dma_start3A_77 : memref<128x128xf32, #tpu.memory_space<vmem_shared>>) target_semaphore(%run_scoped3A : memref<!tpu.dma_semaphore, #tpu.memory_space<semaphore_mem>>)
      %dma_wait3A = arith.constant 0 : i32
      %dma_wait3A_78 = tpu.memref_slice %arg12[%add3A_11, %dma_wait3A] : memref<10240x128xf32, #tpu.memory_space<vmem_shared>> -> memref<128x128xf32, #tpu.memory_space<vmem_shared>>
      %dma_wait3A_79 = arith.constant 0 : i32
      %dma_wait3A_80 = tpu.memref_slice %arg12[%add3A_11, %dma_wait3A_79] : memref<10240x128xf32, #tpu.memory_space<vmem_shared>> -> memref<128x128xf32, #tpu.memory_space<vmem_shared>>
      tpu.wait_dma2 semaphore(%run_scoped3A : memref<!tpu.dma_semaphore, #tpu.memory_space<semaphore_mem>>) src(%arg10 : memref<128x128xf32, #tpu.memory_space<vmem>>) dst(%dma_wait3A_80 : memref<128x128xf32, #tpu.memory_space<vmem_shared>>)
      tpu.yield
    }) : () -> ()
    %mul3A_12 = arith.constant 640 : i32
    %mul3A_13 = arith.muli %arg1, %mul3A_12 : i32
    %add3A_14 = arith.constant 128 : i32
    %add3A_15 = arith.addi %mul3A_13, %add3A_14 : i32
    "tpu.region"() ({
      %run_scoped3A = tpu.sem_alloc : memref<!tpu.dma_semaphore, #tpu.memory_space<semaphore_mem>>
      %dma_start3A_74 = arith.constant 0 : i32
      %dma_start3A_75 = tpu.memref_slice %arg12[%add3A_15, %dma_start3A_74] : memref<10240x128xf32, #tpu.memory_space<vmem_shared>> -> memref<128x128xf32, #tpu.memory_space<vmem_shared>>
      %dma_start3A_76 = arith.constant 0 : i32
      %dma_start3A_77 = tpu.memref_slice %arg12[%add3A_15, %dma_start3A_76] : memref<10240x128xf32, #tpu.memory_space<vmem_shared>> -> memref<128x128xf32, #tpu.memory_space<vmem_shared>>
      tpu.enqueue_dma source(%arg10 : memref<128x128xf32, #tpu.memory_space<vmem>>) target(%dma_start3A_77 : memref<128x128xf32, #tpu.memory_space<vmem_shared>>) target_semaphore(%run_scoped3A : memref<!tpu.dma_semaphore, #tpu.memory_space<semaphore_mem>>)
      %dma_wait3A = arith.constant 0 : i32
      %dma_wait3A_78 = tpu.memref_slice %arg12[%add3A_15, %dma_wait3A] : memref<10240x128xf32, #tpu.memory_space<vmem_shared>> -> memref<128x128xf32, #tpu.memory_space<vmem_shared>>
      %dma_wait3A_79 = arith.constant 0 : i32
      %dma_wait3A_80 = tpu.memref_slice %arg12[%add3A_15, %dma_wait3A_79] : memref<10240x128xf32, #tpu.memory_space<vmem_shared>> -> memref<128x128xf32, #tpu.memory_space<vmem_shared>>
      tpu.wait_dma2 semaphore(%run_scoped3A : memref<!tpu.dma_semaphore, #tpu.memory_space<semaphore_mem>>) src(%arg10 : memref<128x128xf32, #tpu.memory_space<vmem>>) dst(%dma_wait3A_80 : memref<128x128xf32, #tpu.memory_space<vmem_shared>>)
      tpu.yield
    }) : () -> ()
    %mul3A_16 = arith.constant 640 : i32
    %mul3A_17 = arith.muli %arg1, %mul3A_16 : i32
    %add3A_18 = arith.constant 256 : i32
    %add3A_19 = arith.addi %mul3A_17, %add3A_18 : i32
    "tpu.region"() ({
      %run_scoped3A = tpu.sem_alloc : memref<!tpu.dma_semaphore, #tpu.memory_space<semaphore_mem>>
      %dma_start3A_74 = arith.constant 0 : i32
      %dma_start3A_75 = tpu.memref_slice %arg12[%add3A_19, %dma_start3A_74] : memref<10240x128xf32, #tpu.memory_space<vmem_shared>> -> memref<128x128xf32, #tpu.memory_space<vmem_shared>>
      %dma_start3A_76 = arith.constant 0 : i32
      %dma_start3A_77 = tpu.memref_slice %arg12[%add3A_19, %dma_start3A_76] : memref<10240x128xf32, #tpu.memory_space<vmem_shared>> -> memref<128x128xf32, #tpu.memory_space<vmem_shared>>
      tpu.enqueue_dma source(%arg10 : memref<128x128xf32, #tpu.memory_space<vmem>>) target(%dma_start3A_77 : memref<128x128xf32, #tpu.memory_space<vmem_shared>>) target_semaphore(%run_scoped3A : memref<!tpu.dma_semaphore, #tpu.memory_space<semaphore_mem>>)
      %dma_wait3A = arith.constant 0 : i32
      %dma_wait3A_78 = tpu.memref_slice %arg12[%add3A_19, %dma_wait3A] : memref<10240x128xf32, #tpu.memory_space<vmem_shared>> -> memref<128x128xf32, #tpu.memory_space<vmem_shared>>
      %dma_wait3A_79 = arith.constant 0 : i32
      %dma_wait3A_80 = tpu.memref_slice %arg12[%add3A_19, %dma_wait3A_79] : memref<10240x128xf32, #tpu.memory_space<vmem_shared>> -> memref<128x128xf32, #tpu.memory_space<vmem_shared>>
      tpu.wait_dma2 semaphore(%run_scoped3A : memref<!tpu.dma_semaphore, #tpu.memory_space<semaphore_mem>>) src(%arg10 : memref<128x128xf32, #tpu.memory_space<vmem>>) dst(%dma_wait3A_80 : memref<128x128xf32, #tpu.memory_space<vmem_shared>>)
      tpu.yield
    }) : () -> ()
    %mul3A_20 = arith.constant 640 : i32
    %mul3A_21 = arith.muli %arg1, %mul3A_20 : i32
    %add3A_22 = arith.constant 384 : i32
    %add3A_23 = arith.addi %mul3A_21, %add3A_22 : i32
    "tpu.region"() ({
      %run_scoped3A = tpu.sem_alloc : memref<!tpu.dma_semaphore, #tpu.memory_space<semaphore_mem>>
      %dma_start3A_74 = arith.constant 0 : i32
      %dma_start3A_75 = tpu.memref_slice %arg12[%add3A_23, %dma_start3A_74] : memref<10240x128xf32, #tpu.memory_space<vmem_shared>> -> memref<128x128xf32, #tpu.memory_space<vmem_shared>>
      %dma_start3A_76 = arith.constant 0 : i32
      %dma_start3A_77 = tpu.memref_slice %arg12[%add3A_23, %dma_start3A_76] : memref<10240x128xf32, #tpu.memory_space<vmem_shared>> -> memref<128x128xf32, #tpu.memory_space<vmem_shared>>
      tpu.enqueue_dma source(%arg10 : memref<128x128xf32, #tpu.memory_space<vmem>>) target(%dma_start3A_77 : memref<128x128xf32, #tpu.memory_space<vmem_shared>>) target_semaphore(%run_scoped3A : memref<!tpu.dma_semaphore, #tpu.memory_space<semaphore_mem>>)
      %dma_wait3A = arith.constant 0 : i32
      %dma_wait3A_78 = tpu.memref_slice %arg12[%add3A_23, %dma_wait3A] : memref<10240x128xf32, #tpu.memory_space<vmem_shared>> -> memref<128x128xf32, #tpu.memory_space<vmem_shared>>
      %dma_wait3A_79 = arith.constant 0 : i32
      %dma_wait3A_80 = tpu.memref_slice %arg12[%add3A_23, %dma_wait3A_79] : memref<10240x128xf32, #tpu.memory_space<vmem_shared>> -> memref<128x128xf32, #tpu.memory_space<vmem_shared>>
      tpu.wait_dma2 semaphore(%run_scoped3A : memref<!tpu.dma_semaphore, #tpu.memory_space<semaphore_mem>>) src(%arg10 : memref<128x128xf32, #tpu.memory_space<vmem>>) dst(%dma_wait3A_80 : memref<128x128xf32, #tpu.memory_space<vmem_shared>>)
      tpu.yield
    }) : () -> ()
    %mul3A_24 = arith.constant 640 : i32
    %mul3A_25 = arith.muli %arg1, %mul3A_24 : i32
    %add3A_26 = arith.constant 512 : i32
    %add3A_27 = arith.addi %mul3A_25, %add3A_26 : i32
    "tpu.region"() ({
      %run_scoped3A = tpu.sem_alloc : memref<!tpu.dma_semaphore, #tpu.memory_space<semaphore_mem>>
      %dma_start3A_74 = arith.constant 0 : i32
      %dma_start3A_75 = tpu.memref_slice %arg12[%add3A_27, %dma_start3A_74] : memref<10240x128xf32, #tpu.memory_space<vmem_shared>> -> memref<128x128xf32, #tpu.memory_space<vmem_shared>>
      %dma_start3A_76 = arith.constant 0 : i32
      %dma_start3A_77 = tpu.memref_slice %arg12[%add3A_27, %dma_start3A_76] : memref<10240x128xf32, #tpu.memory_space<vmem_shared>> -> memref<128x128xf32, #tpu.memory_space<vmem_shared>>
      tpu.enqueue_dma source(%arg10 : memref<128x128xf32, #tpu.memory_space<vmem>>) target(%dma_start3A_77 : memref<128x128xf32, #tpu.memory_space<vmem_shared>>) target_semaphore(%run_scoped3A : memref<!tpu.dma_semaphore, #tpu.memory_space<semaphore_mem>>)
      %dma_wait3A = arith.constant 0 : i32
      %dma_wait3A_78 = tpu.memref_slice %arg12[%add3A_27, %dma_wait3A] : memref<10240x128xf32, #tpu.memory_space<vmem_shared>> -> memref<128x128xf32, #tpu.memory_space<vmem_shared>>
      %dma_wait3A_79 = arith.constant 0 : i32
      %dma_wait3A_80 = tpu.memref_slice %arg12[%add3A_27, %dma_wait3A_79] : memref<10240x128xf32, #tpu.memory_space<vmem_shared>> -> memref<128x128xf32, #tpu.memory_space<vmem_shared>>
      tpu.wait_dma2 semaphore(%run_scoped3A : memref<!tpu.dma_semaphore, #tpu.memory_space<semaphore_mem>>) src(%arg10 : memref<128x128xf32, #tpu.memory_space<vmem>>) dst(%dma_wait3A_80 : memref<128x128xf32, #tpu.memory_space<vmem_shared>>)
      tpu.yield
    }) : () -> ()
    %barrier3A = arith.constant 0 : index
    tpu.barrier barrier_id(%barrier3A)
    %add3A_28 = arith.constant 0 : i32
    %add3A_29 = arith.addi %mul3A_2, %add3A_28 : i32
    "tpu.region"() ({
      %run_scoped3A = tpu.sem_alloc : memref<!tpu.dma_semaphore, #tpu.memory_space<semaphore_mem>>
      %dma_start3A_74 = arith.constant 0 : i32
      %dma_start3A_75 = tpu.memref_slice %arg3[%add3A_29, %dma_start3A_74] : memref<2560x128xi32, #tpu.memory_space<hbm>> -> memref<40x128xi32, #tpu.memory_space<hbm>>
      %dma_start3A_76 = arith.constant 0 : i32
      %dma_start3A_77 = tpu.memref_slice %arg3[%add3A_29, %dma_start3A_76] : memref<2560x128xi32, #tpu.memory_space<hbm>> -> memref<40x128xi32, #tpu.memory_space<hbm>>
      tpu.enqueue_dma source(%dma_start3A_77 : memref<40x128xi32, #tpu.memory_space<hbm>>) target(%arg7 : memref<40x128xi32, #tpu.memory_space<vmem>>) target_semaphore(%run_scoped3A : memref<!tpu.dma_semaphore, #tpu.memory_space<semaphore_mem>>)
      %dma_wait3A = arith.constant 0 : i32
      %dma_wait3A_78 = tpu.memref_slice %arg3[%add3A_29, %dma_wait3A] : memref<2560x128xi32, #tpu.memory_space<hbm>> -> memref<40x128xi32, #tpu.memory_space<hbm>>
      %dma_wait3A_79 = arith.constant 0 : i32
      %dma_wait3A_80 = tpu.memref_slice %arg3[%add3A_29, %dma_wait3A_79] : memref<2560x128xi32, #tpu.memory_space<hbm>> -> memref<40x128xi32, #tpu.memory_space<hbm>>
      tpu.wait_dma2 semaphore(%run_scoped3A : memref<!tpu.dma_semaphore, #tpu.memory_space<semaphore_mem>>) src(%dma_wait3A_80 : memref<40x128xi32, #tpu.memory_space<hbm>>) dst(%arg7 : memref<40x128xi32, #tpu.memory_space<vmem>>)
      tpu.yield
    }) : () -> ()
    "tpu.region"() ({
      %run_scoped3A = tpu.sem_alloc : memref<!tpu.dma_semaphore, #tpu.memory_space<semaphore_mem>>
      %dma_start3A_74 = arith.constant 0 : i32
      %dma_start3A_75 = tpu.memref_slice %arg4[%add3A_29, %dma_start3A_74] : memref<2560x128xi32, #tpu.memory_space<hbm>> -> memref<40x128xi32, #tpu.memory_space<hbm>>
      %dma_start3A_76 = arith.constant 0 : i32
      %dma_start3A_77 = tpu.memref_slice %arg4[%add3A_29, %dma_start3A_76] : memref<2560x128xi32, #tpu.memory_space<hbm>> -> memref<40x128xi32, #tpu.memory_space<hbm>>
      tpu.enqueue_dma source(%dma_start3A_77 : memref<40x128xi32, #tpu.memory_space<hbm>>) target(%arg8 : memref<40x128xi32, #tpu.memory_space<vmem>>) target_semaphore(%run_scoped3A : memref<!tpu.dma_semaphore, #tpu.memory_space<semaphore_mem>>)
      %dma_wait3A = arith.constant 0 : i32
      %dma_wait3A_78 = tpu.memref_slice %arg4[%add3A_29, %dma_wait3A] : memref<2560x128xi32, #tpu.memory_space<hbm>> -> memref<40x128xi32, #tpu.memory_space<hbm>>
      %dma_wait3A_79 = arith.constant 0 : i32
      %dma_wait3A_80 = tpu.memref_slice %arg4[%add3A_29, %dma_wait3A_79] : memref<2560x128xi32, #tpu.memory_space<hbm>> -> memref<40x128xi32, #tpu.memory_space<hbm>>
      tpu.wait_dma2 semaphore(%run_scoped3A : memref<!tpu.dma_semaphore, #tpu.memory_space<semaphore_mem>>) src(%dma_wait3A_80 : memref<40x128xi32, #tpu.memory_space<hbm>>) dst(%arg8 : memref<40x128xi32, #tpu.memory_space<vmem>>)
      tpu.yield
    }) : () -> ()
    "tpu.region"() ({
      %run_scoped3A = tpu.sem_alloc : memref<!tpu.dma_semaphore, #tpu.memory_space<semaphore_mem>>
      %dma_start3A_74 = arith.constant 0 : i32
      %dma_start3A_75 = tpu.memref_slice %arg5[%add3A_29, %dma_start3A_74] : memref<2560x128xi32, #tpu.memory_space<hbm>> -> memref<40x128xi32, #tpu.memory_space<hbm>>
      %dma_start3A_76 = arith.constant 0 : i32
      %dma_start3A_77 = tpu.memref_slice %arg5[%add3A_29, %dma_start3A_76] : memref<2560x128xi32, #tpu.memory_space<hbm>> -> memref<40x128xi32, #tpu.memory_space<hbm>>
      tpu.enqueue_dma source(%dma_start3A_77 : memref<40x128xi32, #tpu.memory_space<hbm>>) target(%arg9 : memref<40x128xi32, #tpu.memory_space<vmem>>) target_semaphore(%run_scoped3A : memref<!tpu.dma_semaphore, #tpu.memory_space<semaphore_mem>>)
      %dma_wait3A = arith.constant 0 : i32
      %dma_wait3A_78 = tpu.memref_slice %arg5[%add3A_29, %dma_wait3A] : memref<2560x128xi32, #tpu.memory_space<hbm>> -> memref<40x128xi32, #tpu.memory_space<hbm>>
      %dma_wait3A_79 = arith.constant 0 : i32
      %dma_wait3A_80 = tpu.memref_slice %arg5[%add3A_29, %dma_wait3A_79] : memref<2560x128xi32, #tpu.memory_space<hbm>> -> memref<40x128xi32, #tpu.memory_space<hbm>>
      tpu.wait_dma2 semaphore(%run_scoped3A : memref<!tpu.dma_semaphore, #tpu.memory_space<semaphore_mem>>) src(%dma_wait3A_80 : memref<40x128xi32, #tpu.memory_space<hbm>>) dst(%arg9 : memref<40x128xi32, #tpu.memory_space<vmem>>)
      tpu.yield
    }) : () -> ()
    %scan3A_30 = arith.constant 0 : i32
    %scan3A_31 = arith.constant 0 : i32
    %scan3A_32 = arith.constant 40 : i32
    %scan3A_33 = arith.addi %scan3A_31, %scan3A_32 : i32
    %scan3A_34 = arith.constant 1 : i32
    scf.for %scan3A_74 = %scan3A_31 to %scan3A_33 step %scan3A_34  : i32 {
      %get3A = arith.index_cast %scan3A_74 : i32 to index
      %get3A_75 = arith.constant 0 : index
      %get3A_76 = tpu.vector_load %arg8[%get3A, %get3A_75] {strides = array<i32>} : memref<40x128xi32, #tpu.memory_space<vmem>>, vector<1x16xi32>,
      %get3A_77 = vector.shape_cast %get3A_76 : vector<1x16xi32> to vector<16xi32>
      %mul3A_78 = arith.constant 10000 : i32
      %mul3A_79 = vector.broadcast %mul3A_78 : i32 to vector<16xi32>
      %mul3A_80 = arith.muli %get3A_77, %mul3A_79 : vector<16xi32>
      %get3A_81 = arith.index_cast %scan3A_74 : i32 to index
      %get3A_82 = arith.constant 0 : index
      %get3A_83 = tpu.vector_load %arg7[%get3A_81, %get3A_82] {strides = array<i32>} : memref<40x128xi32, #tpu.memory_space<vmem>>, vector<1x16xi32>,
      %get3A_84 = vector.shape_cast %get3A_83 : vector<1x16xi32> to vector<16xi32>
      %add3A_85 = arith.addi %mul3A_80, %get3A_84 : vector<16xi32>
      %swap3A = arith.index_cast %scan3A_74 : i32 to index
      %swap3A_86 = arith.constant 0 : index
      %swap3A_87 = tpu.vector_load %arg7[%swap3A, %swap3A_86] {strides = array<i32>} : memref<40x128xi32, #tpu.memory_space<vmem>>, vector<1x16xi32>,
      %swap3A_88 = vector.shape_cast %swap3A_87 : vector<1x16xi32> to vector<16xi32>
      %swap3A_89 = vector.shape_cast %add3A_85 : vector<16xi32> to vector<1x16xi32>
      tpu.vector_store %arg7[%swap3A, %swap3A_86], %swap3A_89 {strides = array<i32>} : memref<40x128xi32, #tpu.memory_space<vmem>>, vector<1x16xi32>,
      %get3A_90 = arith.index_cast %scan3A_74 : i32 to index
      %get3A_91 = arith.constant 16 : index
      %get3A_92 = tpu.vector_load %arg8[%get3A_90, %get3A_91] {strides = array<i32>} : memref<40x128xi32, #tpu.memory_space<vmem>>, vector<1x16xi32>,
      %get3A_93 = vector.shape_cast %get3A_92 : vector<1x16xi32> to vector<16xi32>
      %mul3A_94 = arith.constant 10000 : i32
      %mul3A_95 = vector.broadcast %mul3A_94 : i32 to vector<16xi32>
      %mul3A_96 = arith.muli %get3A_93, %mul3A_95 : vector<16xi32>
      %get3A_97 = arith.index_cast %scan3A_74 : i32 to index
      %get3A_98 = arith.constant 16 : index
      %get3A_99 = tpu.vector_load %arg7[%get3A_97, %get3A_98] {strides = array<i32>} : memref<40x128xi32, #tpu.memory_space<vmem>>, vector<1x16xi32>,
      %get3A_100 = vector.shape_cast %get3A_99 : vector<1x16xi32> to vector<16xi32>
      %add3A_101 = arith.addi %mul3A_96, %get3A_100 : vector<16xi32>
      %swap3A_102 = arith.index_cast %scan3A_74 : i32 to index
      %swap3A_103 = arith.constant 16 : index
      %swap3A_104 = tpu.vector_load %arg7[%swap3A_102, %swap3A_103] {strides = array<i32>} : memref<40x128xi32, #tpu.memory_space<vmem>>, vector<1x16xi32>,
      %swap3A_105 = vector.shape_cast %swap3A_104 : vector<1x16xi32> to vector<16xi32>
      %swap3A_106 = vector.shape_cast %add3A_101 : vector<16xi32> to vector<1x16xi32>
      tpu.vector_store %arg7[%swap3A_102, %swap3A_103], %swap3A_106 {strides = array<i32>} : memref<40x128xi32, #tpu.memory_space<vmem>>, vector<1x16xi32>,
      %get3A_107 = arith.index_cast %scan3A_74 : i32 to index
      %get3A_108 = arith.constant 32 : index
      %get3A_109 = tpu.vector_load %arg8[%get3A_107, %get3A_108] {strides = array<i32>} : memref<40x128xi32, #tpu.memory_space<vmem>>, vector<1x16xi32>,
      %get3A_110 = vector.shape_cast %get3A_109 : vector<1x16xi32> to vector<16xi32>
      %mul3A_111 = arith.constant 10000 : i32
      %mul3A_112 = vector.broadcast %mul3A_111 : i32 to vector<16xi32>
      %mul3A_113 = arith.muli %get3A_110, %mul3A_112 : vector<16xi32>
      %get3A_114 = arith.index_cast %scan3A_74 : i32 to index
      %get3A_115 = arith.constant 32 : index
      %get3A_116 = tpu.vector_load %arg7[%get3A_114, %get3A_115] {strides = array<i32>} : memref<40x128xi32, #tpu.memory_space<vmem>>, vector<1x16xi32>,
      %get3A_117 = vector.shape_cast %get3A_116 : vector<1x16xi32> to vector<16xi32>
      %add3A_118 = arith.addi %mul3A_113, %get3A_117 : vector<16xi32>
      %swap3A_119 = arith.index_cast %scan3A_74 : i32 to index
      %swap3A_120 = arith.constant 32 : index
      %swap3A_121 = tpu.vector_load %arg7[%swap3A_119, %swap3A_120] {strides = array<i32>} : memref<40x128xi32, #tpu.memory_space<vmem>>, vector<1x16xi32>,
      %swap3A_122 = vector.shape_cast %swap3A_121 : vector<1x16xi32> to vector<16xi32>
      %swap3A_123 = vector.shape_cast %add3A_118 : vector<16xi32> to vector<1x16xi32>
      tpu.vector_store %arg7[%swap3A_119, %swap3A_120], %swap3A_123 {strides = array<i32>} : memref<40x128xi32, #tpu.memory_space<vmem>>, vector<1x16xi32>,
      %get3A_124 = arith.index_cast %scan3A_74 : i32 to index
      %get3A_125 = arith.constant 48 : index
      %get3A_126 = tpu.vector_load %arg8[%get3A_124, %get3A_125] {strides = array<i32>} : memref<40x128xi32, #tpu.memory_space<vmem>>, vector<1x16xi32>,
      %get3A_127 = vector.shape_cast %get3A_126 : vector<1x16xi32> to vector<16xi32>
      %mul3A_128 = arith.constant 10000 : i32
      %mul3A_129 = vector.broadcast %mul3A_128 : i32 to vector<16xi32>
      %mul3A_130 = arith.muli %get3A_127, %mul3A_129 : vector<16xi32>
      %get3A_131 = arith.index_cast %scan3A_74 : i32 to index
      %get3A_132 = arith.constant 48 : index
      %get3A_133 = tpu.vector_load %arg7[%get3A_131, %get3A_132] {strides = array<i32>} : memref<40x128xi32, #tpu.memory_space<vmem>>, vector<1x16xi32>,
      %get3A_134 = vector.shape_cast %get3A_133 : vector<1x16xi32> to vector<16xi32>
      %add3A_135 = arith.addi %mul3A_130, %get3A_134 : vector<16xi32>
      %swap3A_136 = arith.index_cast %scan3A_74 : i32 to index
      %swap3A_137 = arith.constant 48 : index
      %swap3A_138 = tpu.vector_load %arg7[%swap3A_136, %swap3A_137] {strides = array<i32>} : memref<40x128xi32, #tpu.memory_space<vmem>>, vector<1x16xi32>,
      %swap3A_139 = vector.shape_cast %swap3A_138 : vector<1x16xi32> to vector<16xi32>
      %swap3A_140 = vector.shape_cast %add3A_135 : vector<16xi32> to vector<1x16xi32>
      tpu.vector_store %arg7[%swap3A_136, %swap3A_137], %swap3A_140 {strides = array<i32>} : memref<40x128xi32, #tpu.memory_space<vmem>>, vector<1x16xi32>,
      %get3A_141 = arith.index_cast %scan3A_74 : i32 to index
      %get3A_142 = arith.constant 64 : index
      %get3A_143 = tpu.vector_load %arg8[%get3A_141, %get3A_142] {strides = array<i32>} : memref<40x128xi32, #tpu.memory_space<vmem>>, vector<1x16xi32>,
      %get3A_144 = vector.shape_cast %get3A_143 : vector<1x16xi32> to vector<16xi32>
      %mul3A_145 = arith.constant 10000 : i32
      %mul3A_146 = vector.broadcast %mul3A_145 : i32 to vector<16xi32>
      %mul3A_147 = arith.muli %get3A_144, %mul3A_146 : vector<16xi32>
      %get3A_148 = arith.index_cast %scan3A_74 : i32 to index
      %get3A_149 = arith.constant 64 : index
      %get3A_150 = tpu.vector_load %arg7[%get3A_148, %get3A_149] {strides = array<i32>} : memref<40x128xi32, #tpu.memory_space<vmem>>, vector<1x16xi32>,
      %get3A_151 = vector.shape_cast %get3A_150 : vector<1x16xi32> to vector<16xi32>
      %add3A_152 = arith.addi %mul3A_147, %get3A_151 : vector<16xi32>
      %swap3A_153 = arith.index_cast %scan3A_74 : i32 to index
      %swap3A_154 = arith.constant 64 : index
      %swap3A_155 = tpu.vector_load %arg7[%swap3A_153, %swap3A_154] {strides = array<i32>} : memref<40x128xi32, #tpu.memory_space<vmem>>, vector<1x16xi32>,
      %swap3A_156 = vector.shape_cast %swap3A_155 : vector<1x16xi32> to vector<16xi32>
      %swap3A_157 = vector.shape_cast %add3A_152 : vector<16xi32> to vector<1x16xi32>
      tpu.vector_store %arg7[%swap3A_153, %swap3A_154], %swap3A_157 {strides = array<i32>} : memref<40x128xi32, #tpu.memory_space<vmem>>, vector<1x16xi32>,
      %get3A_158 = arith.index_cast %scan3A_74 : i32 to index
      %get3A_159 = arith.constant 80 : index
      %get3A_160 = tpu.vector_load %arg8[%get3A_158, %get3A_159] {strides = array<i32>} : memref<40x128xi32, #tpu.memory_space<vmem>>, vector<1x16xi32>,
      %get3A_161 = vector.shape_cast %get3A_160 : vector<1x16xi32> to vector<16xi32>
      %mul3A_162 = arith.constant 10000 : i32
      %mul3A_163 = vector.broadcast %mul3A_162 : i32 to vector<16xi32>
      %mul3A_164 = arith.muli %get3A_161, %mul3A_163 : vector<16xi32>
      %get3A_165 = arith.index_cast %scan3A_74 : i32 to index
      %get3A_166 = arith.constant 80 : index
      %get3A_167 = tpu.vector_load %arg7[%get3A_165, %get3A_166] {strides = array<i32>} : memref<40x128xi32, #tpu.memory_space<vmem>>, vector<1x16xi32>,
      %get3A_168 = vector.shape_cast %get3A_167 : vector<1x16xi32> to vector<16xi32>
      %add3A_169 = arith.addi %mul3A_164, %get3A_168 : vector<16xi32>
      %swap3A_170 = arith.index_cast %scan3A_74 : i32 to index
      %swap3A_171 = arith.constant 80 : index
      %swap3A_172 = tpu.vector_load %arg7[%swap3A_170, %swap3A_171] {strides = array<i32>} : memref<40x128xi32, #tpu.memory_space<vmem>>, vector<1x16xi32>,
      %swap3A_173 = vector.shape_cast %swap3A_172 : vector<1x16xi32> to vector<16xi32>
      %swap3A_174 = vector.shape_cast %add3A_169 : vector<16xi32> to vector<1x16xi32>
      tpu.vector_store %arg7[%swap3A_170, %swap3A_171], %swap3A_174 {strides = array<i32>} : memref<40x128xi32, #tpu.memory_space<vmem>>, vector<1x16xi32>,
      %get3A_175 = arith.index_cast %scan3A_74 : i32 to index
      %get3A_176 = arith.constant 96 : index
      %get3A_177 = tpu.vector_load %arg8[%get3A_175, %get3A_176] {strides = array<i32>} : memref<40x128xi32, #tpu.memory_space<vmem>>, vector<1x16xi32>,
      %get3A_178 = vector.shape_cast %get3A_177 : vector<1x16xi32> to vector<16xi32>
      %mul3A_179 = arith.constant 10000 : i32
      %mul3A_180 = vector.broadcast %mul3A_179 : i32 to vector<16xi32>
      %mul3A_181 = arith.muli %get3A_178, %mul3A_180 : vector<16xi32>
      %get3A_182 = arith.index_cast %scan3A_74 : i32 to index
      %get3A_183 = arith.constant 96 : index
      %get3A_184 = tpu.vector_load %arg7[%get3A_182, %get3A_183] {strides = array<i32>} : memref<40x128xi32, #tpu.memory_space<vmem>>, vector<1x16xi32>,
      %get3A_185 = vector.shape_cast %get3A_184 : vector<1x16xi32> to vector<16xi32>
      %add3A_186 = arith.addi %mul3A_181, %get3A_185 : vector<16xi32>
      %swap3A_187 = arith.index_cast %scan3A_74 : i32 to index
      %swap3A_188 = arith.constant 96 : index
      %swap3A_189 = tpu.vector_load %arg7[%swap3A_187, %swap3A_188] {strides = array<i32>} : memref<40x128xi32, #tpu.memory_space<vmem>>, vector<1x16xi32>,
      %swap3A_190 = vector.shape_cast %swap3A_189 : vector<1x16xi32> to vector<16xi32>
      %swap3A_191 = vector.shape_cast %add3A_186 : vector<16xi32> to vector<1x16xi32>
      tpu.vector_store %arg7[%swap3A_187, %swap3A_188], %swap3A_191 {strides = array<i32>} : memref<40x128xi32, #tpu.memory_space<vmem>>, vector<1x16xi32>,
      %get3A_192 = arith.index_cast %scan3A_74 : i32 to index
      %get3A_193 = arith.constant 112 : index
      %get3A_194 = tpu.vector_load %arg8[%get3A_192, %get3A_193] {strides = array<i32>} : memref<40x128xi32, #tpu.memory_space<vmem>>, vector<1x16xi32>,
      %get3A_195 = vector.shape_cast %get3A_194 : vector<1x16xi32> to vector<16xi32>
      %mul3A_196 = arith.constant 10000 : i32
      %mul3A_197 = vector.broadcast %mul3A_196 : i32 to vector<16xi32>
      %mul3A_198 = arith.muli %get3A_195, %mul3A_197 : vector<16xi32>
      %get3A_199 = arith.index_cast %scan3A_74 : i32 to index
      %get3A_200 = arith.constant 112 : index
      %get3A_201 = tpu.vector_load %arg7[%get3A_199, %get3A_200] {strides = array<i32>} : memref<40x128xi32, #tpu.memory_space<vmem>>, vector<1x16xi32>,
      %get3A_202 = vector.shape_cast %get3A_201 : vector<1x16xi32> to vector<16xi32>
      %add3A_203 = arith.addi %mul3A_198, %get3A_202 : vector<16xi32>
      %swap3A_204 = arith.index_cast %scan3A_74 : i32 to index
      %swap3A_205 = arith.constant 112 : index
      %swap3A_206 = tpu.vector_load %arg7[%swap3A_204, %swap3A_205] {strides = array<i32>} : memref<40x128xi32, #tpu.memory_space<vmem>>, vector<1x16xi32>,
      %swap3A_207 = vector.shape_cast %swap3A_206 : vector<1x16xi32> to vector<16xi32>
      %swap3A_208 = vector.shape_cast %add3A_203 : vector<16xi32> to vector<1x16xi32>
      tpu.vector_store %arg7[%swap3A_204, %swap3A_205], %swap3A_208 {strides = array<i32>} : memref<40x128xi32, #tpu.memory_space<vmem>>, vector<1x16xi32>,
    }
    %scan3A_35 = arith.constant 40 : i32
    %dma_start3A = arith.constant 0 : i32
    %dma_start3A_36 = arith.constant 0 : i32
    %dma_start3A_37 = tpu.memref_slice %arg7[%dma_start3A, %dma_start3A_36] : memref<40x128xi32, #tpu.memory_space<vmem>> -> memref<1x128xi32, #tpu.memory_space<vmem>>
    %dma_start3A_38 = tpu.memref_squeeze %dma_start3A_37 : memref<1x128xi32, #tpu.memory_space<vmem>> -> memref<128xi32, #tpu.memory_space<vmem>>
    %dma_start3A_39 = arith.constant 0 : i32
    %dma_start3A_40 = arith.constant 0 : i32
    %dma_start3A_41 = tpu.memref_slice %arg2[%dma_start3A_39, %dma_start3A_40] : memref<90000x128xf32, #tpu.memory_space<hbm>> -> memref<90000x128xf32, #tpu.memory_space<hbm>>
    tpu.enqueue_indirect_dma source(%dma_start3A_41 : memref<90000x128xf32, #tpu.memory_space<hbm>>) target(%arg10 : memref<128x128xf32, #tpu.memory_space<vmem>>) offsets(%dma_start3A_38 : memref<128xi32, #tpu.memory_space<vmem>>) semaphore(%arg13 : memref<!tpu.dma_semaphore, #tpu.memory_space<semaphore_mem>>)
    %scan3A_42 = arith.constant 0 : i32
    %scan3A_43 = arith.constant 0 : i32
    %scan3A_44 = arith.constant 20 : i32
    %scan3A_45 = arith.addi %scan3A_43, %scan3A_44 : i32
    %scan3A_46 = arith.constant 1 : i32
    scf.for %scan3A_74 = %scan3A_43 to %scan3A_45 step %scan3A_46  : i32 {
      %mul3A_75 = arith.constant 2 : i32
      %mul3A_76 = arith.muli %mul3A_75, %scan3A_74 : i32
      %add3A_77 = arith.constant 1 : i32
      %add3A_78 = arith.addi %mul3A_76, %add3A_77 : i32
      %dma_wait3A = arith.constant 0 : i32
      %dma_wait3A_79 = tpu.memref_slice %arg7[%mul3A_76, %dma_wait3A] : memref<40x128xi32, #tpu.memory_space<vmem>> -> memref<1x128xi32, #tpu.memory_space<vmem>>
      %dma_wait3A_80 = tpu.memref_squeeze %dma_wait3A_79 : memref<1x128xi32, #tpu.memory_space<vmem>> -> memref<128xi32, #tpu.memory_space<vmem>>
      %dma_wait3A_81 = arith.constant 0 : i32
      %dma_wait3A_82 = arith.constant 0 : i32
      %dma_wait3A_83 = tpu.memref_slice %arg2[%dma_wait3A_81, %dma_wait3A_82] : memref<90000x128xf32, #tpu.memory_space<hbm>> -> memref<90000x128xf32, #tpu.memory_space<hbm>>
      tpu.wait_indirect_dma semaphore(%arg13 : memref<!tpu.dma_semaphore, #tpu.memory_space<semaphore_mem>>) src(%dma_wait3A_83 : memref<90000x128xf32, #tpu.memory_space<hbm>>) dst(%arg10 : memref<128x128xf32, #tpu.memory_space<vmem>>)
      %dma_start3A_84 = arith.constant 0 : i32
      %dma_start3A_85 = tpu.memref_slice %arg7[%add3A_78, %dma_start3A_84] : memref<40x128xi32, #tpu.memory_space<vmem>> -> memref<1x128xi32, #tpu.memory_space<vmem>>
      %dma_start3A_86 = tpu.memref_squeeze %dma_start3A_85 : memref<1x128xi32, #tpu.memory_space<vmem>> -> memref<128xi32, #tpu.memory_space<vmem>>
      %dma_start3A_87 = arith.constant 0 : i32
      %dma_start3A_88 = arith.constant 0 : i32
      %dma_start3A_89 = tpu.memref_slice %arg2[%dma_start3A_87, %dma_start3A_88] : memref<90000x128xf32, #tpu.memory_space<hbm>> -> memref<90000x128xf32, #tpu.memory_space<hbm>>
      tpu.enqueue_indirect_dma source(%dma_start3A_89 : memref<90000x128xf32, #tpu.memory_space<hbm>>) target(%arg11 : memref<128x128xf32, #tpu.memory_space<vmem>>) offsets(%dma_start3A_86 : memref<128xi32, #tpu.memory_space<vmem>>) semaphore(%arg14 : memref<!tpu.dma_semaphore, #tpu.memory_space<semaphore_mem>>)
      "tpu.region"() ({
        %run_scoped3A = tpu.sem_alloc : memref<!tpu.dma_semaphore, #tpu.memory_space<semaphore_mem>>
        %dma_start3A_100 = arith.constant 0 : i32
        %dma_start3A_101 = tpu.memref_slice %arg9[%mul3A_76, %dma_start3A_100] : memref<40x128xi32, #tpu.memory_space<vmem>> -> memref<1x128xi32, #tpu.memory_space<vmem>>
        %dma_start3A_102 = tpu.memref_squeeze %dma_start3A_101 : memref<1x128xi32, #tpu.memory_space<vmem>> -> memref<128xi32, #tpu.memory_space<vmem>>
        %dma_start3A_103 = arith.constant 0 : i32
        %dma_start3A_104 = arith.constant 0 : i32
        %dma_start3A_105 = tpu.memref_slice %arg12[%dma_start3A_103, %dma_start3A_104] : memref<10240x128xf32, #tpu.memory_space<vmem_shared>> -> memref<10240x128xf32, #tpu.memory_space<vmem_shared>>
        tpu.enqueue_indirect_dma source(%arg10 : memref<128x128xf32, #tpu.memory_space<vmem>>) target(%dma_start3A_105 : memref<10240x128xf32, #tpu.memory_space<vmem_shared>>) offsets(%dma_start3A_102 : memref<128xi32, #tpu.memory_space<vmem>>) semaphore(%run_scoped3A : memref<!tpu.dma_semaphore, #tpu.memory_space<semaphore_mem>>) {add = true}
        %dma_wait3A_106 = arith.constant 0 : i32
        %dma_wait3A_107 = tpu.memref_slice %arg9[%mul3A_76, %dma_wait3A_106] : memref<40x128xi32, #tpu.memory_space<vmem>> -> memref<1x128xi32, #tpu.memory_space<vmem>>
        %dma_wait3A_108 = tpu.memref_squeeze %dma_wait3A_107 : memref<1x128xi32, #tpu.memory_space<vmem>> -> memref<128xi32, #tpu.memory_space<vmem>>
        %dma_wait3A_109 = arith.constant 0 : i32
        %dma_wait3A_110 = arith.constant 0 : i32
        %dma_wait3A_111 = tpu.memref_slice %arg12[%dma_wait3A_109, %dma_wait3A_110] : memref<10240x128xf32, #tpu.memory_space<vmem_shared>> -> memref<10240x128xf32, #tpu.memory_space<vmem_shared>>
        tpu.wait_indirect_dma semaphore(%run_scoped3A : memref<!tpu.dma_semaphore, #tpu.memory_space<semaphore_mem>>) src(%arg10 : memref<128x128xf32, #tpu.memory_space<vmem>>) dst(%dma_wait3A_111 : memref<10240x128xf32, #tpu.memory_space<vmem_shared>>)
        tpu.yield
      }) : () -> ()
      %dma_wait3A_90 = arith.constant 0 : i32
      %dma_wait3A_91 = tpu.memref_slice %arg7[%add3A_78, %dma_wait3A_90] : memref<40x128xi32, #tpu.memory_space<vmem>> -> memref<1x128xi32, #tpu.memory_space<vmem>>
      %dma_wait3A_92 = tpu.memref_squeeze %dma_wait3A_91 : memref<1x128xi32, #tpu.memory_space<vmem>> -> memref<128xi32, #tpu.memory_space<vmem>>
      %dma_wait3A_93 = arith.constant 0 : i32
      %dma_wait3A_94 = arith.constant 0 : i32
      %dma_wait3A_95 = tpu.memref_slice %arg2[%dma_wait3A_93, %dma_wait3A_94] : memref<90000x128xf32, #tpu.memory_space<hbm>> -> memref<90000x128xf32, #tpu.memory_space<hbm>>
      tpu.wait_indirect_dma semaphore(%arg14 : memref<!tpu.dma_semaphore, #tpu.memory_space<semaphore_mem>>) src(%dma_wait3A_95 : memref<90000x128xf32, #tpu.memory_space<hbm>>) dst(%arg11 : memref<128x128xf32, #tpu.memory_space<vmem>>)
      %add3A_96 = arith.constant 2 : i32
      %add3A_97 = arith.addi %mul3A_76, %add3A_96 : i32
      %lt3A = arith.constant 40 : i32
      %lt3A_98 = arith.cmpi slt, %add3A_97, %lt3A : i32
      %convert_element_type3A = arith.extui %lt3A_98 : i1 to i32
      %cond3A = arith.constant 0 : i32
      %cond3A_99 = arith.cmpi ne, %convert_element_type3A, %cond3A : i32
      scf.if %cond3A_99 {
        %add3A_100 = arith.constant 2 : i32
        %add3A_101 = arith.addi %mul3A_76, %add3A_100 : i32
        %dma_start3A_102 = arith.constant 0 : i32
        %dma_start3A_103 = tpu.memref_slice %arg7[%add3A_101, %dma_start3A_102] : memref<40x128xi32, #tpu.memory_space<vmem>> -> memref<1x128xi32, #tpu.memory_space<vmem>>
        %dma_start3A_104 = tpu.memref_squeeze %dma_start3A_103 : memref<1x128xi32, #tpu.memory_space<vmem>> -> memref<128xi32, #tpu.memory_space<vmem>>
        %dma_start3A_105 = arith.constant 0 : i32
        %dma_start3A_106 = arith.constant 0 : i32
        %dma_start3A_107 = tpu.memref_slice %arg2[%dma_start3A_105, %dma_start3A_106] : memref<90000x128xf32, #tpu.memory_space<hbm>> -> memref<90000x128xf32, #tpu.memory_space<hbm>>
        tpu.enqueue_indirect_dma source(%dma_start3A_107 : memref<90000x128xf32, #tpu.memory_space<hbm>>) target(%arg10 : memref<128x128xf32, #tpu.memory_space<vmem>>) offsets(%dma_start3A_104 : memref<128xi32, #tpu.memory_space<vmem>>) semaphore(%arg13 : memref<!tpu.dma_semaphore, #tpu.memory_space<semaphore_mem>>)
      } else {
      }
      "tpu.region"() ({
        %run_scoped3A = tpu.sem_alloc : memref<!tpu.dma_semaphore, #tpu.memory_space<semaphore_mem>>
        %dma_start3A_100 = arith.constant 0 : i32
        %dma_start3A_101 = tpu.memref_slice %arg9[%add3A_78, %dma_start3A_100] : memref<40x128xi32, #tpu.memory_space<vmem>> -> memref<1x128xi32, #tpu.memory_space<vmem>>
        %dma_start3A_102 = tpu.memref_squeeze %dma_start3A_101 : memref<1x128xi32, #tpu.memory_space<vmem>> -> memref<128xi32, #tpu.memory_space<vmem>>
        %dma_start3A_103 = arith.constant 0 : i32
        %dma_start3A_104 = arith.constant 0 : i32
        %dma_start3A_105 = tpu.memref_slice %arg12[%dma_start3A_103, %dma_start3A_104] : memref<10240x128xf32, #tpu.memory_space<vmem_shared>> -> memref<10240x128xf32, #tpu.memory_space<vmem_shared>>
        tpu.enqueue_indirect_dma source(%arg11 : memref<128x128xf32, #tpu.memory_space<vmem>>) target(%dma_start3A_105 : memref<10240x128xf32, #tpu.memory_space<vmem_shared>>) offsets(%dma_start3A_102 : memref<128xi32, #tpu.memory_space<vmem>>) semaphore(%run_scoped3A : memref<!tpu.dma_semaphore, #tpu.memory_space<semaphore_mem>>) {add = true}
        %dma_wait3A_106 = arith.constant 0 : i32
        %dma_wait3A_107 = tpu.memref_slice %arg9[%add3A_78, %dma_wait3A_106] : memref<40x128xi32, #tpu.memory_space<vmem>> -> memref<1x128xi32, #tpu.memory_space<vmem>>
        %dma_wait3A_108 = tpu.memref_squeeze %dma_wait3A_107 : memref<1x128xi32, #tpu.memory_space<vmem>> -> memref<128xi32, #tpu.memory_space<vmem>>
        %dma_wait3A_109 = arith.constant 0 : i32
        %dma_wait3A_110 = arith.constant 0 : i32
        %dma_wait3A_111 = tpu.memref_slice %arg12[%dma_wait3A_109, %dma_wait3A_110] : memref<10240x128xf32, #tpu.memory_space<vmem_shared>> -> memref<10240x128xf32, #tpu.memory_space<vmem_shared>>
        tpu.wait_indirect_dma semaphore(%run_scoped3A : memref<!tpu.dma_semaphore, #tpu.memory_space<semaphore_mem>>) src(%arg11 : memref<128x128xf32, #tpu.memory_space<vmem>>) dst(%dma_wait3A_111 : memref<10240x128xf32, #tpu.memory_space<vmem_shared>>)
        tpu.yield
      }) : () -> ()
    }
    %scan3A_47 = arith.constant 20 : i32
    %add3A_48 = arith.constant 40 : i32
    %add3A_49 = arith.addi %mul3A_2, %add3A_48 : i32
    "tpu.region"() ({
      %run_scoped3A = tpu.sem_alloc : memref<!tpu.dma_semaphore, #tpu.memory_space<semaphore_mem>>
      %dma_start3A_74 = arith.constant 0 : i32
      %dma_start3A_75 = tpu.memref_slice %arg3[%add3A_49, %dma_start3A_74] : memref<2560x128xi32, #tpu.memory_space<hbm>> -> memref<40x128xi32, #tpu.memory_space<hbm>>
      %dma_start3A_76 = arith.constant 0 : i32
      %dma_start3A_77 = tpu.memref_slice %arg3[%add3A_49, %dma_start3A_76] : memref<2560x128xi32, #tpu.memory_space<hbm>> -> memref<40x128xi32, #tpu.memory_space<hbm>>
      tpu.enqueue_dma source(%dma_start3A_77 : memref<40x128xi32, #tpu.memory_space<hbm>>) target(%arg7 : memref<40x128xi32, #tpu.memory_space<vmem>>) target_semaphore(%run_scoped3A : memref<!tpu.dma_semaphore, #tpu.memory_space<semaphore_mem>>)
      %dma_wait3A = arith.constant 0 : i32
      %dma_wait3A_78 = tpu.memref_slice %arg3[%add3A_49, %dma_wait3A] : memref<2560x128xi32, #tpu.memory_space<hbm>> -> memref<40x128xi32, #tpu.memory_space<hbm>>
      %dma_wait3A_79 = arith.constant 0 : i32
      %dma_wait3A_80 = tpu.memref_slice %arg3[%add3A_49, %dma_wait3A_79] : memref<2560x128xi32, #tpu.memory_space<hbm>> -> memref<40x128xi32, #tpu.memory_space<hbm>>
      tpu.wait_dma2 semaphore(%run_scoped3A : memref<!tpu.dma_semaphore, #tpu.memory_space<semaphore_mem>>) src(%dma_wait3A_80 : memref<40x128xi32, #tpu.memory_space<hbm>>) dst(%arg7 : memref<40x128xi32, #tpu.memory_space<vmem>>)
      tpu.yield
    }) : () -> ()
    "tpu.region"() ({
      %run_scoped3A = tpu.sem_alloc : memref<!tpu.dma_semaphore, #tpu.memory_space<semaphore_mem>>
      %dma_start3A_74 = arith.constant 0 : i32
      %dma_start3A_75 = tpu.memref_slice %arg4[%add3A_49, %dma_start3A_74] : memref<2560x128xi32, #tpu.memory_space<hbm>> -> memref<40x128xi32, #tpu.memory_space<hbm>>
      %dma_start3A_76 = arith.constant 0 : i32
      %dma_start3A_77 = tpu.memref_slice %arg4[%add3A_49, %dma_start3A_76] : memref<2560x128xi32, #tpu.memory_space<hbm>> -> memref<40x128xi32, #tpu.memory_space<hbm>>
      tpu.enqueue_dma source(%dma_start3A_77 : memref<40x128xi32, #tpu.memory_space<hbm>>) target(%arg8 : memref<40x128xi32, #tpu.memory_space<vmem>>) target_semaphore(%run_scoped3A : memref<!tpu.dma_semaphore, #tpu.memory_space<semaphore_mem>>)
      %dma_wait3A = arith.constant 0 : i32
      %dma_wait3A_78 = tpu.memref_slice %arg4[%add3A_49, %dma_wait3A] : memref<2560x128xi32, #tpu.memory_space<hbm>> -> memref<40x128xi32, #tpu.memory_space<hbm>>
      %dma_wait3A_79 = arith.constant 0 : i32
      %dma_wait3A_80 = tpu.memref_slice %arg4[%add3A_49, %dma_wait3A_79] : memref<2560x128xi32, #tpu.memory_space<hbm>> -> memref<40x128xi32, #tpu.memory_space<hbm>>
      tpu.wait_dma2 semaphore(%run_scoped3A : memref<!tpu.dma_semaphore, #tpu.memory_space<semaphore_mem>>) src(%dma_wait3A_80 : memref<40x128xi32, #tpu.memory_space<hbm>>) dst(%arg8 : memref<40x128xi32, #tpu.memory_space<vmem>>)
      tpu.yield
    }) : () -> ()
    "tpu.region"() ({
      %run_scoped3A = tpu.sem_alloc : memref<!tpu.dma_semaphore, #tpu.memory_space<semaphore_mem>>
      %dma_start3A_74 = arith.constant 0 : i32
      %dma_start3A_75 = tpu.memref_slice %arg5[%add3A_49, %dma_start3A_74] : memref<2560x128xi32, #tpu.memory_space<hbm>> -> memref<40x128xi32, #tpu.memory_space<hbm>>
      %dma_start3A_76 = arith.constant 0 : i32
      %dma_start3A_77 = tpu.memref_slice %arg5[%add3A_49, %dma_start3A_76] : memref<2560x128xi32, #tpu.memory_space<hbm>> -> memref<40x128xi32, #tpu.memory_space<hbm>>
      tpu.enqueue_dma source(%dma_start3A_77 : memref<40x128xi32, #tpu.memory_space<hbm>>) target(%arg9 : memref<40x128xi32, #tpu.memory_space<vmem>>) target_semaphore(%run_scoped3A : memref<!tpu.dma_semaphore, #tpu.memory_space<semaphore_mem>>)
      %dma_wait3A = arith.constant 0 : i32
      %dma_wait3A_78 = tpu.memref_slice %arg5[%add3A_49, %dma_wait3A] : memref<2560x128xi32, #tpu.memory_space<hbm>> -> memref<40x128xi32, #tpu.memory_space<hbm>>
      %dma_wait3A_79 = arith.constant 0 : i32
      %dma_wait3A_80 = tpu.memref_slice %arg5[%add3A_49, %dma_wait3A_79] : memref<2560x128xi32, #tpu.memory_space<hbm>> -> memref<40x128xi32, #tpu.memory_space<hbm>>
      tpu.wait_dma2 semaphore(%run_scoped3A : memref<!tpu.dma_semaphore, #tpu.memory_space<semaphore_mem>>) src(%dma_wait3A_80 : memref<40x128xi32, #tpu.memory_space<hbm>>) dst(%arg9 : memref<40x128xi32, #tpu.memory_space<vmem>>)
      tpu.yield
    }) : () -> ()
    %scan3A_50 = arith.constant 0 : i32
    %scan3A_51 = arith.constant 0 : i32
    %scan3A_52 = arith.constant 40 : i32
    %scan3A_53 = arith.addi %scan3A_51, %scan3A_52 : i32
    %scan3A_54 = arith.constant 1 : i32
    scf.for %scan3A_74 = %scan3A_51 to %scan3A_53 step %scan3A_54  : i32 {
      %get3A = arith.index_cast %scan3A_74 : i32 to index
      %get3A_75 = arith.constant 0 : index
      %get3A_76 = tpu.vector_load %arg8[%get3A, %get3A_75] {strides = array<i32>} : memref<40x128xi32, #tpu.memory_space<vmem>>, vector<1x16xi32>,
      %get3A_77 = vector.shape_cast %get3A_76 : vector<1x16xi32> to vector<16xi32>
      %mul3A_78 = arith.constant 10000 : i32
      %mul3A_79 = vector.broadcast %mul3A_78 : i32 to vector<16xi32>
      %mul3A_80 = arith.muli %get3A_77, %mul3A_79 : vector<16xi32>
      %get3A_81 = arith.index_cast %scan3A_74 : i32 to index
      %get3A_82 = arith.constant 0 : index
      %get3A_83 = tpu.vector_load %arg7[%get3A_81, %get3A_82] {strides = array<i32>} : memref<40x128xi32, #tpu.memory_space<vmem>>, vector<1x16xi32>,
      %get3A_84 = vector.shape_cast %get3A_83 : vector<1x16xi32> to vector<16xi32>
      %add3A_85 = arith.addi %mul3A_80, %get3A_84 : vector<16xi32>
      %swap3A = arith.index_cast %scan3A_74 : i32 to index
      %swap3A_86 = arith.constant 0 : index
      %swap3A_87 = tpu.vector_load %arg7[%swap3A, %swap3A_86] {strides = array<i32>} : memref<40x128xi32, #tpu.memory_space<vmem>>, vector<1x16xi32>,
      %swap3A_88 = vector.shape_cast %swap3A_87 : vector<1x16xi32> to vector<16xi32>
      %swap3A_89 = vector.shape_cast %add3A_85 : vector<16xi32> to vector<1x16xi32>
      tpu.vector_store %arg7[%swap3A, %swap3A_86], %swap3A_89 {strides = array<i32>} : memref<40x128xi32, #tpu.memory_space<vmem>>, vector<1x16xi32>,
      %get3A_90 = arith.index_cast %scan3A_74 : i32 to index
      %get3A_91 = arith.constant 16 : index
      %get3A_92 = tpu.vector_load %arg8[%get3A_90, %get3A_91] {strides = array<i32>} : memref<40x128xi32, #tpu.memory_space<vmem>>, vector<1x16xi32>,
      %get3A_93 = vector.shape_cast %get3A_92 : vector<1x16xi32> to vector<16xi32>
      %mul3A_94 = arith.constant 10000 : i32
      %mul3A_95 = vector.broadcast %mul3A_94 : i32 to vector<16xi32>
      %mul3A_96 = arith.muli %get3A_93, %mul3A_95 : vector<16xi32>
      %get3A_97 = arith.index_cast %scan3A_74 : i32 to index
      %get3A_98 = arith.constant 16 : index
      %get3A_99 = tpu.vector_load %arg7[%get3A_97, %get3A_98] {strides = array<i32>} : memref<40x128xi32, #tpu.memory_space<vmem>>, vector<1x16xi32>,
      %get3A_100 = vector.shape_cast %get3A_99 : vector<1x16xi32> to vector<16xi32>
      %add3A_101 = arith.addi %mul3A_96, %get3A_100 : vector<16xi32>
      %swap3A_102 = arith.index_cast %scan3A_74 : i32 to index
      %swap3A_103 = arith.constant 16 : index
      %swap3A_104 = tpu.vector_load %arg7[%swap3A_102, %swap3A_103] {strides = array<i32>} : memref<40x128xi32, #tpu.memory_space<vmem>>, vector<1x16xi32>,
      %swap3A_105 = vector.shape_cast %swap3A_104 : vector<1x16xi32> to vector<16xi32>
      %swap3A_106 = vector.shape_cast %add3A_101 : vector<16xi32> to vector<1x16xi32>
      tpu.vector_store %arg7[%swap3A_102, %swap3A_103], %swap3A_106 {strides = array<i32>} : memref<40x128xi32, #tpu.memory_space<vmem>>, vector<1x16xi32>,
      %get3A_107 = arith.index_cast %scan3A_74 : i32 to index
      %get3A_108 = arith.constant 32 : index
      %get3A_109 = tpu.vector_load %arg8[%get3A_107, %get3A_108] {strides = array<i32>} : memref<40x128xi32, #tpu.memory_space<vmem>>, vector<1x16xi32>,
      %get3A_110 = vector.shape_cast %get3A_109 : vector<1x16xi32> to vector<16xi32>
      %mul3A_111 = arith.constant 10000 : i32
      %mul3A_112 = vector.broadcast %mul3A_111 : i32 to vector<16xi32>
      %mul3A_113 = arith.muli %get3A_110, %mul3A_112 : vector<16xi32>
      %get3A_114 = arith.index_cast %scan3A_74 : i32 to index
      %get3A_115 = arith.constant 32 : index
      %get3A_116 = tpu.vector_load %arg7[%get3A_114, %get3A_115] {strides = array<i32>} : memref<40x128xi32, #tpu.memory_space<vmem>>, vector<1x16xi32>,
      %get3A_117 = vector.shape_cast %get3A_116 : vector<1x16xi32> to vector<16xi32>
      %add3A_118 = arith.addi %mul3A_113, %get3A_117 : vector<16xi32>
      %swap3A_119 = arith.index_cast %scan3A_74 : i32 to index
      %swap3A_120 = arith.constant 32 : index
      %swap3A_121 = tpu.vector_load %arg7[%swap3A_119, %swap3A_120] {strides = array<i32>} : memref<40x128xi32, #tpu.memory_space<vmem>>, vector<1x16xi32>,
      %swap3A_122 = vector.shape_cast %swap3A_121 : vector<1x16xi32> to vector<16xi32>
      %swap3A_123 = vector.shape_cast %add3A_118 : vector<16xi32> to vector<1x16xi32>
      tpu.vector_store %arg7[%swap3A_119, %swap3A_120], %swap3A_123 {strides = array<i32>} : memref<40x128xi32, #tpu.memory_space<vmem>>, vector<1x16xi32>,
      %get3A_124 = arith.index_cast %scan3A_74 : i32 to index
      %get3A_125 = arith.constant 48 : index
      %get3A_126 = tpu.vector_load %arg8[%get3A_124, %get3A_125] {strides = array<i32>} : memref<40x128xi32, #tpu.memory_space<vmem>>, vector<1x16xi32>,
      %get3A_127 = vector.shape_cast %get3A_126 : vector<1x16xi32> to vector<16xi32>
      %mul3A_128 = arith.constant 10000 : i32
      %mul3A_129 = vector.broadcast %mul3A_128 : i32 to vector<16xi32>
      %mul3A_130 = arith.muli %get3A_127, %mul3A_129 : vector<16xi32>
      %get3A_131 = arith.index_cast %scan3A_74 : i32 to index
      %get3A_132 = arith.constant 48 : index
      %get3A_133 = tpu.vector_load %arg7[%get3A_131, %get3A_132] {strides = array<i32>} : memref<40x128xi32, #tpu.memory_space<vmem>>, vector<1x16xi32>,
      %get3A_134 = vector.shape_cast %get3A_133 : vector<1x16xi32> to vector<16xi32>
      %add3A_135 = arith.addi %mul3A_130, %get3A_134 : vector<16xi32>
      %swap3A_136 = arith.index_cast %scan3A_74 : i32 to index
      %swap3A_137 = arith.constant 48 : index
      %swap3A_138 = tpu.vector_load %arg7[%swap3A_136, %swap3A_137] {strides = array<i32>} : memref<40x128xi32, #tpu.memory_space<vmem>>, vector<1x16xi32>,
      %swap3A_139 = vector.shape_cast %swap3A_138 : vector<1x16xi32> to vector<16xi32>
      %swap3A_140 = vector.shape_cast %add3A_135 : vector<16xi32> to vector<1x16xi32>
      tpu.vector_store %arg7[%swap3A_136, %swap3A_137], %swap3A_140 {strides = array<i32>} : memref<40x128xi32, #tpu.memory_space<vmem>>, vector<1x16xi32>,
      %get3A_141 = arith.index_cast %scan3A_74 : i32 to index
      %get3A_142 = arith.constant 64 : index
      %get3A_143 = tpu.vector_load %arg8[%get3A_141, %get3A_142] {strides = array<i32>} : memref<40x128xi32, #tpu.memory_space<vmem>>, vector<1x16xi32>,
      %get3A_144 = vector.shape_cast %get3A_143 : vector<1x16xi32> to vector<16xi32>
      %mul3A_145 = arith.constant 10000 : i32
      %mul3A_146 = vector.broadcast %mul3A_145 : i32 to vector<16xi32>
      %mul3A_147 = arith.muli %get3A_144, %mul3A_146 : vector<16xi32>
      %get3A_148 = arith.index_cast %scan3A_74 : i32 to index
      %get3A_149 = arith.constant 64 : index
      %get3A_150 = tpu.vector_load %arg7[%get3A_148, %get3A_149] {strides = array<i32>} : memref<40x128xi32, #tpu.memory_space<vmem>>, vector<1x16xi32>,
      %get3A_151 = vector.shape_cast %get3A_150 : vector<1x16xi32> to vector<16xi32>
      %add3A_152 = arith.addi %mul3A_147, %get3A_151 : vector<16xi32>
      %swap3A_153 = arith.index_cast %scan3A_74 : i32 to index
      %swap3A_154 = arith.constant 64 : index
      %swap3A_155 = tpu.vector_load %arg7[%swap3A_153, %swap3A_154] {strides = array<i32>} : memref<40x128xi32, #tpu.memory_space<vmem>>, vector<1x16xi32>,
      %swap3A_156 = vector.shape_cast %swap3A_155 : vector<1x16xi32> to vector<16xi32>
      %swap3A_157 = vector.shape_cast %add3A_152 : vector<16xi32> to vector<1x16xi32>
      tpu.vector_store %arg7[%swap3A_153, %swap3A_154], %swap3A_157 {strides = array<i32>} : memref<40x128xi32, #tpu.memory_space<vmem>>, vector<1x16xi32>,
      %get3A_158 = arith.index_cast %scan3A_74 : i32 to index
      %get3A_159 = arith.constant 80 : index
      %get3A_160 = tpu.vector_load %arg8[%get3A_158, %get3A_159] {strides = array<i32>} : memref<40x128xi32, #tpu.memory_space<vmem>>, vector<1x16xi32>,
      %get3A_161 = vector.shape_cast %get3A_160 : vector<1x16xi32> to vector<16xi32>
      %mul3A_162 = arith.constant 10000 : i32
      %mul3A_163 = vector.broadcast %mul3A_162 : i32 to vector<16xi32>
      %mul3A_164 = arith.muli %get3A_161, %mul3A_163 : vector<16xi32>
      %get3A_165 = arith.index_cast %scan3A_74 : i32 to index
      %get3A_166 = arith.constant 80 : index
      %get3A_167 = tpu.vector_load %arg7[%get3A_165, %get3A_166] {strides = array<i32>} : memref<40x128xi32, #tpu.memory_space<vmem>>, vector<1x16xi32>,
      %get3A_168 = vector.shape_cast %get3A_167 : vector<1x16xi32> to vector<16xi32>
      %add3A_169 = arith.addi %mul3A_164, %get3A_168 : vector<16xi32>
      %swap3A_170 = arith.index_cast %scan3A_74 : i32 to index
      %swap3A_171 = arith.constant 80 : index
      %swap3A_172 = tpu.vector_load %arg7[%swap3A_170, %swap3A_171] {strides = array<i32>} : memref<40x128xi32, #tpu.memory_space<vmem>>, vector<1x16xi32>,
      %swap3A_173 = vector.shape_cast %swap3A_172 : vector<1x16xi32> to vector<16xi32>
      %swap3A_174 = vector.shape_cast %add3A_169 : vector<16xi32> to vector<1x16xi32>
      tpu.vector_store %arg7[%swap3A_170, %swap3A_171], %swap3A_174 {strides = array<i32>} : memref<40x128xi32, #tpu.memory_space<vmem>>, vector<1x16xi32>,
      %get3A_175 = arith.index_cast %scan3A_74 : i32 to index
      %get3A_176 = arith.constant 96 : index
      %get3A_177 = tpu.vector_load %arg8[%get3A_175, %get3A_176] {strides = array<i32>} : memref<40x128xi32, #tpu.memory_space<vmem>>, vector<1x16xi32>,
      %get3A_178 = vector.shape_cast %get3A_177 : vector<1x16xi32> to vector<16xi32>
      %mul3A_179 = arith.constant 10000 : i32
      %mul3A_180 = vector.broadcast %mul3A_179 : i32 to vector<16xi32>
      %mul3A_181 = arith.muli %get3A_178, %mul3A_180 : vector<16xi32>
      %get3A_182 = arith.index_cast %scan3A_74 : i32 to index
      %get3A_183 = arith.constant 96 : index
      %get3A_184 = tpu.vector_load %arg7[%get3A_182, %get3A_183] {strides = array<i32>} : memref<40x128xi32, #tpu.memory_space<vmem>>, vector<1x16xi32>,
      %get3A_185 = vector.shape_cast %get3A_184 : vector<1x16xi32> to vector<16xi32>
      %add3A_186 = arith.addi %mul3A_181, %get3A_185 : vector<16xi32>
      %swap3A_187 = arith.index_cast %scan3A_74 : i32 to index
      %swap3A_188 = arith.constant 96 : index
      %swap3A_189 = tpu.vector_load %arg7[%swap3A_187, %swap3A_188] {strides = array<i32>} : memref<40x128xi32, #tpu.memory_space<vmem>>, vector<1x16xi32>,
      %swap3A_190 = vector.shape_cast %swap3A_189 : vector<1x16xi32> to vector<16xi32>
      %swap3A_191 = vector.shape_cast %add3A_186 : vector<16xi32> to vector<1x16xi32>
      tpu.vector_store %arg7[%swap3A_187, %swap3A_188], %swap3A_191 {strides = array<i32>} : memref<40x128xi32, #tpu.memory_space<vmem>>, vector<1x16xi32>,
      %get3A_192 = arith.index_cast %scan3A_74 : i32 to index
      %get3A_193 = arith.constant 112 : index
      %get3A_194 = tpu.vector_load %arg8[%get3A_192, %get3A_193] {strides = array<i32>} : memref<40x128xi32, #tpu.memory_space<vmem>>, vector<1x16xi32>,
      %get3A_195 = vector.shape_cast %get3A_194 : vector<1x16xi32> to vector<16xi32>
      %mul3A_196 = arith.constant 10000 : i32
      %mul3A_197 = vector.broadcast %mul3A_196 : i32 to vector<16xi32>
      %mul3A_198 = arith.muli %get3A_195, %mul3A_197 : vector<16xi32>
      %get3A_199 = arith.index_cast %scan3A_74 : i32 to index
      %get3A_200 = arith.constant 112 : index
      %get3A_201 = tpu.vector_load %arg7[%get3A_199, %get3A_200] {strides = array<i32>} : memref<40x128xi32, #tpu.memory_space<vmem>>, vector<1x16xi32>,
      %get3A_202 = vector.shape_cast %get3A_201 : vector<1x16xi32> to vector<16xi32>
      %add3A_203 = arith.addi %mul3A_198, %get3A_202 : vector<16xi32>
      %swap3A_204 = arith.index_cast %scan3A_74 : i32 to index
      %swap3A_205 = arith.constant 112 : index
      %swap3A_206 = tpu.vector_load %arg7[%swap3A_204, %swap3A_205] {strides = array<i32>} : memref<40x128xi32, #tpu.memory_space<vmem>>, vector<1x16xi32>,
      %swap3A_207 = vector.shape_cast %swap3A_206 : vector<1x16xi32> to vector<16xi32>
      %swap3A_208 = vector.shape_cast %add3A_203 : vector<16xi32> to vector<1x16xi32>
      tpu.vector_store %arg7[%swap3A_204, %swap3A_205], %swap3A_208 {strides = array<i32>} : memref<40x128xi32, #tpu.memory_space<vmem>>, vector<1x16xi32>,
    }
    %scan3A_55 = arith.constant 40 : i32
    %dma_start3A_56 = arith.constant 0 : i32
    %dma_start3A_57 = arith.constant 0 : i32
    %dma_start3A_58 = tpu.memref_slice %arg7[%dma_start3A_56, %dma_start3A_57] : memref<40x128xi32, #tpu.memory_space<vmem>> -> memref<1x128xi32, #tpu.memory_space<vmem>>
    %dma_start3A_59 = tpu.memref_squeeze %dma_start3A_58 : memref<1x128xi32, #tpu.memory_space<vmem>> -> memref<128xi32, #tpu.memory_space<vmem>>
    %dma_start3A_60 = arith.constant 0 : i32
    %dma_start3A_61 = arith.constant 0 : i32
    %dma_start3A_62 = tpu.memref_slice %arg2[%dma_start3A_60, %dma_start3A_61] : memref<90000x128xf32, #tpu.memory_space<hbm>> -> memref<90000x128xf32, #tpu.memory_space<hbm>>
    tpu.enqueue_indirect_dma source(%dma_start3A_62 : memref<90000x128xf32, #tpu.memory_space<hbm>>) target(%arg10 : memref<128x128xf32, #tpu.memory_space<vmem>>) offsets(%dma_start3A_59 : memref<128xi32, #tpu.memory_space<vmem>>) semaphore(%arg13 : memref<!tpu.dma_semaphore, #tpu.memory_space<semaphore_mem>>)
    %scan3A_63 = arith.constant 0 : i32
    %scan3A_64 = arith.constant 0 : i32
    %scan3A_65 = arith.constant 20 : i32
    %scan3A_66 = arith.addi %scan3A_64, %scan3A_65 : i32
    %scan3A_67 = arith.constant 1 : i32
    scf.for %scan3A_74 = %scan3A_64 to %scan3A_66 step %scan3A_67  : i32 {
      %mul3A_75 = arith.constant 2 : i32
      %mul3A_76 = arith.muli %mul3A_75, %scan3A_74 : i32
      %add3A_77 = arith.constant 1 : i32
      %add3A_78 = arith.addi %mul3A_76, %add3A_77 : i32
      %dma_wait3A = arith.constant 0 : i32
      %dma_wait3A_79 = tpu.memref_slice %arg7[%mul3A_76, %dma_wait3A] : memref<40x128xi32, #tpu.memory_space<vmem>> -> memref<1x128xi32, #tpu.memory_space<vmem>>
      %dma_wait3A_80 = tpu.memref_squeeze %dma_wait3A_79 : memref<1x128xi32, #tpu.memory_space<vmem>> -> memref<128xi32, #tpu.memory_space<vmem>>
      %dma_wait3A_81 = arith.constant 0 : i32
      %dma_wait3A_82 = arith.constant 0 : i32
      %dma_wait3A_83 = tpu.memref_slice %arg2[%dma_wait3A_81, %dma_wait3A_82] : memref<90000x128xf32, #tpu.memory_space<hbm>> -> memref<90000x128xf32, #tpu.memory_space<hbm>>
      tpu.wait_indirect_dma semaphore(%arg13 : memref<!tpu.dma_semaphore, #tpu.memory_space<semaphore_mem>>) src(%dma_wait3A_83 : memref<90000x128xf32, #tpu.memory_space<hbm>>) dst(%arg10 : memref<128x128xf32, #tpu.memory_space<vmem>>)
      %dma_start3A_84 = arith.constant 0 : i32
      %dma_start3A_85 = tpu.memref_slice %arg7[%add3A_78, %dma_start3A_84] : memref<40x128xi32, #tpu.memory_space<vmem>> -> memref<1x128xi32, #tpu.memory_space<vmem>>
      %dma_start3A_86 = tpu.memref_squeeze %dma_start3A_85 : memref<1x128xi32, #tpu.memory_space<vmem>> -> memref<128xi32, #tpu.memory_space<vmem>>
      %dma_start3A_87 = arith.constant 0 : i32
      %dma_start3A_88 = arith.constant 0 : i32
      %dma_start3A_89 = tpu.memref_slice %arg2[%dma_start3A_87, %dma_start3A_88] : memref<90000x128xf32, #tpu.memory_space<hbm>> -> memref<90000x128xf32, #tpu.memory_space<hbm>>
      tpu.enqueue_indirect_dma source(%dma_start3A_89 : memref<90000x128xf32, #tpu.memory_space<hbm>>) target(%arg11 : memref<128x128xf32, #tpu.memory_space<vmem>>) offsets(%dma_start3A_86 : memref<128xi32, #tpu.memory_space<vmem>>) semaphore(%arg14 : memref<!tpu.dma_semaphore, #tpu.memory_space<semaphore_mem>>)
      "tpu.region"() ({
        %run_scoped3A = tpu.sem_alloc : memref<!tpu.dma_semaphore, #tpu.memory_space<semaphore_mem>>
        %dma_start3A_100 = arith.constant 0 : i32
        %dma_start3A_101 = tpu.memref_slice %arg9[%mul3A_76, %dma_start3A_100] : memref<40x128xi32, #tpu.memory_space<vmem>> -> memref<1x128xi32, #tpu.memory_space<vmem>>
        %dma_start3A_102 = tpu.memref_squeeze %dma_start3A_101 : memref<1x128xi32, #tpu.memory_space<vmem>> -> memref<128xi32, #tpu.memory_space<vmem>>
        %dma_start3A_103 = arith.constant 0 : i32
        %dma_start3A_104 = arith.constant 0 : i32
        %dma_start3A_105 = tpu.memref_slice %arg12[%dma_start3A_103, %dma_start3A_104] : memref<10240x128xf32, #tpu.memory_space<vmem_shared>> -> memref<10240x128xf32, #tpu.memory_space<vmem_shared>>
        tpu.enqueue_indirect_dma source(%arg10 : memref<128x128xf32, #tpu.memory_space<vmem>>) target(%dma_start3A_105 : memref<10240x128xf32, #tpu.memory_space<vmem_shared>>) offsets(%dma_start3A_102 : memref<128xi32, #tpu.memory_space<vmem>>) semaphore(%run_scoped3A : memref<!tpu.dma_semaphore, #tpu.memory_space<semaphore_mem>>) {add = true}
        %dma_wait3A_106 = arith.constant 0 : i32
        %dma_wait3A_107 = tpu.memref_slice %arg9[%mul3A_76, %dma_wait3A_106] : memref<40x128xi32, #tpu.memory_space<vmem>> -> memref<1x128xi32, #tpu.memory_space<vmem>>
        %dma_wait3A_108 = tpu.memref_squeeze %dma_wait3A_107 : memref<1x128xi32, #tpu.memory_space<vmem>> -> memref<128xi32, #tpu.memory_space<vmem>>
        %dma_wait3A_109 = arith.constant 0 : i32
        %dma_wait3A_110 = arith.constant 0 : i32
        %dma_wait3A_111 = tpu.memref_slice %arg12[%dma_wait3A_109, %dma_wait3A_110] : memref<10240x128xf32, #tpu.memory_space<vmem_shared>> -> memref<10240x128xf32, #tpu.memory_space<vmem_shared>>
        tpu.wait_indirect_dma semaphore(%run_scoped3A : memref<!tpu.dma_semaphore, #tpu.memory_space<semaphore_mem>>) src(%arg10 : memref<128x128xf32, #tpu.memory_space<vmem>>) dst(%dma_wait3A_111 : memref<10240x128xf32, #tpu.memory_space<vmem_shared>>)
        tpu.yield
      }) : () -> ()
      %dma_wait3A_90 = arith.constant 0 : i32
      %dma_wait3A_91 = tpu.memref_slice %arg7[%add3A_78, %dma_wait3A_90] : memref<40x128xi32, #tpu.memory_space<vmem>> -> memref<1x128xi32, #tpu.memory_space<vmem>>
      %dma_wait3A_92 = tpu.memref_squeeze %dma_wait3A_91 : memref<1x128xi32, #tpu.memory_space<vmem>> -> memref<128xi32, #tpu.memory_space<vmem>>
      %dma_wait3A_93 = arith.constant 0 : i32
      %dma_wait3A_94 = arith.constant 0 : i32
      %dma_wait3A_95 = tpu.memref_slice %arg2[%dma_wait3A_93, %dma_wait3A_94] : memref<90000x128xf32, #tpu.memory_space<hbm>> -> memref<90000x128xf32, #tpu.memory_space<hbm>>
      tpu.wait_indirect_dma semaphore(%arg14 : memref<!tpu.dma_semaphore, #tpu.memory_space<semaphore_mem>>) src(%dma_wait3A_95 : memref<90000x128xf32, #tpu.memory_space<hbm>>) dst(%arg11 : memref<128x128xf32, #tpu.memory_space<vmem>>)
      %add3A_96 = arith.constant 2 : i32
      %add3A_97 = arith.addi %mul3A_76, %add3A_96 : i32
      %lt3A = arith.constant 40 : i32
      %lt3A_98 = arith.cmpi slt, %add3A_97, %lt3A : i32
      %convert_element_type3A = arith.extui %lt3A_98 : i1 to i32
      %cond3A = arith.constant 0 : i32
      %cond3A_99 = arith.cmpi ne, %convert_element_type3A, %cond3A : i32
      scf.if %cond3A_99 {
        %add3A_100 = arith.constant 2 : i32
        %add3A_101 = arith.addi %mul3A_76, %add3A_100 : i32
        %dma_start3A_102 = arith.constant 0 : i32
        %dma_start3A_103 = tpu.memref_slice %arg7[%add3A_101, %dma_start3A_102] : memref<40x128xi32, #tpu.memory_space<vmem>> -> memref<1x128xi32, #tpu.memory_space<vmem>>
        %dma_start3A_104 = tpu.memref_squeeze %dma_start3A_103 : memref<1x128xi32, #tpu.memory_space<vmem>> -> memref<128xi32, #tpu.memory_space<vmem>>
        %dma_start3A_105 = arith.constant 0 : i32
        %dma_start3A_106 = arith.constant 0 : i32
        %dma_start3A_107 = tpu.memref_slice %arg2[%dma_start3A_105, %dma_start3A_106] : memref<90000x128xf32, #tpu.memory_space<hbm>> -> memref<90000x128xf32, #tpu.memory_space<hbm>>
        tpu.enqueue_indirect_dma source(%dma_start3A_107 : memref<90000x128xf32, #tpu.memory_space<hbm>>) target(%arg10 : memref<128x128xf32, #tpu.memory_space<vmem>>) offsets(%dma_start3A_104 : memref<128xi32, #tpu.memory_space<vmem>>) semaphore(%arg13 : memref<!tpu.dma_semaphore, #tpu.memory_space<semaphore_mem>>)
      } else {
      }
      "tpu.region"() ({
        %run_scoped3A = tpu.sem_alloc : memref<!tpu.dma_semaphore, #tpu.memory_space<semaphore_mem>>
        %dma_start3A_100 = arith.constant 0 : i32
        %dma_start3A_101 = tpu.memref_slice %arg9[%add3A_78, %dma_start3A_100] : memref<40x128xi32, #tpu.memory_space<vmem>> -> memref<1x128xi32, #tpu.memory_space<vmem>>
        %dma_start3A_102 = tpu.memref_squeeze %dma_start3A_101 : memref<1x128xi32, #tpu.memory_space<vmem>> -> memref<128xi32, #tpu.memory_space<vmem>>
        %dma_start3A_103 = arith.constant 0 : i32
        %dma_start3A_104 = arith.constant 0 : i32
        %dma_start3A_105 = tpu.memref_slice %arg12[%dma_start3A_103, %dma_start3A_104] : memref<10240x128xf32, #tpu.memory_space<vmem_shared>> -> memref<10240x128xf32, #tpu.memory_space<vmem_shared>>
        tpu.enqueue_indirect_dma source(%arg11 : memref<128x128xf32, #tpu.memory_space<vmem>>) target(%dma_start3A_105 : memref<10240x128xf32, #tpu.memory_space<vmem_shared>>) offsets(%dma_start3A_102 : memref<128xi32, #tpu.memory_space<vmem>>) semaphore(%run_scoped3A : memref<!tpu.dma_semaphore, #tpu.memory_space<semaphore_mem>>) {add = true}
        %dma_wait3A_106 = arith.constant 0 : i32
        %dma_wait3A_107 = tpu.memref_slice %arg9[%add3A_78, %dma_wait3A_106] : memref<40x128xi32, #tpu.memory_space<vmem>> -> memref<1x128xi32, #tpu.memory_space<vmem>>
        %dma_wait3A_108 = tpu.memref_squeeze %dma_wait3A_107 : memref<1x128xi32, #tpu.memory_space<vmem>> -> memref<128xi32, #tpu.memory_space<vmem>>
        %dma_wait3A_109 = arith.constant 0 : i32
        %dma_wait3A_110 = arith.constant 0 : i32
        %dma_wait3A_111 = tpu.memref_slice %arg12[%dma_wait3A_109, %dma_wait3A_110] : memref<10240x128xf32, #tpu.memory_space<vmem_shared>> -> memref<10240x128xf32, #tpu.memory_space<vmem_shared>>
        tpu.wait_indirect_dma semaphore(%run_scoped3A : memref<!tpu.dma_semaphore, #tpu.memory_space<semaphore_mem>>) src(%arg11 : memref<128x128xf32, #tpu.memory_space<vmem>>) dst(%dma_wait3A_111 : memref<10240x128xf32, #tpu.memory_space<vmem_shared>>)
        tpu.yield
      }) : () -> ()
    }
    %scan3A_68 = arith.constant 20 : i32
    %barrier3A_69 = arith.constant 0 : index
    tpu.barrier barrier_id(%barrier3A_69)
    %mul3A_70 = arith.constant 640 : i32
    %mul3A_71 = arith.muli %arg1, %mul3A_70 : i32
    %mul3A_72 = arith.constant 640 : i32
    %mul3A_73 = arith.muli %arg1, %mul3A_72 : i32
    "tpu.region"() ({
      %run_scoped3A = tpu.sem_alloc : memref<!tpu.dma_semaphore, #tpu.memory_space<semaphore_mem>>
      %dma_start3A_74 = arith.constant 0 : i32
      %dma_start3A_75 = tpu.memref_slice %arg6[%arg0, %mul3A_73, %dma_start3A_74] : memref<2x10240x128xf32, #tpu.memory_space<hbm>> -> memref<1x640x128xf32, #tpu.memory_space<hbm>>
      %dma_start3A_76 = tpu.memref_squeeze %dma_start3A_75 : memref<1x640x128xf32, #tpu.memory_space<hbm>> -> memref<640x128xf32, #tpu.memory_space<hbm>>
      %dma_start3A_77 = arith.constant 0 : i32
      %dma_start3A_78 = tpu.memref_slice %arg12[%mul3A_71, %dma_start3A_77] : memref<10240x128xf32, #tpu.memory_space<vmem_shared>> -> memref<640x128xf32, #tpu.memory_space<vmem_shared>>
      tpu.enqueue_dma source(%dma_start3A_78 : memref<640x128xf32, #tpu.memory_space<vmem_shared>>) target(%dma_start3A_76 : memref<640x128xf32, #tpu.memory_space<hbm>>) target_semaphore(%run_scoped3A : memref<!tpu.dma_semaphore, #tpu.memory_space<semaphore_mem>>)
      %dma_wait3A = arith.constant 0 : i32
      %dma_wait3A_79 = tpu.memref_slice %arg6[%arg0, %mul3A_73, %dma_wait3A] : memref<2x10240x128xf32, #tpu.memory_space<hbm>> -> memref<1x640x128xf32, #tpu.memory_space<hbm>>
      %dma_wait3A_80 = tpu.memref_squeeze %dma_wait3A_79 : memref<1x640x128xf32, #tpu.memory_space<hbm>> -> memref<640x128xf32, #tpu.memory_space<hbm>>
      %dma_wait3A_81 = arith.constant 0 : i32
      %dma_wait3A_82 = tpu.memref_slice %arg12[%mul3A_71, %dma_wait3A_81] : memref<10240x128xf32, #tpu.memory_space<vmem_shared>> -> memref<640x128xf32, #tpu.memory_space<vmem_shared>>
      tpu.wait_dma2 semaphore(%run_scoped3A : memref<!tpu.dma_semaphore, #tpu.memory_space<semaphore_mem>>) src(%dma_wait3A_82 : memref<640x128xf32, #tpu.memory_space<vmem_shared>>) dst(%dma_wait3A_80 : memref<640x128xf32, #tpu.memory_space<hbm>>)
      tpu.yield
    }) : () -> ()
    return
  }
}

module attributes {stable_mosaic.version = 14 : i64} {
  func.func @_mm_body(%arg0: i32, %arg1: memref<10000x128xf32, #tpu.memory_space<vmem>>, %arg2: memref<1x128x128xf32, #tpu.memory_space<vmem>>, %arg3: memref<10000x128xf32, #tpu.memory_space<vmem>>) attributes {dimension_semantics = [#tpu.dimension_semantics<arbitrary>], iteration_bounds = array<i64: 9>, scalar_prefetch = 0 : i64, scratch_operands = 0 : i64, tpu.core_type = #tpu.core_type<tc>, window_params = [{pipeline_mode = #tpu.pipeline_mode<synchronous>, transform_indices = @transform_0, window_bounds = array<i64: 10000, 128>}, {transform_indices = @transform_1, window_bounds = array<i64: 1, 128, 128>}, {transform_indices = @transform_2, window_bounds = array<i64: 10000, 128>}]} {
    %get3A = arith.constant 0 : index
    %get3A_0 = arith.constant 0 : index
    %get3A_1 = vector.load %arg1[%get3A, %get3A_0] : memref<10000x128xf32, #tpu.memory_space<vmem>>, vector<10000x128xf32>
    %get3A_2 = arith.constant 0 : index
    %get3A_3 = arith.constant 0 : index
    %get3A_4 = arith.constant 0 : index
    %get3A_5 = vector.load %arg2[%get3A_2, %get3A_3, %get3A_4] : memref<1x128x128xf32, #tpu.memory_space<vmem>>, vector<1x128x128xf32>
    %get3A_6 = vector.shape_cast %get3A_5 : vector<1x128x128xf32> to vector<128x128xf32>
    %dot_general3A = arith.constant dense<0.000000e+00> : vector<10000x128xf32>
    %dot_general3A_7 = tpu.matmul %get3A_1, %get3A_6, %dot_general3A {dimension_numbers = #tpu.dot_dimension_numbers<[1], [0], [0], [1], [0, 0, 1, 1], [], []>, transpose_lhs_hint = false} : vector<10000x128xf32>, vector<128x128xf32>, vector<10000x128xf32> -> vector<10000x128xf32>
    %swap3A = arith.constant 0 : index
    %swap3A_8 = arith.constant 0 : index
    %swap3A_9 = vector.load %arg3[%swap3A, %swap3A_8] : memref<10000x128xf32, #tpu.memory_space<vmem>>, vector<10000x128xf32>
    tpu.vector_store %arg3[%swap3A, %swap3A_8], %dot_general3A_7 {strides = array<i32>} : memref<10000x128xf32, #tpu.memory_space<vmem>>, vector<10000x128xf32>,
    return
  }
  func.func @transform_0(%arg0: i32) -> (i32, i32) {
    %c0_i32 = arith.constant 0 : i32
    %c0_i32_0 = arith.constant 0 : i32
    %c0_i32_1 = arith.constant 0 : i32
    return %c0_i32, %c0_i32_0 : i32, i32
  }
  func.func @transform_1(%arg0: i32) -> (i32, i32, i32) {
    %c0_i32 = arith.constant 0 : i32
    %c0_i32_0 = arith.constant 0 : i32
    %c0_i32_1 = arith.constant 0 : i32
    return %arg0, %c0_i32, %c0_i32_0 : i32, i32, i32
  }
  func.func @transform_2(%arg0: i32) -> (i32, i32) {
    %c0_i32 = arith.constant 0 : i32
    %c0_i32_0 = arith.constant 0 : i32
    return %arg0, %c0_i32 : i32, i32
  }
}

module attributes {stable_mosaic.version = 14 : i64} {
  func.func @_epi_body(%arg0: i32, %arg1: memref<2x400x128xf32, #tpu.memory_space<vmem>>, %arg2: memref<400x128xf32, #tpu.memory_space<vmem>>, %arg3: memref<1x128xf32, #tpu.memory_space<vmem>>, %arg4: memref<400x128xf32, #tpu.memory_space<vmem>>) attributes {dimension_semantics = [#tpu.dimension_semantics<arbitrary>], iteration_bounds = array<i64: 25>, scalar_prefetch = 0 : i64, scratch_operands = 0 : i64, tpu.core_type = #tpu.core_type<tc>, window_params = [{transform_indices = @transform_0, window_bounds = array<i64: 2, 400, 128>}, {transform_indices = @transform_1, window_bounds = array<i64: 400, 128>}, {pipeline_mode = #tpu.pipeline_mode<synchronous>, transform_indices = @transform_2, window_bounds = array<i64: 1, 128>}, {transform_indices = @transform_3, window_bounds = array<i64: 400, 128>}]} {
    %get3A = arith.constant 0 : index
    %get3A_0 = arith.constant 0 : index
    %get3A_1 = arith.constant 0 : index
    %get3A_2 = vector.load %arg1[%get3A, %get3A_0, %get3A_1] : memref<2x400x128xf32, #tpu.memory_space<vmem>>, vector<1x400x128xf32>
    %get3A_3 = vector.shape_cast %get3A_2 : vector<1x400x128xf32> to vector<400x128xf32>
    %get3A_4 = arith.constant 1 : index
    %get3A_5 = arith.constant 0 : index
    %get3A_6 = arith.constant 0 : index
    %get3A_7 = vector.load %arg1[%get3A_4, %get3A_5, %get3A_6] : memref<2x400x128xf32, #tpu.memory_space<vmem>>, vector<1x400x128xf32>
    %get3A_8 = vector.shape_cast %get3A_7 : vector<1x400x128xf32> to vector<400x128xf32>
    %add3A = arith.addf %get3A_3, %get3A_8 : vector<400x128xf32>
    %get3A_9 = arith.constant 0 : index
    %get3A_10 = arith.constant 0 : index
    %get3A_11 = vector.load %arg2[%get3A_9, %get3A_10] : memref<400x128xf32, #tpu.memory_space<vmem>>, vector<400x128xf32>
    %add3A_12 = arith.addf %add3A, %get3A_11 : vector<400x128xf32>
    %get3A_13 = arith.constant 0 : index
    %get3A_14 = arith.constant 0 : index
    %get3A_15 = vector.load %arg3[%get3A_13, %get3A_14] : memref<1x128xf32, #tpu.memory_space<vmem>>, vector<1x128xf32>
    %add3A_16 = vector.broadcast %get3A_15 : vector<1x128xf32> to vector<400x128xf32>
    %add3A_17 = arith.addf %add3A_12, %add3A_16 : vector<400x128xf32>
    %max3A = arith.constant 0.000000e+00 : f32
    %max3A_18 = vector.broadcast %max3A : f32 to vector<400x128xf32>
    %max3A_19 = arith.maximumf %add3A_17, %max3A_18 : vector<400x128xf32>
    %swap3A = arith.constant 0 : index
    %swap3A_20 = arith.constant 0 : index
    %swap3A_21 = vector.load %arg4[%swap3A, %swap3A_20] : memref<400x128xf32, #tpu.memory_space<vmem>>, vector<400x128xf32>
    tpu.vector_store %arg4[%swap3A, %swap3A_20], %max3A_19 {strides = array<i32>} : memref<400x128xf32, #tpu.memory_space<vmem>>, vector<400x128xf32>,
    return
  }
  func.func @transform_0(%arg0: i32) -> (i32, i32, i32) {
    %c0_i32 = arith.constant 0 : i32
    %c0_i32_0 = arith.constant 0 : i32
    %c0_i32_1 = arith.constant 0 : i32
    return %c0_i32, %arg0, %c0_i32_0 : i32, i32, i32
  }
  func.func @transform_1(%arg0: i32) -> (i32, i32) {
    %add3A = arith.constant 200 : i32
    %add3A_0 = arith.addi %add3A, %arg0 : i32
    %c0_i32 = arith.constant 0 : i32
    %c0_i32_1 = arith.constant 0 : i32
    return %add3A_0, %c0_i32 : i32, i32
  }
  func.func @transform_2(%arg0: i32) -> (i32, i32) {
    %c0_i32 = arith.constant 0 : i32
    %c0_i32_0 = arith.constant 0 : i32
    %c0_i32_1 = arith.constant 0 : i32
    return %c0_i32, %c0_i32_0 : i32, i32
  }
  func.func @transform_3(%arg0: i32) -> (i32, i32) {
    %c0_i32 = arith.constant 0 : i32
    %c0_i32_0 = arith.constant 0 : i32
    return %arg0, %c0_i32 : i32, i32
  }
}

module attributes {stable_mosaic.version = 14 : i64} {
  func.func @_epi_body(%arg0: i32, %arg1: memref<2x400x128xf32, #tpu.memory_space<vmem>>, %arg2: memref<400x128xf32, #tpu.memory_space<vmem>>, %arg3: memref<1x128xf32, #tpu.memory_space<vmem>>, %arg4: memref<400x128xf32, #tpu.memory_space<vmem>>) attributes {dimension_semantics = [#tpu.dimension_semantics<arbitrary>], iteration_bounds = array<i64: 25>, scalar_prefetch = 0 : i64, scratch_operands = 0 : i64, tpu.core_type = #tpu.core_type<tc>, window_params = [{transform_indices = @transform_0, window_bounds = array<i64: 2, 400, 128>}, {transform_indices = @transform_1, window_bounds = array<i64: 400, 128>}, {pipeline_mode = #tpu.pipeline_mode<synchronous>, transform_indices = @transform_2, window_bounds = array<i64: 1, 128>}, {transform_indices = @transform_3, window_bounds = array<i64: 400, 128>}]} {
    %get3A = arith.constant 0 : index
    %get3A_0 = arith.constant 0 : index
    %get3A_1 = arith.constant 0 : index
    %get3A_2 = vector.load %arg1[%get3A, %get3A_0, %get3A_1] : memref<2x400x128xf32, #tpu.memory_space<vmem>>, vector<1x400x128xf32>
    %get3A_3 = vector.shape_cast %get3A_2 : vector<1x400x128xf32> to vector<400x128xf32>
    %get3A_4 = arith.constant 1 : index
    %get3A_5 = arith.constant 0 : index
    %get3A_6 = arith.constant 0 : index
    %get3A_7 = vector.load %arg1[%get3A_4, %get3A_5, %get3A_6] : memref<2x400x128xf32, #tpu.memory_space<vmem>>, vector<1x400x128xf32>
    %get3A_8 = vector.shape_cast %get3A_7 : vector<1x400x128xf32> to vector<400x128xf32>
    %add3A = arith.addf %get3A_3, %get3A_8 : vector<400x128xf32>
    %get3A_9 = arith.constant 0 : index
    %get3A_10 = arith.constant 0 : index
    %get3A_11 = vector.load %arg2[%get3A_9, %get3A_10] : memref<400x128xf32, #tpu.memory_space<vmem>>, vector<400x128xf32>
    %add3A_12 = arith.addf %add3A, %get3A_11 : vector<400x128xf32>
    %get3A_13 = arith.constant 0 : index
    %get3A_14 = arith.constant 0 : index
    %get3A_15 = vector.load %arg3[%get3A_13, %get3A_14] : memref<1x128xf32, #tpu.memory_space<vmem>>, vector<1x128xf32>
    %add3A_16 = vector.broadcast %get3A_15 : vector<1x128xf32> to vector<400x128xf32>
    %add3A_17 = arith.addf %add3A_12, %add3A_16 : vector<400x128xf32>
    %swap3A = arith.constant 0 : index
    %swap3A_18 = arith.constant 0 : index
    %swap3A_19 = vector.load %arg4[%swap3A, %swap3A_18] : memref<400x128xf32, #tpu.memory_space<vmem>>, vector<400x128xf32>
    tpu.vector_store %arg4[%swap3A, %swap3A_18], %add3A_17 {strides = array<i32>} : memref<400x128xf32, #tpu.memory_space<vmem>>, vector<400x128xf32>,
    return
  }
  func.func @transform_0(%arg0: i32) -> (i32, i32, i32) {
    %c0_i32 = arith.constant 0 : i32
    %c0_i32_0 = arith.constant 0 : i32
    %c0_i32_1 = arith.constant 0 : i32
    return %c0_i32, %arg0, %c0_i32_0 : i32, i32, i32
  }
  func.func @transform_1(%arg0: i32) -> (i32, i32) {
    %add3A = arith.constant 200 : i32
    %add3A_0 = arith.addi %add3A, %arg0 : i32
    %c0_i32 = arith.constant 0 : i32
    %c0_i32_1 = arith.constant 0 : i32
    return %add3A_0, %c0_i32 : i32, i32
  }
  func.func @transform_2(%arg0: i32) -> (i32, i32) {
    %c0_i32 = arith.constant 0 : i32
    %c0_i32_0 = arith.constant 0 : i32
    %c0_i32_1 = arith.constant 0 : i32
    return %c0_i32, %c0_i32_0 : i32, i32
  }
  func.func @transform_3(%arg0: i32) -> (i32, i32) {
    %c0_i32 = arith.constant 0 : i32
    %c0_i32_0 = arith.constant 0 : i32
    return %arg0, %c0_i32 : i32, i32
  }
}

</mosaic_0001>

<sc_bundles>
// kernel: kernel.11.cloned.1.call-start
scs
__scs_entry_jumppad:
0x0: {  	(pc) =	sbr.rel $0x88, $3  }
0x1: {  	(tag) =	ssettag $0x0;
	lr =	simm.s32 $0x1  }
0x2: {  	[smem:$0x3F98] =	sst lr;
	_ =	strace $0xD0000000  }
0x3: {  	_ = 	snop  }
0x4: {  	_ = 	snop  }
0x5: {  	_ = 	snop  }
0x6: {  	_ = 	snop  }
0x7: {  	_ = 	snop  }
__scs_overlays_trampoline_lowered:
0x8: {  	[smem:$0x3FA7] =	sst s0  }
0x9: {  	[smem:$0x3FA8] =	sst s1  }
0xa: {  	[smem:$0x3FA9] =	sst s2  }
0xb: {  	[smem:$0x3FAA] =	sst s3  }
0xc: {  	[smem:$0x3FAB] =	sst s4  }
0xd: {  	[smem:$0x3FAC] =	sst s5  }
0xe: {  	[smem:$0x3FAD] =	sst s6  }
0xf: {  	[smem:$0x3FAE] =	sst s7  }
0x10: {  	[smem:$0x3FAF] =	sst s8  }
0x11: {  	[smem:$0x3FB0] =	sst s9;
	s0 =	simm.s32 @!p0 $0x0  }
0x12: {  	s1 =	sld [smem:$0x3F96];
	s0 =	simm.s32 @p0 $0x1  }
0x13: {  	[smem:$0x3FB1] =	sst s0;
	s0 =	simm.s32 @!p1 $0x0  }
0x14: {  	s2 =	sld [smem:$0x3F95];
	s0 =	simm.s32 @p1 $0x1  }
0x15: {  	[smem:$0x3FB2] =	sst s0;
	s0 =	simm.s32 @!p2 $0x0  }
0x16: {  	s3 =	sld [smem:$0x3FDB];
	s0 =	simm.s32 @p2 $0x1  }
0x17: {  	s4 =	simm.s32 $0x1BF5;
	[smem:$0x3FB4] =	sst s0  }
0x18: {  	s0 =	sld [smem:$0x3F97];
	_ =	swait.ge [sflag:s4], $0x0  }
0x19: {  	s7 =	sld [smem:$0x3F98]  }
0x1a: {  	s8 =	sadd.s32 $0xFFFFE003, lr  }
0x1b: {  	s9 =	sadd.s32 $0xFFFFFEF7, lr;
	s5 =	simm.s32 $0xFFFFFFFF;
	p2 =	slt.u32 s8, $0xFFFFF086  }
0x1c: {  	p1 =	slt.u32 s9, $0xF7A;
	s5 =	simm.s32 @!p2 $0x0  }
0x1d: {  	s5 =	simm.s32 @p1 $0x1;
	p0 =	seq.s32 s7, s2  }
0x1e: {  	s7 =	smul.u32 @!p0 $0xF7A, s2;
	p2 =	seq.s32 @!p0 s5, $0x0  }
0x1f: {  	s9 =	smul.u32 $0xF7A, s1;
	s8 =	simm.s32 @!p0 $0x1BF5;
	p2 =	por !p2, p0  }
0x20: {  	[sflag:s8] =	ssyncset.s32 @!p0 $0xFFFFF086;
	s6 =	sadd.s32 @!p0 s3, s7;
	s7 =	simm.s32 @!p0 $0x108  }
0x21: {  	s3 =	sadd.s32 s3, s9;
	s6 =	sadd.s32 @!p0 $0x88, s6;
	s7 =	simm.s32 @p2 $0x1082  }
0x22: {  	[simem:s7], [sflag:s8] =	dma.local @!p0 [hbm:s6], $0xF7A  }
0x23: {  	s9 =	sor.u32 $0xD0000000, s2;
	s6 =	simm.s32 $0x108;
	_ =	swait.ge @!p0 [sflag:s8], $0x0  }
0x24: {  	s3 =	sadd.s32 $0x88, s3;
	s6 =	simm.s32 @!p1 $0x1082;
	[sflag:s4] =	ssyncset.s32 $0xFFFFF086  }
0x25: {  	[simem:s6], [sflag:s4] =	dma.local [hbm:s3], $0xF7A  }
0x26: {  	[smem:$0x3F98] =	sst s1;
	(tag) =	ssettag s2;
	_ =	strace s9  }
0x27: {  	s1 =	sld [smem:$0x3FA8]  }
0x28: {  	s2 =	sld [smem:$0x3FA9]  }
0x29: {  	s4 =	sld [smem:$0x3FAB]  }
0x2a: {  	p0 =	seq.s32 s5, $0x0;
	s5 =	sld [smem:$0x3FAC]  }
0x2b: {  	s6 =	sld [smem:$0x3FAD]  }
0x2c: {  	s7 =	sld [smem:$0x3FAE]  }
0x2d: {  	s3 =	simm.s32 $0x108;
	s8 =	sld [smem:$0x3FAF]  }
0x2e: {  	s3 =	simm.s32 @!p0 $0x1082;
	s9 =	sld [smem:$0x3FB0]  }
0x2f: {  	lr =	sadd.s32 s0, s3;
	s0 =	sld [smem:$0x3FA7]  }
0x30: {  	s3 =	sld [smem:$0x3FAA]  }
0x31: {  	[smem:$0x3FB3] =	sst s10  }
0x32: {  	s10 =	sld [smem:$0x3FB1];
	_ =	sdelay $0x3  }
0x33: {  	p0 =	seq.s32 s10, $0x1;
	s10 =	sld [smem:$0x3FB3];
	_ =	sdelay $0x3  }
0x34: {  	[smem:$0x3FB3] =	sst s10  }
0x35: {  	s10 =	sld [smem:$0x3FB2];
	_ =	sdelay $0x3  }
0x36: {  	p1 =	seq.s32 s10, $0x1;
	s10 =	sld [smem:$0x3FB3];
	_ =	sdelay $0x3  }
0x37: {  	[smem:$0x3FB3] =	sst s10  }
0x38: {  	s10 =	sld [smem:$0x3FB4]  }
0x39: {  	_ = 	snop;
	(pc) =	sbr.ind lr, $3  }
0x3a: {  	_ = 	snop  }
0x3b: {  	_ = 	snop  }
0x3c: {  	p2 =	seq.s32 s10, $0x1;
	s10 =	sld [smem:$0x3FB3]  }
0x3d: {  	_ =	shalt  }
0x3e: {  	_ =	shalt  }
0x3f: {  	_ =	shalt  }
0x40: {  	_ =	shalt  }
0x41: {  	_ =	shalt  }
0x42: {  	_ =	shalt  }
0x43: {  	_ =	shalt  }
0x44: {  	_ =	shalt  }
0x45: {  	_ =	shalt  }
0x46: {  	_ =	shalt  }
0x47: {  	_ =	shalt  }
0x48: {  	_ =	shalt  }
0x49: {  	_ =	shalt  }
0x4a: {  	_ =	shalt  }
0x4b: {  	_ =	shalt  }
0x4c: {  	_ =	shalt  }
0x4d: {  	_ =	shalt  }
0x4e: {  	_ =	shalt  }
0x4f: {  	_ =	shalt  }
0x50: {  	_ =	shalt  }
0x51: {  	_ =	shalt  }
0x52: {  	_ =	shalt  }
0x53: {  	_ =	shalt  }
0x54: {  	_ =	shalt  }
0x55: {  	_ =	shalt  }
0x56: {  	_ =	shalt  }
0x57: {  	_ =	shalt  }
0x58: {  	_ =	shalt  }
0x59: {  	_ =	shalt  }
0x5a: {  	_ =	shalt  }
0x5b: {  	_ =	shalt  }
0x5c: {  	_ =	shalt  }
0x5d: {  	_ =	shalt  }
0x5e: {  	_ =	shalt  }
0x5f: {  	_ =	shalt  }
0x60: {  	_ =	shalt  }
0x61: {  	_ =	shalt  }
0x62: {  	_ =	shalt  }
0x63: {  	_ =	shalt  }
0x64: {  	_ =	shalt  }
0x65: {  	_ =	shalt  }
0x66: {  	_ =	shalt  }
0x67: {  	_ =	shalt  }
0x68: {  	_ =	shalt  }
0x69: {  	_ =	shalt  }
0x6a: {  	_ =	shalt  }
0x6b: {  	_ =	shalt  }
0x6c: {  	_ =	shalt  }
0x6d: {  	_ =	shalt  }
0x6e: {  	_ =	shalt  }
0x6f: {  	_ =	shalt  }
0x70: {  	_ =	shalt  }
0x71: {  	_ =	shalt  }
0x72: {  	_ =	shalt  }
0x73: {  	_ =	shalt  }
0x74: {  	_ =	shalt  }
0x75: {  	_ =	shalt  }
0x76: {  	_ =	shalt  }
0x77: {  	_ =	shalt  }
0x78: {  	_ =	shalt  }
0x79: {  	_ =	shalt  }
0x7a: {  	_ =	shalt  }
0x7b: {  	_ =	shalt  }
0x7c: {  	_ =	shalt  }
0x7d: {  	_ =	shalt  }
0x7e: {  	_ =	shalt  }
0x7f: {  	_ =	shalt  }
0x80: {  	_ =	shalt  }
0x81: {  	_ =	shalt  }
0x82: {  	_ =	shalt  }
0x83: {  	_ =	shalt  }
0x84: {  	_ =	shalt  }
0x85: {  	_ =	shalt  }
0x86: {  	_ =	shalt  }
0x87: {  	_ =	shalt  }
.Lfunc_end0:
.L_simem_size_0:
called_computation.1_lowered:
.L_overlay_start_0:
0x88: {  	s2 =	sld [smem:$0x3FD9]  }
0x89: {  	s3 =	sld [smem:$0x3FFE];
	_ =	sdelay $0x1  }
0x8a: {  	s1 =	srdreg.scid  }
0x8b: {  	s0 =	sand.u32 $0x1, s1  }
0x8c: {  	s17 =	sshll.u32 s0, $0xA;
	s2 =	sadd.s32 s3, s2  }
0x8d: {  	s2 =	sadd.s32 s2, s17  }
0x8e: {  	[smem:$0x3FBF] =	sst s2  }
0x8f: {  	_ = 	snop  }
0x90: {  	s2 =	sld [smem:$0x3FD0];
	(tm) =	ssettm $0x1  }
0x91: {  	s18 =	sld [smem:$0x3FFB];
	_ =	sdelay $0x3  }
0x92: {  	_ =	strace s18  }
0x93: {  	s3 =	sld [smem:$0x3FFC];
	_ =	sdelay $0x3  }
0x94: {  	_ =	strace s3  }
0x95: {  	s3 =	sld [smem:$0x3FFD];
	_ =	sdelay $0x3  }
0x96: {  	_ =	strace s3  }
0x97: {  	_ =	strace $0x8FFFFFFF  }
0x98: {  	s19 =	sld [smem:$0x3FDB];
	_ =	sdelay $0x1  }
0x99: {  	s4 =	simm.s32 $_scs_section_size  }
0x9a: {  	s5 =	simm.s32 $_size__tile_overlayer_lowered;
	s6 =	simm.s32 $_tile_overlayer_lowered  }
0x9b: {  	s22 =	simm.s32 $0x1BFF;
	s21 =	sshll.u32 s6, $0x1;
	s3 =	sadd.s32 s4, s19  }
0x9c: {  	s7 =	simm.s32 $0x0;
	s20 =	sshll.u32 s5, $0x1;
	s5 =	sadd.s32 s21, s3  }
0x9d: {  	[timem:s7], [sflag:s22] =	dma.local [hbm:s5], s20  }
0x9e: {  	_ =	swait.ge [sflag:s22], s20  }
0x9f: {  	s4 =	ssub.s32 $0x0, s20;
	[sflag:s22] =	ssyncset.done $0x0  }
0xa0: {  	[sflag:s22] =	ssyncadd.s32 s4;
	_ =	sdelay $0x1  }
0xa1: {  	s23 =	simm.s32 $0x1B8B  }
0xa2: {  	_ =	swait.ge [sflag:s23], $0x1  }
0xa3: {  	[sflag:s23] =	ssyncset.done $0x0  }
0xa4: {  	s25 =	simm.s32 $0x1B8E;
	s24 =	sld [smem:$0x3FFE];
	[sflag:s23] =	ssyncadd.s32 $0xFFFFFFFF  }
0xa5: {  	s26 =	simm.s32 $execute0_lowered;
	[smem:$0x3FD2] =	sst s25  }
0xa6: {  	s5 =	sshll.u32 s26, $0x1;
	_ =	strace $0x80000049;
	[dreg:$0x1] =	wrdreg $0xFFFFFFFF  }
0xa7: {  	s28 =	simm.s32 $_size_execute0_lowered;
	s3 =	sadd.s32 s3, s5;
	[dreg:$0x0] =	wrdreg $0x0  }
0xa8: {  	s5 =	sshll.u32 s28, $0x1;
	[dreg:$0x2] =	wrdreg s3  }
0xa9: {  	[dreg:$0x3] =	wrdreg s5  }
0xaa: {  	[dreg:$0x4] =	wrdreg $0xC0  }
0xab: {  	_ =	task [dreg:s7], $0x5FFFF  }
0xac: {  	[dreg:$0x1] =	wrdreg $0xFFFFFFFF  }
0xad: {  	[dreg:$0x0] =	wrdreg $0x60  }
0xae: {  	[dreg:$0x2] =	wrdreg s24  }
0xaf: {  	[dreg:$0x3] =	wrdreg s2  }
0xb0: {  	[dreg:$0x4] =	wrdreg $0xBC000  }
0xb1: {  	[dreg:$0x5] =	wrdreg $0x9  }
0xb2: {  	_ =	task.clear_ibuf [dreg:s7], $0x6FFFF;
	_ =	strace $0x90000049  }
0xb3: {  	s29 =	simm.s32 $0x9;
	_ =	strace $0x8000004B  }
0xb4: {  	_ =	swait.ge [sflag:s29], $0x1  }
0xb5: {  	[sflag:s29] =	ssyncadd.s32 $0xFFFFFFFF  }
0xb6: {  	_ =	strace $0x9000004B  }
0xb7: {  	_ =	sfence  }
0xb8: {  	s30 =	sld [smem:$0x0];
	_ =	sdelay $0x2  }
0xb9: {  	s31 =	sshll.u32 s1, $0xD;
	s1 =	sshrl.u32 s1, $0x2  }
0xba: {  	s3 =	sand.u32 $0x4000, s31;
	s1 =	sadd.s32 s1, s30  }
0xbb: {  	s0 =	sor.u32 s3, s0;
	s1 =	sshll.u32 s1, $0x11  }
0xbc: {  	s0 =	sor.u32 s1, s0  }
0xbd: {  	s0 =	sadd.s32 $0x8F2B, s0  }
0xbe: {  	[sflag:s0] =	ssyncadd.remote.s32 $0x1  }
0xbf: {  	_ =	sfence.sel $0xFFFF  }
0xc0: {  	[dreg:$0x0] =	wrdreg $0xFFFFFFFF;
	(pc) =	sbr.abs _section_cstart, $3  }
0xc1: {  	[dreg:$0x1] =	wrdreg $0xFFFFFFFF  }
0xc2: {  	_ =	task.clear_ibuf [dreg:s7], $0x2FFFF;
	_ =	strace $0x9FFFFFFF  }
0xc3: {  	(tm) =	ssettm $0x7FFFFFFF  }
tec
execute0_lowered:
.L_overlay_start_1:
0x0: {  	(tag) =	ssettag $0x1  }
0x1: {  	s5 =	rddreg [dreg:$0x0]  }
0x2: {  	s13 =	rddreg [dreg:$0x1]  }
0x3: {  	s0 =	srdreg.scid;
	s2 =	rddreg [dreg:$0x2]  }
0x4: {  	s1 =	stileid.u32;
	s3 =	simm.s32 $0x0;
	s19 =	simm.s32 $0x3  }
0x5: {  	s20 =	simm.s32 $0x1400;
	s21 =	simm.s32 $0x2800;
	s22 =	simm.s32 $0x80  }
0x6: {  	s23 =	simm.s32 $0x1;
	s28 =	simm.s32 $0x3B00;
	s29 =	simm.s32 $0x3B80  }
0x7: {  	s6 =	sand.u32 $0x1, s0;
	s8 =	smul.u32 $0x14000, s1;
	[smem:$0x7FF] =	sst s3  }
0x8: {  	s4 =	sadd.s32 $0xB400, s5;
	s14 =	sadd.s32 $0x1400, s5;
	s24 =	smul.u32 $0x50000, s1  }
0x9: {  	s15 =	sadd.s32 $0x16AE00, s5;
	s7 =	smul.u32 $0x140000, s6;
	s25 =	sshll.u32 s6, $0x4  }
0xa: {  	_ =	strace $0x8000004A;
	s6 =	ssub.s32 $0x2, s6;
	s26 =	sor.u32 s1, s25  }
0xb: {  	s30 =	sshrl.u32 s24, $0x2;
	s31 =	sshrl.u32 s6, $0x1;
	s24 =	simm.s32 $0x7C00  }
0xc: {  	s25 =	simm.s32 $0x2;
	s7 =	sadd.s32 s8, s7;
	s9 =	smul.u32 $0x2800, s26  }
0xd: {  	s17 =	ssub.s32 s6, s31;
	s12 =	smul.u32 $0x500, s26;
	s7 =	sshrl.u32 s7, $0x3  }
0xe: {  	s26 =	simm.s32 $0x1380;
	s17 =	smax.u32 s17, $0x1;
	s16 =	sadd.s32 s7, s5  }
0xf: {  	s5 =	sadd.s32 s30, s2;
	s11 =	sshrl.u32 s9, $0x3;
	s10 =	sadd.s32 s13, s12  }
0x10: {  	s6 =	sadd.s32 $0x4000, s5;
	s7 =	sadd.s32 $0x8000, s5;
	s8 =	sadd.s32 $0xC000, s5  }
0x11: {  	s9 =	sadd.s32 $0x10000, s5;
	s18 =	sadd.s32 $0x280, s11;
	s11 =	sadd.s32 s14, s12  }
0x12: {  	s12 =	sadd.s32 s15, s12;
	s16 =	sadd.s32 $0x174E00, s16;
	s13 =	sadd.s32 s13, s18  }
0x13: {  	v0 =	vimm.f32 $0.0e+00;
	s14 =	sadd.s32 s14, s18;
	s15 =	sadd.s32 s15, s18;
	s18 =	simm.s32 $0x3C00  }
.LBB2_1:
0x14: {  	s30 =	simm.s32 $0x0;
	s31 =	simm.s32 $0x200  }
.LBB2_2:
0x15: {  	p0 =	sne.s32 s31, $0xFE00;
	[tilespmem:s30+$0x3C70] =	vst v0  }
0x16: {  	[tilespmem:s30+$0x3C00] =	vst v0  }
0x17: {  	[tilespmem:s30+$0x3C10] =	vst v0  }
.Ltmp0:
0x18: {  	[tilespmem:s30+$0x3C20] =	vst v0;
	(pc) =	sbr.rel @p0 .LBB2_2-.Ltmp0, $4  }
0x19: {  	[tilespmem:s30+$0x3C30] =	vst v0  }
0x1a: {  	[tilespmem:s30+$0x3C40] =	vst v0  }
0x1b: {  	[tilespmem:s30+$0x3C50] =	vst v0  }
0x1c: {  	[tilespmem:s30+$0x3C60] =	vst v0;
	s30 =	sshra.s32 s31, $0x2;
	s31 =	sadd.s32 $0x200, s31  }
0x1d: {  	[tilespmem:s30+$0x3C70] =	vst v0  }
0x1e: {  	[tilespmem:s30+$0x3C00] =	vst v0  }
0x1f: {  	[tilespmem:s30+$0x3C10] =	vst v0  }
0x20: {  	[tilespmem:s30+$0x3C20] =	vst v0  }
0x21: {  	[tilespmem:s30+$0x3C30] =	vst v0  }
0x22: {  	[tilespmem:s30+$0x3C40] =	vst v0  }
0x23: {  	[tilespmem:s30+$0x3C50] =	vst v0  }
0x24: {  	[tilespmem:s30+$0x3C60] =	vst v0  }
0x25: {  	[spmem:s5] =	stream.linear.scatter [tilespmem:s18], [sflag:$0x3], $0x4000, $0x38;
	[tilespmem:$0x1FC00] =	vst v63  }
0x26: {  	_ =	swait.ge [sflag:s19], $0x4000  }
0x27: {  	[sflag:s19] =	ssyncset.done $0x0  }
0x28: {  	[sflag:s19] =	ssyncadd.s32 $0xFFFFC000  }
0x29: {  	[spmem:s6] =	stream.linear.scatter [tilespmem:s18], [sflag:$0x3], $0x4000, $0x38;
	[tilespmem:$0x1FC00] =	vst v63  }
0x2a: {  	_ =	swait.ge [sflag:s19], $0x4000  }
0x2b: {  	[sflag:s19] =	ssyncset.done $0x0  }
0x2c: {  	[sflag:s19] =	ssyncadd.s32 $0xFFFFC000  }
0x2d: {  	[spmem:s7] =	stream.linear.scatter [tilespmem:s18], [sflag:$0x3], $0x4000, $0x38;
	[tilespmem:$0x1FC00] =	vst v63  }
0x2e: {  	_ =	swait.ge [sflag:s19], $0x4000  }
0x2f: {  	[sflag:s19] =	ssyncset.done $0x0  }
0x30: {  	[sflag:s19] =	ssyncadd.s32 $0xFFFFC000  }
0x31: {  	[spmem:s8] =	stream.linear.scatter [tilespmem:s18], [sflag:$0x3], $0x4000, $0x38;
	[tilespmem:$0x1FC00] =	vst v63  }
0x32: {  	_ =	swait.ge [sflag:s19], $0x4000  }
0x33: {  	[sflag:s19] =	ssyncset.done $0x0  }
0x34: {  	[sflag:s19] =	ssyncadd.s32 $0xFFFFC000  }
0x35: {  	[spmem:s9] =	stream.linear.scatter [tilespmem:s18], [sflag:$0x3], $0x4000, $0x38;
	[tilespmem:$0x1FC00] =	vst v63  }
0x36: {  	_ =	swait.ge [sflag:s19], $0x4000  }
0x37: {  	[sflag:s19] =	ssyncset.done $0x0  }
0x38: {  	[sflag:s19] =	ssyncadd.s32 $0xFFFFC000  }
0x39: {  	s30 =	simm.s32 $0x0;
	[bflag:$0x0] =	sbarrier.arrive $0xFFFF  }
0x3a: {  	[tilespmem:s30], [sflag:$0x3] =	stream.linear.gather [hbm4b:s10+s30], $0x1400, $0x38;
	[tilespmem:$0x1FC00] =	vst v63  }
0x3b: {  	_ =	swait.ge [sflag:s19], $0x1400  }
0x3c: {  	[sflag:s19] =	ssyncset.done $0x0  }
0x3d: {  	[sflag:s19] =	ssyncadd.s32 $0xFFFFEC00  }
0x3e: {  	[tilespmem:s20], [sflag:$0x3] =	stream.linear.gather [hbm4b:s11+s30], $0x1400, $0x38;
	[tilespmem:$0x1FC00] =	vst v63  }
0x3f: {  	_ =	swait.ge [sflag:s19], $0x1400  }
0x40: {  	[sflag:s19] =	ssyncset.done $0x0  }
0x41: {  	[sflag:s19] =	ssyncadd.s32 $0xFFFFEC00  }
0x42: {  	[tilespmem:s21], [sflag:$0x3] =	stream.linear.gather [hbm4b:s12+s30], $0x1400, $0x38;
	[tilespmem:$0x1FC00] =	vst v63  }
0x43: {  	_ =	swait.ge [sflag:s19], $0x1400  }
0x44: {  	[sflag:s19] =	ssyncset.done $0x0  }
0x45: {  	s30 =	simm.s32 $0x0;
	[sflag:s19] =	ssyncadd.s32 $0xFFFFEC00  }
0x46: {  	v7 =	vld [tilespmem:s30+$0x1400]  }
0x47: {  	v12 =	vld [tilespmem:s30+$0x1410]  }
0x48: {  	v6 =	vld [tilespmem:s30+$0x1420]  }
0x49: {  	v5 =	vld [tilespmem:s30+$0x1430]  }
0x4a: {  	v4 =	vld [tilespmem:s30+$0x1440]  }
0x4b: {  	v3 =	vld [tilespmem:s30+$0x1450]  }
0x4c: {  	v2 =	vld [tilespmem:s30+$0x1460]  }
0x4d: {  	v1 =	vld [tilespmem:s30+$0x1470]  }
0x4e: {  	v11 =	vld [tilespmem:s30+$0x0]  }
0x4f: {  	v10 =	vld [tilespmem:s30+$0x10]  }
0x50: {  	v9 =	vld [tilespmem:s30+$0x20]  }
0x51: {  	v8 =	vld [tilespmem:s30+$0x30];
	v13 =	vmul.u32 $0x2710, v7  }
0x52: {  	s31 =	simm.s32 $0x200;
	v12 =	vmul.u32 $0x2710, v12;
	v7 =	vld [tilespmem:s30+$0x40]  }
.LBB2_4:
0x53: {  	p0 =	sne.s32 s31, $0x4E00;
	v11 =	vadd.s32 v11, v13;
	v6 =	vmul.u32 $0x2710, v6;
	v13 =	vld [tilespmem:s30+$0x50]  }
0x54: {  	v5 =	vmul.u32 $0x2710, v5;
	[tilespmem:s30+$0x0] =	vst v11;
	v10 =	vadd.s32 v10, v12;
	v11 =	vld [tilespmem:s30+$0x60]  }
0x55: {  	s0 =	sshra.s32 s31, $0x2;
	v4 =	vmul.u32 $0x2710, v4;
	[tilespmem:s30+$0x10] =	vst v10;
	v6 =	vadd.s32 v9, v6;
	v9 =	vld [tilespmem:s30+$0x70]  }
0x56: {  	v3 =	vmul.u32 $0x2710, v3;
	v12 =	vld [tilespmem:s0+$0x1400];
	[tilespmem:s30+$0x20] =	vst v6;
	v5 =	vadd.s32 v8, v5  }
0x57: {  	v2 =	vmul.u32 $0x2710, v2;
	v14 =	vld [tilespmem:s0+$0x1410];
	[tilespmem:s30+$0x30] =	vst v5;
	v4 =	vadd.s32 v7, v4  }
0x58: {  	v1 =	vmul.u32 $0x2710, v1;
	v6 =	vld [tilespmem:s0+$0x1420];
	[tilespmem:s30+$0x40] =	vst v4;
	v3 =	vadd.s32 v13, v3  }
0x59: {  	v5 =	vld [tilespmem:s0+$0x1430];
	[tilespmem:s30+$0x50] =	vst v3;
	v2 =	vadd.s32 v11, v2  }
0x5a: {  	v4 =	vld [tilespmem:s0+$0x1440];
	[tilespmem:s30+$0x60] =	vst v2;
	v1 =	vadd.s32 v9, v1  }
0x5b: {  	v3 =	vld [tilespmem:s0+$0x1450];
	[tilespmem:s30+$0x70] =	vst v1;
	s30 =	smov.u32 s0  }
0x5c: {  	v2 =	vld [tilespmem:s30+$0x1460]  }
0x5d: {  	v1 =	vld [tilespmem:s30+$0x1470]  }
.Ltmp1:
0x5e: {  	v11 =	vld [tilespmem:s30+$0x0];
	(pc) =	sbr.rel @p0 .LBB2_4-.Ltmp1, $4  }
0x5f: {  	v10 =	vld [tilespmem:s30+$0x10]  }
0x60: {  	v9 =	vld [tilespmem:s30+$0x20]  }
0x61: {  	v13 =	vmul.u32 $0x2710, v12;
	v8 =	vld [tilespmem:s30+$0x30]  }
0x62: {  	s31 =	sadd.s32 $0x200, s31;
	v12 =	vmul.u32 $0x2710, v14;
	v7 =	vld [tilespmem:s30+$0x40]  }
0x63: {  	v11 =	vadd.s32 v11, v13;
	v61 =	vld [tilespmem:s30+$0x50];
	v6 =	vmul.u32 $0x2710, v6  }
0x64: {  	v62 =	vld [tilespmem:s30+$0x60];
	v5 =	vmul.u32 $0x2710, v5;
	[tilespmem:s30+$0x0] =	vst v11;
	v10 =	vadd.s32 v10, v12  }
0x65: {  	v4 =	vmul.u32 $0x2710, v4;
	v63 =	vld [tilespmem:s30+$0x70];
	[tilespmem:s30+$0x10] =	vst v10;
	v6 =	vadd.s32 v9, v6  }
0x66: {  	v3 =	vmul.u32 $0x2710, v3;
	[tilespmem:s30+$0x20] =	vst v6;
	v5 =	vadd.s32 v8, v5  }
0x67: {  	v2 =	vmul.u32 $0x2710, v2;
	[tilespmem:s30+$0x30] =	vst v5;
	v4 =	vadd.s32 v7, v4  }
0x68: {  	v1 =	vmul.u32 $0x2710, v1;
	[tilespmem:s30+$0x40] =	vst v4;
	v3 =	vadd.s32 v61, v3  }
0x69: {  	v2 =	vadd.s32 v62, v2;
	[tilespmem:s30+$0x50] =	vst v3  }
0x6a: {  	v1 =	vadd.s32 v63, v1;
	[tilespmem:s30+$0x60] =	vst v2  }
0x6b: {  	s0 =	simm.s32 $0x0;
	[tilespmem:s30+$0x70] =	vst v1  }
0x6c: {  	[tilespmem:s18], [sflag:$0x1] =	stream.indirect.gather [hbm4b:s4+s22], $0x80, s0, s22, $0xb8;
	[tilespmem:$0x1FC00] =	vst v63  }
0x6d: {  	_ =	swait.ge [sflag:s23], $0x4000  }
0x6e: {  	[sflag:s23] =	ssyncset.done $0x0  }
0x6f: {  	s31 =	simm.s32 $0x80;
	[sflag:s23] =	ssyncadd.s32 $0xFFFFC000  }
0x70: {  	[tilespmem:s24], [sflag:$0x2] =	stream.indirect.gather [hbm4b:s4+s22], $0x80, s31, s22, $0xb8;
	[tilespmem:$0x1FC00] =	vst v63  }
0x71: {  	s31 =	simm.s32 $0x2800  }
0x72: {  	[spmem:s2] =	stream.indirect.scatter.add.f32 [tilespmem:s18], [sflag:$0x3], $0x80, s31, s22, $0xb8;
	[tilespmem:$0x1FC00] =	vst v63  }
0x73: {  	_ =	swait.ge [sflag:s19], $0x4000  }
0x74: {  	[sflag:s19] =	ssyncset.done $0x0  }
0x75: {  	[sflag:s19] =	ssyncadd.s32 $0xFFFFC000  }
0x76: {  	_ =	swait.ge [sflag:s25], $0x4000  }
0x77: {  	[sflag:s25] =	ssyncset.done $0x0  }
0x78: {  	s31 =	simm.s32 $0x100;
	[sflag:s25] =	ssyncadd.s32 $0xFFFFC000  }
0x79: {  	[tilespmem:s18], [sflag:$0x1] =	stream.indirect.gather [hbm4b:s4+s22], $0x80, s31, s22, $0xb8;
	[tilespmem:$0x1FC00] =	vst v63  }
0x7a: {  	s31 =	simm.s32 $0x2880  }
0x7b: {  	[spmem:s2] =	stream.indirect.scatter.add.f32 [tilespmem:s24], [sflag:$0x3], $0x80, s31, s22, $0xb8;
	[tilespmem:$0x1FC00] =	vst v63  }
0x7c: {  	_ =	swait.ge [sflag:s19], $0x4000  }
0x7d: {  	s30 =	simm.s32 $0x400;
	[sflag:s19] =	ssyncset.done $0x0  }
.LBB2_6:
0x7e: {  	p0 =	sne.s32 s30, $0x4800  }
0x7f: {  	[sflag:s19] =	ssyncadd.s32 $0xFFFFC000;
	s0 =	smov.u32 s30;
	s30 =	sadd.s32 $0x400, s30  }
0x80: {  	_ = 	snop  }
0x81: {  	_ =	swait.ge [sflag:s23], $0x4000  }
0x82: {  	s0 =	sshra.s32 s0, $0x2;
	[sflag:s23] =	ssyncset.done $0x0  }
0x83: {  	s31 =	sadd.s32 $0x80, s0;
	[sflag:s23] =	ssyncadd.s32 $0xFFFFC000  }
0x84: {  	[tilespmem:s24], [sflag:$0x2] =	stream.indirect.gather [hbm4b:s4+s22], $0x80, s31, s22, $0xb8;
	[tilespmem:$0x1FC00] =	vst v63  }
0x85: {  	s31 =	sadd.s32 $0x2800, s0  }
0x86: {  	[spmem:s2] =	stream.indirect.scatter.add.f32 [tilespmem:s18], [sflag:$0x3], $0x80, s31, s22, $0xb8;
	[tilespmem:$0x1FC00] =	vst v63  }
0x87: {  	_ =	swait.ge [sflag:s19], $0x4000  }
0x88: {  	[sflag:s19] =	ssyncset.done $0x0  }
0x89: {  	[sflag:s19] =	ssyncadd.s32 $0xFFFFC000  }
0x8a: {  	_ =	swait.ge [sflag:s25], $0x4000  }
0x8b: {  	[sflag:s25] =	ssyncset.done $0x0  }
0x8c: {  	s31 =	sadd.s32 $0x100, s0;
	[sflag:s25] =	ssyncadd.s32 $0xFFFFC000  }
0x8d: {  	[tilespmem:s18], [sflag:$0x1] =	stream.indirect.gather [hbm4b:s4+s22], $0x80, s31, s22, $0xb8;
	[tilespmem:$0x1FC00] =	vst v63  }
.Ltmp2:
0x8e: {  	_ = 	snop;
	(pc) =	sbr.rel @p0 .LBB2_6-.Ltmp2, $4  }
0x8f: {  	s0 =	sadd.s32 $0x2880, s0  }
0x90: {  	[spmem:s2] =	stream.indirect.scatter.add.f32 [tilespmem:s24], [sflag:$0x3], $0x80, s0, s22, $0xb8;
	[tilespmem:$0x1FC00] =	vst v63  }
0x91: {  	_ =	swait.ge [sflag:s19], $0x4000  }
0x92: {  	[sflag:s19] =	ssyncset.done $0x0  }
0x93: {  	[sflag:s19] =	ssyncadd.s32 $0xFFFFC000  }
0x94: {  	_ =	swait.ge [sflag:s23], $0x4000  }
0x95: {  	[sflag:s23] =	ssyncset.done $0x0  }
0x96: {  	[sflag:s23] =	ssyncadd.s32 $0xFFFFC000  }
0x97: {  	[tilespmem:s24], [sflag:$0x2] =	stream.indirect.gather [hbm4b:s4+s22], $0x80, s26, s22, $0xb8;
	[tilespmem:$0x1FC00] =	vst v63  }
0x98: {  	_ = 	snop  }
0x99: {  	[spmem:s2] =	stream.indirect.scatter.add.f32 [tilespmem:s18], [sflag:$0x3], $0x80, s28, s22, $0xb8;
	[tilespmem:$0x1FC00] =	vst v63  }
0x9a: {  	_ =	swait.ge [sflag:s19], $0x4000  }
0x9b: {  	[sflag:s19] =	ssyncset.done $0x0  }
0x9c: {  	[sflag:s19] =	ssyncadd.s32 $0xFFFFC000  }
0x9d: {  	_ =	swait.ge [sflag:s25], $0x4000  }
0x9e: {  	[sflag:s25] =	ssyncset.done $0x0  }
0x9f: {  	[sflag:s25] =	ssyncadd.s32 $0xFFFFC000  }
0xa0: {  	[spmem:s2] =	stream.indirect.scatter.add.f32 [tilespmem:s24], [sflag:$0x3], $0x80, s29, s22, $0xb8;
	[tilespmem:$0x1FC00] =	vst v63  }
0xa1: {  	_ =	swait.ge [sflag:s19], $0x4000  }
0xa2: {  	[sflag:s19] =	ssyncset.done $0x0  }
0xa3: {  	s0 =	simm.s32 $0x0;
	[sflag:s19] =	ssyncadd.s32 $0xFFFFC000  }
0xa4: {  	[tilespmem:s0], [sflag:$0x3] =	stream.linear.gather [hbm4b:s13+s0], $0x1400, $0x38;
	[tilespmem:$0x1FC00] =	vst v63  }
0xa5: {  	_ =	swait.ge [sflag:s19], $0x1400  }
0xa6: {  	[sflag:s19] =	ssyncset.done $0x0  }
0xa7: {  	[sflag:s19] =	ssyncadd.s32 $0xFFFFEC00  }
0xa8: {  	[tilespmem:s20], [sflag:$0x3] =	stream.linear.gather [hbm4b:s14+s0], $0x1400, $0x38;
	[tilespmem:$0x1FC00] =	vst v63  }
0xa9: {  	_ =	swait.ge [sflag:s19], $0x1400  }
0xaa: {  	[sflag:s19] =	ssyncset.done $0x0  }
0xab: {  	[sflag:s19] =	ssyncadd.s32 $0xFFFFEC00  }
0xac: {  	[tilespmem:s21], [sflag:$0x3] =	stream.linear.gather [hbm4b:s15+s0], $0x1400, $0x38;
	[tilespmem:$0x1FC00] =	vst v63  }
0xad: {  	_ =	swait.ge [sflag:s19], $0x1400  }
0xae: {  	[sflag:s19] =	ssyncset.done $0x0  }
0xaf: {  	s30 =	simm.s32 $0x0;
	[sflag:s19] =	ssyncadd.s32 $0xFFFFEC00  }
0xb0: {  	v7 =	vld [tilespmem:s30+$0x1400]  }
0xb1: {  	v12 =	vld [tilespmem:s30+$0x1410]  }
0xb2: {  	v6 =	vld [tilespmem:s30+$0x1420]  }
0xb3: {  	v5 =	vld [tilespmem:s30+$0x1430]  }
0xb4: {  	v4 =	vld [tilespmem:s30+$0x1440]  }
0xb5: {  	v3 =	vld [tilespmem:s30+$0x1450]  }
0xb6: {  	v2 =	vld [tilespmem:s30+$0x1460]  }
0xb7: {  	v1 =	vld [tilespmem:s30+$0x1470]  }
0xb8: {  	v11 =	vld [tilespmem:s30+$0x0]  }
0xb9: {  	v10 =	vld [tilespmem:s30+$0x10]  }
0xba: {  	v9 =	vld [tilespmem:s30+$0x20]  }
0xbb: {  	v8 =	vld [tilespmem:s30+$0x30];
	v13 =	vmul.u32 $0x2710, v7  }
0xbc: {  	s31 =	simm.s32 $0x200;
	v12 =	vmul.u32 $0x2710, v12;
	v7 =	vld [tilespmem:s30+$0x40]  }
.LBB2_8:
0xbd: {  	p0 =	sne.s32 s31, $0x4E00;
	v11 =	vadd.s32 v11, v13;
	v6 =	vmul.u32 $0x2710, v6;
	v13 =	vld [tilespmem:s30+$0x50]  }
0xbe: {  	v5 =	vmul.u32 $0x2710, v5;
	[tilespmem:s30+$0x0] =	vst v11;
	v10 =	vadd.s32 v10, v12;
	v11 =	vld [tilespmem:s30+$0x60]  }
0xbf: {  	s0 =	sshra.s32 s31, $0x2;
	v4 =	vmul.u32 $0x2710, v4;
	[tilespmem:s30+$0x10] =	vst v10;
	v6 =	vadd.s32 v9, v6;
	v9 =	vld [tilespmem:s30+$0x70]  }
0xc0: {  	v3 =	vmul.u32 $0x2710, v3;
	v12 =	vld [tilespmem:s0+$0x1400];
	[tilespmem:s30+$0x20] =	vst v6;
	v5 =	vadd.s32 v8, v5  }
0xc1: {  	v2 =	vmul.u32 $0x2710, v2;
	v14 =	vld [tilespmem:s0+$0x1410];
	[tilespmem:s30+$0x30] =	vst v5;
	v4 =	vadd.s32 v7, v4  }
0xc2: {  	v1 =	vmul.u32 $0x2710, v1;
	v6 =	vld [tilespmem:s0+$0x1420];
	[tilespmem:s30+$0x40] =	vst v4;
	v3 =	vadd.s32 v13, v3  }
0xc3: {  	v5 =	vld [tilespmem:s0+$0x1430];
	[tilespmem:s30+$0x50] =	vst v3;
	v2 =	vadd.s32 v11, v2  }
0xc4: {  	v4 =	vld [tilespmem:s0+$0x1440];
	[tilespmem:s30+$0x60] =	vst v2;
	v1 =	vadd.s32 v9, v1  }
0xc5: {  	v3 =	vld [tilespmem:s0+$0x1450];
	[tilespmem:s30+$0x70] =	vst v1;
	s30 =	smov.u32 s0  }
0xc6: {  	v2 =	vld [tilespmem:s30+$0x1460]  }
0xc7: {  	v1 =	vld [tilespmem:s30+$0x1470]  }
.Ltmp3:
0xc8: {  	v11 =	vld [tilespmem:s30+$0x0];
	(pc) =	sbr.rel @p0 .LBB2_8-.Ltmp3, $4  }
0xc9: {  	v10 =	vld [tilespmem:s30+$0x10]  }
0xca: {  	v9 =	vld [tilespmem:s30+$0x20]  }
0xcb: {  	v13 =	vmul.u32 $0x2710, v12;
	v8 =	vld [tilespmem:s30+$0x30]  }
0xcc: {  	s31 =	sadd.s32 $0x200, s31;
	v12 =	vmul.u32 $0x2710, v14;
	v7 =	vld [tilespmem:s30+$0x40]  }
0xcd: {  	v11 =	vadd.s32 v11, v13;
	v61 =	vld [tilespmem:s30+$0x50];
	v6 =	vmul.u32 $0x2710, v6  }
0xce: {  	v62 =	vld [tilespmem:s30+$0x60];
	v5 =	vmul.u32 $0x2710, v5;
	[tilespmem:s30+$0x0] =	vst v11;
	v10 =	vadd.s32 v10, v12  }
0xcf: {  	v4 =	vmul.u32 $0x2710, v4;
	v63 =	vld [tilespmem:s30+$0x70];
	[tilespmem:s30+$0x10] =	vst v10;
	v6 =	vadd.s32 v9, v6  }
0xd0: {  	v3 =	vmul.u32 $0x2710, v3;
	[tilespmem:s30+$0x20] =	vst v6;
	v5 =	vadd.s32 v8, v5  }
0xd1: {  	v2 =	vmul.u32 $0x2710, v2;
	[tilespmem:s30+$0x30] =	vst v5;
	v4 =	vadd.s32 v7, v4  }
0xd2: {  	v1 =	vmul.u32 $0x2710, v1;
	[tilespmem:s30+$0x40] =	vst v4;
	v3 =	vadd.s32 v61, v3  }
0xd3: {  	v2 =	vadd.s32 v62, v2;
	[tilespmem:s30+$0x50] =	vst v3  }
0xd4: {  	v1 =	vadd.s32 v63, v1;
	[tilespmem:s30+$0x60] =	vst v2  }
0xd5: {  	s0 =	simm.s32 $0x0;
	[tilespmem:s30+$0x70] =	vst v1  }
0xd6: {  	[tilespmem:s18], [sflag:$0x1] =	stream.indirect.gather [hbm4b:s4+s22], $0x80, s0, s22, $0xb8;
	[tilespmem:$0x1FC00] =	vst v63  }
0xd7: {  	_ =	swait.ge [sflag:s23], $0x4000  }
0xd8: {  	[sflag:s23] =	ssyncset.done $0x0  }
0xd9: {  	s31 =	simm.s32 $0x80;
	[sflag:s23] =	ssyncadd.s32 $0xFFFFC000  }
0xda: {  	[tilespmem:s24], [sflag:$0x2] =	stream.indirect.gather [hbm4b:s4+s22], $0x80, s31, s22, $0xb8;
	[tilespmem:$0x1FC00] =	vst v63  }
0xdb: {  	s31 =	simm.s32 $0x2800  }
0xdc: {  	[spmem:s2] =	stream.indirect.scatter.add.f32 [tilespmem:s18], [sflag:$0x3], $0x80, s31, s22, $0xb8;
	[tilespmem:$0x1FC00] =	vst v63  }
0xdd: {  	_ =	swait.ge [sflag:s19], $0x4000  }
0xde: {  	[sflag:s19] =	ssyncset.done $0x0  }
0xdf: {  	[sflag:s19] =	ssyncadd.s32 $0xFFFFC000  }
0xe0: {  	_ =	swait.ge [sflag:s25], $0x4000  }
0xe1: {  	[sflag:s25] =	ssyncset.done $0x0  }
0xe2: {  	s31 =	simm.s32 $0x100;
	[sflag:s25] =	ssyncadd.s32 $0xFFFFC000  }
0xe3: {  	[tilespmem:s18], [sflag:$0x1] =	stream.indirect.gather [hbm4b:s4+s22], $0x80, s31, s22, $0xb8;
	[tilespmem:$0x1FC00] =	vst v63  }
0xe4: {  	s31 =	simm.s32 $0x2880  }
0xe5: {  	[spmem:s2] =	stream.indirect.scatter.add.f32 [tilespmem:s24], [sflag:$0x3], $0x80, s31, s22, $0xb8;
	[tilespmem:$0x1FC00] =	vst v63  }
0xe6: {  	_ =	swait.ge [sflag:s19], $0x4000  }
0xe7: {  	s30 =	simm.s32 $0x400;
	[sflag:s19] =	ssyncset.done $0x0  }
.LBB2_10:
0xe8: {  	p0 =	sne.s32 s30, $0x4800  }
0xe9: {  	[sflag:s19] =	ssyncadd.s32 $0xFFFFC000;
	s0 =	smov.u32 s30;
	s30 =	sadd.s32 $0x400, s30  }
0xea: {  	_ = 	snop  }
0xeb: {  	_ =	swait.ge [sflag:s23], $0x4000  }
0xec: {  	s0 =	sshra.s32 s0, $0x2;
	[sflag:s23] =	ssyncset.done $0x0  }
0xed: {  	s31 =	sadd.s32 $0x80, s0;
	[sflag:s23] =	ssyncadd.s32 $0xFFFFC000  }
0xee: {  	[tilespmem:s24], [sflag:$0x2] =	stream.indirect.gather [hbm4b:s4+s22], $0x80, s31, s22, $0xb8;
	[tilespmem:$0x1FC00] =	vst v63  }
0xef: {  	s31 =	sadd.s32 $0x2800, s0  }
0xf0: {  	[spmem:s2] =	stream.indirect.scatter.add.f32 [tilespmem:s18], [sflag:$0x3], $0x80, s31, s22, $0xb8;
	[tilespmem:$0x1FC00] =	vst v63  }
0xf1: {  	_ =	swait.ge [sflag:s19], $0x4000  }
0xf2: {  	[sflag:s19] =	ssyncset.done $0x0  }
0xf3: {  	[sflag:s19] =	ssyncadd.s32 $0xFFFFC000  }
0xf4: {  	_ =	swait.ge [sflag:s25], $0x4000  }
0xf5: {  	[sflag:s25] =	ssyncset.done $0x0  }
0xf6: {  	s31 =	sadd.s32 $0x100, s0;
	[sflag:s25] =	ssyncadd.s32 $0xFFFFC000  }
0xf7: {  	[tilespmem:s18], [sflag:$0x1] =	stream.indirect.gather [hbm4b:s4+s22], $0x80, s31, s22, $0xb8;
	[tilespmem:$0x1FC00] =	vst v63  }
.Ltmp4:
0xf8: {  	_ = 	snop;
	(pc) =	sbr.rel @p0 .LBB2_10-.Ltmp4, $4  }
0xf9: {  	s0 =	sadd.s32 $0x2880, s0  }
0xfa: {  	[spmem:s2] =	stream.indirect.scatter.add.f32 [tilespmem:s24], [sflag:$0x3], $0x80, s0, s22, $0xb8;
	[tilespmem:$0x1FC00] =	vst v63  }
0xfb: {  	_ =	swait.ge [sflag:s19], $0x4000  }
0xfc: {  	[sflag:s19] =	ssyncset.done $0x0  }
0xfd: {  	[sflag:s19] =	ssyncadd.s32 $0xFFFFC000  }
0xfe: {  	_ =	swait.ge [sflag:s23], $0x4000  }
0xff: {  	[sflag:s23] =	ssyncset.done $0x0  }
0x100: {  	[sflag:s23] =	ssyncadd.s32 $0xFFFFC000  }
0x101: {  	[tilespmem:s24], [sflag:$0x2] =	stream.indirect.gather [hbm4b:s4+s22], $0x80, s26, s22, $0xb8;
	[tilespmem:$0x1FC00] =	vst v63  }
0x102: {  	_ = 	snop  }
0x103: {  	[spmem:s2] =	stream.indirect.scatter.add.f32 [tilespmem:s18], [sflag:$0x3], $0x80, s28, s22, $0xb8;
	[tilespmem:$0x1FC00] =	vst v63  }
0x104: {  	_ =	swait.ge [sflag:s19], $0x4000  }
0x105: {  	[sflag:s19] =	ssyncset.done $0x0  }
0x106: {  	[sflag:s19] =	ssyncadd.s32 $0xFFFFC000  }
0x107: {  	_ =	swait.ge [sflag:s25], $0x4000  }
0x108: {  	[sflag:s25] =	ssyncset.done $0x0  }
0x109: {  	[sflag:s25] =	ssyncadd.s32 $0xFFFFC000  }
0x10a: {  	[spmem:s2] =	stream.indirect.scatter.add.f32 [tilespmem:s24], [sflag:$0x3], $0x80, s29, s22, $0xb8;
	[tilespmem:$0x1FC00] =	vst v63  }
0x10b: {  	_ =	swait.ge [sflag:s19], $0x4000  }
0x10c: {  	s0 =	sshll.u32 s1, $0x6;
	s3 =	sadd.s32 $0x1, s3;
	[sflag:s19] =	ssyncset.done $0x0  }
0x10d: {  	s30 =	sshrl.u32 s5, $0x3;
	p0 =	sne.s32 s3, s17;
	[sflag:s19] =	ssyncadd.s32 $0xFFFFC000  }
.Ltmp5:
0x10e: {  	s0 =	sor.u32 $0x1C03, s0;
	[bflag:$0x0] =	sbarrier.arrive $0xFFFF;
	(pc) =	sbr.rel @p0 .LBB2_1-.Ltmp5, $4  }
0x10f: {  	[hbm:s16], [sflag:s0] =	dma.local [spmem:s30], $0x2800  }
0x110: {  	_ =	swait.ge [sflag:s19], $0x2800  }
0x111: {  	[sflag:s19] =	ssyncset.done $0x0  }
0x112: {  	[sflag:s19] =	ssyncadd.s32 $0xFFFFD800  }
0x113: {  	_ =	sfence.sel $0x180000  }
0x114: {  	[bflag:$0x0] =	sbarrier.arrive $0xFFFF  }
0x115: {  	_ =	strace $0x9000004A  }
0x116: {  	[bflag:$0x2] =	sbarrier.arrive $0xFFFF  }
0x117: {  	p0 =	sne.s32 s1, $0x0;
	s0 =	rddreg [dreg:$0x3]  }
0x118: {  	s0 =	sadd.s32 @!p0 $0x100000, s0  }
0x119: {  	[sflag:s0] =	ssyncadd.tile.s32 @!p0 $0x1;
	_ =	shalt  }
.Lfunc_end2:
_tile_overlayer_lowered:
.L_overlay_start_2:
0x11a: {  	(tag) =	ssettag $0x2  }
0x11b: {  	s0 =	rddreg [dreg:$0x0];
	s2 =	stileid.u32  }
0x11c: {  	s1 =	rddreg [dreg:$0x1];
	p0 =	sne.s32 s2, $0x0  }
0x11d: {  	s3 =	rddreg [dreg:$0x2];
	[bflag:$0x3] =	sbarrier.arrive $0xFFFF;
	s2 =	simm.s32 @!p0 $0x1C03  }
0x11e: {  	[timem:s3], [sflag:s2] =	dma.local @!p0 [hbm:s0], s1  }
0x11f: {  	s0 =	simm.s32 @!p0 $0x3  }
0x120: {  	_ =	swait.ge @!p0 [sflag:s0], s1  }
0x121: {  	s1 =	ssub.s32 @!p0 $0x0, s1;
	[sflag:s0] =	ssyncset.done @!p0 $0x0  }
0x122: {  	[sflag:s0] =	ssyncadd.s32 @!p0 s1  }
0x123: {  	[bflag:$0x3] =	sbarrier.arrive $0xFFFF  }
0x124: {  	_ =	shalt  }

// kernel: kernel.8.cloned.1.call-start
scs
__scs_entry_jumppad:
0x0: {  	(pc) =	sbr.rel $0x88, $3  }
0x1: {  	(tag) =	ssettag $0x0;
	lr =	simm.s32 $0x1  }
0x2: {  	[smem:$0x3F98] =	sst lr;
	_ =	strace $0xD0000000  }
0x3: {  	_ = 	snop  }
0x4: {  	_ = 	snop  }
0x5: {  	_ = 	snop  }
0x6: {  	_ = 	snop  }
0x7: {  	_ = 	snop  }
__scs_overlays_trampoline_lowered:
0x8: {  	[smem:$0x3FA7] =	sst s0  }
0x9: {  	[smem:$0x3FA8] =	sst s1  }
0xa: {  	[smem:$0x3FA9] =	sst s2  }
0xb: {  	[smem:$0x3FAA] =	sst s3  }
0xc: {  	[smem:$0x3FAB] =	sst s4  }
0xd: {  	[smem:$0x3FAC] =	sst s5  }
0xe: {  	[smem:$0x3FAD] =	sst s6  }
0xf: {  	[smem:$0x3FAE] =	sst s7  }
0x10: {  	[smem:$0x3FAF] =	sst s8  }
0x11: {  	[smem:$0x3FB0] =	sst s9;
	s0 =	simm.s32 @!p0 $0x0  }
0x12: {  	s1 =	sld [smem:$0x3F96];
	s0 =	simm.s32 @p0 $0x1  }
0x13: {  	[smem:$0x3FB1] =	sst s0;
	s0 =	simm.s32 @!p1 $0x0  }
0x14: {  	s2 =	sld [smem:$0x3F95];
	s0 =	simm.s32 @p1 $0x1  }
0x15: {  	[smem:$0x3FB2] =	sst s0;
	s0 =	simm.s32 @!p2 $0x0  }
0x16: {  	s3 =	sld [smem:$0x3FDB];
	s0 =	simm.s32 @p2 $0x1  }
0x17: {  	s4 =	simm.s32 $0x1BF5;
	[smem:$0x3FB4] =	sst s0  }
0x18: {  	s0 =	sld [smem:$0x3F97];
	_ =	swait.ge [sflag:s4], $0x0  }
0x19: {  	s7 =	sld [smem:$0x3F98]  }
0x1a: {  	s8 =	sadd.s32 $0xFFFFE003, lr  }
0x1b: {  	s9 =	sadd.s32 $0xFFFFFEF7, lr;
	s5 =	simm.s32 $0xFFFFFFFF;
	p2 =	slt.u32 s8, $0xFFFFF086  }
0x1c: {  	p1 =	slt.u32 s9, $0xF7A;
	s5 =	simm.s32 @!p2 $0x0  }
0x1d: {  	s5 =	simm.s32 @p1 $0x1;
	p0 =	seq.s32 s7, s2  }
0x1e: {  	s7 =	smul.u32 @!p0 $0xF7A, s2;
	p2 =	seq.s32 @!p0 s5, $0x0  }
0x1f: {  	s9 =	smul.u32 $0xF7A, s1;
	s8 =	simm.s32 @!p0 $0x1BF5;
	p2 =	por !p2, p0  }
0x20: {  	[sflag:s8] =	ssyncset.s32 @!p0 $0xFFFFF086;
	s6 =	sadd.s32 @!p0 s3, s7;
	s7 =	simm.s32 @!p0 $0x108  }
0x21: {  	s3 =	sadd.s32 s3, s9;
	s6 =	sadd.s32 @!p0 $0x88, s6;
	s7 =	simm.s32 @p2 $0x1082  }
0x22: {  	[simem:s7], [sflag:s8] =	dma.local @!p0 [hbm:s6], $0xF7A  }
0x23: {  	s9 =	sor.u32 $0xD0000000, s2;
	s6 =	simm.s32 $0x108;
	_ =	swait.ge @!p0 [sflag:s8], $0x0  }
0x24: {  	s3 =	sadd.s32 $0x88, s3;
	s6 =	simm.s32 @!p1 $0x1082;
	[sflag:s4] =	ssyncset.s32 $0xFFFFF086  }
0x25: {  	[simem:s6], [sflag:s4] =	dma.local [hbm:s3], $0xF7A  }
0x26: {  	[smem:$0x3F98] =	sst s1;
	(tag) =	ssettag s2;
	_ =	strace s9  }
0x27: {  	s1 =	sld [smem:$0x3FA8]  }
0x28: {  	s2 =	sld [smem:$0x3FA9]  }
0x29: {  	s4 =	sld [smem:$0x3FAB]  }
0x2a: {  	p0 =	seq.s32 s5, $0x0;
	s5 =	sld [smem:$0x3FAC]  }
0x2b: {  	s6 =	sld [smem:$0x3FAD]  }
0x2c: {  	s7 =	sld [smem:$0x3FAE]  }
0x2d: {  	s3 =	simm.s32 $0x108;
	s8 =	sld [smem:$0x3FAF]  }
0x2e: {  	s3 =	simm.s32 @!p0 $0x1082;
	s9 =	sld [smem:$0x3FB0]  }
0x2f: {  	lr =	sadd.s32 s0, s3;
	s0 =	sld [smem:$0x3FA7]  }
0x30: {  	s3 =	sld [smem:$0x3FAA]  }
0x31: {  	[smem:$0x3FB3] =	sst s10  }
0x32: {  	s10 =	sld [smem:$0x3FB1];
	_ =	sdelay $0x3  }
0x33: {  	p0 =	seq.s32 s10, $0x1;
	s10 =	sld [smem:$0x3FB3];
	_ =	sdelay $0x3  }
0x34: {  	[smem:$0x3FB3] =	sst s10  }
0x35: {  	s10 =	sld [smem:$0x3FB2];
	_ =	sdelay $0x3  }
0x36: {  	p1 =	seq.s32 s10, $0x1;
	s10 =	sld [smem:$0x3FB3];
	_ =	sdelay $0x3  }
0x37: {  	[smem:$0x3FB3] =	sst s10  }
0x38: {  	s10 =	sld [smem:$0x3FB4]  }
0x39: {  	_ = 	snop;
	(pc) =	sbr.ind lr, $3  }
0x3a: {  	_ = 	snop  }
0x3b: {  	_ = 	snop  }
0x3c: {  	p2 =	seq.s32 s10, $0x1;
	s10 =	sld [smem:$0x3FB3]  }
0x3d: {  	_ =	shalt  }
0x3e: {  	_ =	shalt  }
0x3f: {  	_ =	shalt  }
0x40: {  	_ =	shalt  }
0x41: {  	_ =	shalt  }
0x42: {  	_ =	shalt  }
0x43: {  	_ =	shalt  }
0x44: {  	_ =	shalt  }
0x45: {  	_ =	shalt  }
0x46: {  	_ =	shalt  }
0x47: {  	_ =	shalt  }
0x48: {  	_ =	shalt  }
0x49: {  	_ =	shalt  }
0x4a: {  	_ =	shalt  }
0x4b: {  	_ =	shalt  }
0x4c: {  	_ =	shalt  }
0x4d: {  	_ =	shalt  }
0x4e: {  	_ =	shalt  }
0x4f: {  	_ =	shalt  }
0x50: {  	_ =	shalt  }
0x51: {  	_ =	shalt  }
0x52: {  	_ =	shalt  }
0x53: {  	_ =	shalt  }
0x54: {  	_ =	shalt  }
0x55: {  	_ =	shalt  }
0x56: {  	_ =	shalt  }
0x57: {  	_ =	shalt  }
0x58: {  	_ =	shalt  }
0x59: {  	_ =	shalt  }
0x5a: {  	_ =	shalt  }
0x5b: {  	_ =	shalt  }
0x5c: {  	_ =	shalt  }
0x5d: {  	_ =	shalt  }
0x5e: {  	_ =	shalt  }
0x5f: {  	_ =	shalt  }
0x60: {  	_ =	shalt  }
0x61: {  	_ =	shalt  }
0x62: {  	_ =	shalt  }
0x63: {  	_ =	shalt  }
0x64: {  	_ =	shalt  }
0x65: {  	_ =	shalt  }
0x66: {  	_ =	shalt  }
0x67: {  	_ =	shalt  }
0x68: {  	_ =	shalt  }
0x69: {  	_ =	shalt  }
0x6a: {  	_ =	shalt  }
0x6b: {  	_ =	shalt  }
0x6c: {  	_ =	shalt  }
0x6d: {  	_ =	shalt  }
0x6e: {  	_ =	shalt  }
0x6f: {  	_ =	shalt  }
0x70: {  	_ =	shalt  }
0x71: {  	_ =	shalt  }
0x72: {  	_ =	shalt  }
0x73: {  	_ =	shalt  }
0x74: {  	_ =	shalt  }
0x75: {  	_ =	shalt  }
0x76: {  	_ =	shalt  }
0x77: {  	_ =	shalt  }
0x78: {  	_ =	shalt  }
0x79: {  	_ =	shalt  }
0x7a: {  	_ =	shalt  }
0x7b: {  	_ =	shalt  }
0x7c: {  	_ =	shalt  }
0x7d: {  	_ =	shalt  }
0x7e: {  	_ =	shalt  }
0x7f: {  	_ =	shalt  }
0x80: {  	_ =	shalt  }
0x81: {  	_ =	shalt  }
0x82: {  	_ =	shalt  }
0x83: {  	_ =	shalt  }
0x84: {  	_ =	shalt  }
0x85: {  	_ =	shalt  }
0x86: {  	_ =	shalt  }
0x87: {  	_ =	shalt  }
.Lfunc_end0:
.L_simem_size_0:
called_computation_lowered:
.L_overlay_start_0:
0x88: {  	s2 =	sld [smem:$0x3FD9]  }
0x89: {  	s3 =	sld [smem:$0x3FFE];
	_ =	sdelay $0x1  }
0x8a: {  	s1 =	srdreg.scid  }
0x8b: {  	s0 =	sand.u32 $0x1, s1  }
0x8c: {  	s17 =	sshll.u32 s0, $0xA;
	s2 =	sadd.s32 s3, s2  }
0x8d: {  	s2 =	sadd.s32 s2, s17  }
0x8e: {  	[smem:$0x3FBF] =	sst s2  }
0x8f: {  	_ = 	snop  }
0x90: {  	s2 =	sld [smem:$0x3FD0];
	(tm) =	ssettm $0x1  }
0x91: {  	s18 =	sld [smem:$0x3FFB];
	_ =	sdelay $0x3  }
0x92: {  	_ =	strace s18  }
0x93: {  	s3 =	sld [smem:$0x3FFC];
	_ =	sdelay $0x3  }
0x94: {  	_ =	strace s3  }
0x95: {  	s3 =	sld [smem:$0x3FFD];
	_ =	sdelay $0x3  }
0x96: {  	_ =	strace s3  }
0x97: {  	_ =	strace $0x8FFFFFFF  }
0x98: {  	s19 =	sld [smem:$0x3FDB];
	_ =	sdelay $0x1  }
0x99: {  	s4 =	simm.s32 $_scs_section_size  }
0x9a: {  	s5 =	simm.s32 $_size__tile_overlayer_lowered;
	s6 =	simm.s32 $_tile_overlayer_lowered  }
0x9b: {  	s22 =	simm.s32 $0x1BFF;
	s21 =	sshll.u32 s6, $0x1;
	s3 =	sadd.s32 s4, s19  }
0x9c: {  	s7 =	simm.s32 $0x0;
	s20 =	sshll.u32 s5, $0x1;
	s5 =	sadd.s32 s21, s3  }
0x9d: {  	[timem:s7], [sflag:s22] =	dma.local [hbm:s5], s20  }
0x9e: {  	_ =	swait.ge [sflag:s22], s20  }
0x9f: {  	s4 =	ssub.s32 $0x0, s20;
	[sflag:s22] =	ssyncset.done $0x0  }
0xa0: {  	[sflag:s22] =	ssyncadd.s32 s4;
	_ =	sdelay $0x1  }
0xa1: {  	s23 =	simm.s32 $0x1B8B  }
0xa2: {  	_ =	swait.ge [sflag:s23], $0x1  }
0xa3: {  	[sflag:s23] =	ssyncset.done $0x0  }
0xa4: {  	s25 =	simm.s32 $0x1B8E;
	s24 =	sld [smem:$0x3FFE];
	[sflag:s23] =	ssyncadd.s32 $0xFFFFFFFF  }
0xa5: {  	s26 =	simm.s32 $execute0_lowered;
	[smem:$0x3FD2] =	sst s25  }
0xa6: {  	s5 =	sshll.u32 s26, $0x1;
	_ =	strace $0x80000046;
	[dreg:$0x1] =	wrdreg $0xFFFFFFFF  }
0xa7: {  	s28 =	simm.s32 $_size_execute0_lowered;
	s3 =	sadd.s32 s3, s5;
	[dreg:$0x0] =	wrdreg $0x0  }
0xa8: {  	s5 =	sshll.u32 s28, $0x1;
	[dreg:$0x2] =	wrdreg s3  }
0xa9: {  	[dreg:$0x3] =	wrdreg s5  }
0xaa: {  	[dreg:$0x4] =	wrdreg $0xC0  }
0xab: {  	_ =	task [dreg:s7], $0x5FFFF  }
0xac: {  	[dreg:$0x1] =	wrdreg $0xFFFFFFFF  }
0xad: {  	[dreg:$0x0] =	wrdreg $0x60  }
0xae: {  	[dreg:$0x2] =	wrdreg s24  }
0xaf: {  	[dreg:$0x3] =	wrdreg s2  }
0xb0: {  	[dreg:$0x4] =	wrdreg $0xBC000  }
0xb1: {  	[dreg:$0x5] =	wrdreg $0x9  }
0xb2: {  	_ =	task.clear_ibuf [dreg:s7], $0x6FFFF;
	_ =	strace $0x90000046  }
0xb3: {  	s29 =	simm.s32 $0x9;
	_ =	strace $0x80000048  }
0xb4: {  	_ =	swait.ge [sflag:s29], $0x1  }
0xb5: {  	[sflag:s29] =	ssyncadd.s32 $0xFFFFFFFF  }
0xb6: {  	_ =	strace $0x90000048  }
0xb7: {  	_ =	sfence  }
0xb8: {  	s30 =	sld [smem:$0x0];
	_ =	sdelay $0x2  }
0xb9: {  	s31 =	sshll.u32 s1, $0xD;
	s1 =	sshrl.u32 s1, $0x2  }
0xba: {  	s3 =	sand.u32 $0x4000, s31;
	s1 =	sadd.s32 s1, s30  }
0xbb: {  	s0 =	sor.u32 s3, s0;
	s1 =	sshll.u32 s1, $0x11  }
0xbc: {  	s0 =	sor.u32 s1, s0  }
0xbd: {  	s0 =	sadd.s32 $0x8F2B, s0  }
0xbe: {  	[sflag:s0] =	ssyncadd.remote.s32 $0x1  }
0xbf: {  	_ =	sfence.sel $0xFFFF  }
0xc0: {  	[dreg:$0x0] =	wrdreg $0xFFFFFFFF;
	(pc) =	sbr.abs _section_cstart, $3  }
0xc1: {  	[dreg:$0x1] =	wrdreg $0xFFFFFFFF  }
0xc2: {  	_ =	task.clear_ibuf [dreg:s7], $0x2FFFF;
	_ =	strace $0x9FFFFFFF  }
0xc3: {  	(tm) =	ssettm $0x7FFFFFFF  }
tec
execute0_lowered:
.L_overlay_start_1:
0x0: {  	(tag) =	ssettag $0x1  }
0x1: {  	s5 =	rddreg [dreg:$0x0]  }
0x2: {  	s13 =	rddreg [dreg:$0x1]  }
0x3: {  	s0 =	srdreg.scid;
	s2 =	rddreg [dreg:$0x2]  }
0x4: {  	s1 =	stileid.u32;
	s3 =	simm.s32 $0x0;
	s19 =	simm.s32 $0x3  }
0x5: {  	s20 =	simm.s32 $0x1400;
	s21 =	simm.s32 $0x2800;
	s22 =	simm.s32 $0x80  }
0x6: {  	s23 =	simm.s32 $0x1;
	s28 =	simm.s32 $0x3B00;
	s29 =	simm.s32 $0x3B80  }
0x7: {  	s6 =	sand.u32 $0x1, s0;
	s8 =	smul.u32 $0x14000, s1;
	[smem:$0x7FF] =	sst s3  }
0x8: {  	s4 =	sadd.s32 $0xB400, s5;
	s14 =	sadd.s32 $0x1400, s5;
	s24 =	smul.u32 $0x50000, s1  }
0x9: {  	s15 =	sadd.s32 $0x16AE00, s5;
	s7 =	smul.u32 $0x140000, s6;
	s25 =	sshll.u32 s6, $0x4  }
0xa: {  	_ =	strace $0x80000047;
	s6 =	ssub.s32 $0x2, s6;
	s26 =	sor.u32 s1, s25  }
0xb: {  	s30 =	sshrl.u32 s24, $0x2;
	s31 =	sshrl.u32 s6, $0x1;
	s24 =	simm.s32 $0x7C00  }
0xc: {  	s25 =	simm.s32 $0x2;
	s7 =	sadd.s32 s8, s7;
	s9 =	smul.u32 $0x2800, s26  }
0xd: {  	s17 =	ssub.s32 s6, s31;
	s12 =	smul.u32 $0x500, s26;
	s7 =	sshrl.u32 s7, $0x3  }
0xe: {  	s26 =	simm.s32 $0x1380;
	s17 =	smax.u32 s17, $0x1;
	s16 =	sadd.s32 s7, s5  }
0xf: {  	s5 =	sadd.s32 s30, s2;
	s11 =	sshrl.u32 s9, $0x3;
	s10 =	sadd.s32 s13, s12  }
0x10: {  	s6 =	sadd.s32 $0x4000, s5;
	s7 =	sadd.s32 $0x8000, s5;
	s8 =	sadd.s32 $0xC000, s5  }
0x11: {  	s9 =	sadd.s32 $0x10000, s5;
	s18 =	sadd.s32 $0x280, s11;
	s11 =	sadd.s32 s14, s12  }
0x12: {  	s12 =	sadd.s32 s15, s12;
	s16 =	sadd.s32 $0x174E00, s16;
	s13 =	sadd.s32 s13, s18  }
0x13: {  	v0 =	vimm.f32 $0.0e+00;
	s14 =	sadd.s32 s14, s18;
	s15 =	sadd.s32 s15, s18;
	s18 =	simm.s32 $0x3C00  }
.LBB2_1:
0x14: {  	s30 =	simm.s32 $0x0;
	s31 =	simm.s32 $0x200  }
.LBB2_2:
0x15: {  	p0 =	sne.s32 s31, $0xFE00;
	[tilespmem:s30+$0x3C70] =	vst v0  }
0x16: {  	[tilespmem:s30+$0x3C00] =	vst v0  }
0x17: {  	[tilespmem:s30+$0x3C10] =	vst v0  }
.Ltmp0:
0x18: {  	[tilespmem:s30+$0x3C20] =	vst v0;
	(pc) =	sbr.rel @p0 .LBB2_2-.Ltmp0, $4  }
0x19: {  	[tilespmem:s30+$0x3C30] =	vst v0  }
0x1a: {  	[tilespmem:s30+$0x3C40] =	vst v0  }
0x1b: {  	[tilespmem:s30+$0x3C50] =	vst v0  }
0x1c: {  	[tilespmem:s30+$0x3C60] =	vst v0;
	s30 =	sshra.s32 s31, $0x2;
	s31 =	sadd.s32 $0x200, s31  }
0x1d: {  	[tilespmem:s30+$0x3C70] =	vst v0  }
0x1e: {  	[tilespmem:s30+$0x3C00] =	vst v0  }
0x1f: {  	[tilespmem:s30+$0x3C10] =	vst v0  }
0x20: {  	[tilespmem:s30+$0x3C20] =	vst v0  }
0x21: {  	[tilespmem:s30+$0x3C30] =	vst v0  }
0x22: {  	[tilespmem:s30+$0x3C40] =	vst v0  }
0x23: {  	[tilespmem:s30+$0x3C50] =	vst v0  }
0x24: {  	[tilespmem:s30+$0x3C60] =	vst v0  }
0x25: {  	[spmem:s5] =	stream.linear.scatter [tilespmem:s18], [sflag:$0x3], $0x4000, $0x38;
	[tilespmem:$0x1FC00] =	vst v63  }
0x26: {  	_ =	swait.ge [sflag:s19], $0x4000  }
0x27: {  	[sflag:s19] =	ssyncset.done $0x0  }
0x28: {  	[sflag:s19] =	ssyncadd.s32 $0xFFFFC000  }
0x29: {  	[spmem:s6] =	stream.linear.scatter [tilespmem:s18], [sflag:$0x3], $0x4000, $0x38;
	[tilespmem:$0x1FC00] =	vst v63  }
0x2a: {  	_ =	swait.ge [sflag:s19], $0x4000  }
0x2b: {  	[sflag:s19] =	ssyncset.done $0x0  }
0x2c: {  	[sflag:s19] =	ssyncadd.s32 $0xFFFFC000  }
0x2d: {  	[spmem:s7] =	stream.linear.scatter [tilespmem:s18], [sflag:$0x3], $0x4000, $0x38;
	[tilespmem:$0x1FC00] =	vst v63  }
0x2e: {  	_ =	swait.ge [sflag:s19], $0x4000  }
0x2f: {  	[sflag:s19] =	ssyncset.done $0x0  }
0x30: {  	[sflag:s19] =	ssyncadd.s32 $0xFFFFC000  }
0x31: {  	[spmem:s8] =	stream.linear.scatter [tilespmem:s18], [sflag:$0x3], $0x4000, $0x38;
	[tilespmem:$0x1FC00] =	vst v63  }
0x32: {  	_ =	swait.ge [sflag:s19], $0x4000  }
0x33: {  	[sflag:s19] =	ssyncset.done $0x0  }
0x34: {  	[sflag:s19] =	ssyncadd.s32 $0xFFFFC000  }
0x35: {  	[spmem:s9] =	stream.linear.scatter [tilespmem:s18], [sflag:$0x3], $0x4000, $0x38;
	[tilespmem:$0x1FC00] =	vst v63  }
0x36: {  	_ =	swait.ge [sflag:s19], $0x4000  }
0x37: {  	[sflag:s19] =	ssyncset.done $0x0  }
0x38: {  	[sflag:s19] =	ssyncadd.s32 $0xFFFFC000  }
0x39: {  	s30 =	simm.s32 $0x0;
	[bflag:$0x0] =	sbarrier.arrive $0xFFFF  }
0x3a: {  	[tilespmem:s30], [sflag:$0x3] =	stream.linear.gather [hbm4b:s10+s30], $0x1400, $0x38;
	[tilespmem:$0x1FC00] =	vst v63  }
0x3b: {  	_ =	swait.ge [sflag:s19], $0x1400  }
0x3c: {  	[sflag:s19] =	ssyncset.done $0x0  }
0x3d: {  	[sflag:s19] =	ssyncadd.s32 $0xFFFFEC00  }
0x3e: {  	[tilespmem:s20], [sflag:$0x3] =	stream.linear.gather [hbm4b:s11+s30], $0x1400, $0x38;
	[tilespmem:$0x1FC00] =	vst v63  }
0x3f: {  	_ =	swait.ge [sflag:s19], $0x1400  }
0x40: {  	[sflag:s19] =	ssyncset.done $0x0  }
0x41: {  	[sflag:s19] =	ssyncadd.s32 $0xFFFFEC00  }
0x42: {  	[tilespmem:s21], [sflag:$0x3] =	stream.linear.gather [hbm4b:s12+s30], $0x1400, $0x38;
	[tilespmem:$0x1FC00] =	vst v63  }
0x43: {  	_ =	swait.ge [sflag:s19], $0x1400  }
0x44: {  	[sflag:s19] =	ssyncset.done $0x0  }
0x45: {  	s30 =	simm.s32 $0x0;
	[sflag:s19] =	ssyncadd.s32 $0xFFFFEC00  }
0x46: {  	v7 =	vld [tilespmem:s30+$0x1400]  }
0x47: {  	v12 =	vld [tilespmem:s30+$0x1410]  }
0x48: {  	v6 =	vld [tilespmem:s30+$0x1420]  }
0x49: {  	v5 =	vld [tilespmem:s30+$0x1430]  }
0x4a: {  	v4 =	vld [tilespmem:s30+$0x1440]  }
0x4b: {  	v3 =	vld [tilespmem:s30+$0x1450]  }
0x4c: {  	v2 =	vld [tilespmem:s30+$0x1460]  }
0x4d: {  	v1 =	vld [tilespmem:s30+$0x1470]  }
0x4e: {  	v11 =	vld [tilespmem:s30+$0x0]  }
0x4f: {  	v10 =	vld [tilespmem:s30+$0x10]  }
0x50: {  	v9 =	vld [tilespmem:s30+$0x20]  }
0x51: {  	v8 =	vld [tilespmem:s30+$0x30];
	v13 =	vmul.u32 $0x2710, v7  }
0x52: {  	s31 =	simm.s32 $0x200;
	v12 =	vmul.u32 $0x2710, v12;
	v7 =	vld [tilespmem:s30+$0x40]  }
.LBB2_4:
0x53: {  	p0 =	sne.s32 s31, $0x4E00;
	v11 =	vadd.s32 v11, v13;
	v6 =	vmul.u32 $0x2710, v6;
	v13 =	vld [tilespmem:s30+$0x50]  }
0x54: {  	v5 =	vmul.u32 $0x2710, v5;
	[tilespmem:s30+$0x0] =	vst v11;
	v10 =	vadd.s32 v10, v12;
	v11 =	vld [tilespmem:s30+$0x60]  }
0x55: {  	s0 =	sshra.s32 s31, $0x2;
	v4 =	vmul.u32 $0x2710, v4;
	[tilespmem:s30+$0x10] =	vst v10;
	v6 =	vadd.s32 v9, v6;
	v9 =	vld [tilespmem:s30+$0x70]  }
0x56: {  	v3 =	vmul.u32 $0x2710, v3;
	v12 =	vld [tilespmem:s0+$0x1400];
	[tilespmem:s30+$0x20] =	vst v6;
	v5 =	vadd.s32 v8, v5  }
0x57: {  	v2 =	vmul.u32 $0x2710, v2;
	v14 =	vld [tilespmem:s0+$0x1410];
	[tilespmem:s30+$0x30] =	vst v5;
	v4 =	vadd.s32 v7, v4  }
0x58: {  	v1 =	vmul.u32 $0x2710, v1;
	v6 =	vld [tilespmem:s0+$0x1420];
	[tilespmem:s30+$0x40] =	vst v4;
	v3 =	vadd.s32 v13, v3  }
0x59: {  	v5 =	vld [tilespmem:s0+$0x1430];
	[tilespmem:s30+$0x50] =	vst v3;
	v2 =	vadd.s32 v11, v2  }
0x5a: {  	v4 =	vld [tilespmem:s0+$0x1440];
	[tilespmem:s30+$0x60] =	vst v2;
	v1 =	vadd.s32 v9, v1  }
0x5b: {  	v3 =	vld [tilespmem:s0+$0x1450];
	[tilespmem:s30+$0x70] =	vst v1;
	s30 =	smov.u32 s0  }
0x5c: {  	v2 =	vld [tilespmem:s30+$0x1460]  }
0x5d: {  	v1 =	vld [tilespmem:s30+$0x1470]  }
.Ltmp1:
0x5e: {  	v11 =	vld [tilespmem:s30+$0x0];
	(pc) =	sbr.rel @p0 .LBB2_4-.Ltmp1, $4  }
0x5f: {  	v10 =	vld [tilespmem:s30+$0x10]  }
0x60: {  	v9 =	vld [tilespmem:s30+$0x20]  }
0x61: {  	v13 =	vmul.u32 $0x2710, v12;
	v8 =	vld [tilespmem:s30+$0x30]  }
0x62: {  	s31 =	sadd.s32 $0x200, s31;
	v12 =	vmul.u32 $0x2710, v14;
	v7 =	vld [tilespmem:s30+$0x40]  }
0x63: {  	v11 =	vadd.s32 v11, v13;
	v61 =	vld [tilespmem:s30+$0x50];
	v6 =	vmul.u32 $0x2710, v6  }
0x64: {  	v62 =	vld [tilespmem:s30+$0x60];
	v5 =	vmul.u32 $0x2710, v5;
	[tilespmem:s30+$0x0] =	vst v11;
	v10 =	vadd.s32 v10, v12  }
0x65: {  	v4 =	vmul.u32 $0x2710, v4;
	v63 =	vld [tilespmem:s30+$0x70];
	[tilespmem:s30+$0x10] =	vst v10;
	v6 =	vadd.s32 v9, v6  }
0x66: {  	v3 =	vmul.u32 $0x2710, v3;
	[tilespmem:s30+$0x20] =	vst v6;
	v5 =	vadd.s32 v8, v5  }
0x67: {  	v2 =	vmul.u32 $0x2710, v2;
	[tilespmem:s30+$0x30] =	vst v5;
	v4 =	vadd.s32 v7, v4  }
0x68: {  	v1 =	vmul.u32 $0x2710, v1;
	[tilespmem:s30+$0x40] =	vst v4;
	v3 =	vadd.s32 v61, v3  }
0x69: {  	v2 =	vadd.s32 v62, v2;
	[tilespmem:s30+$0x50] =	vst v3  }
0x6a: {  	v1 =	vadd.s32 v63, v1;
	[tilespmem:s30+$0x60] =	vst v2  }
0x6b: {  	s0 =	simm.s32 $0x0;
	[tilespmem:s30+$0x70] =	vst v1  }
0x6c: {  	[tilespmem:s18], [sflag:$0x1] =	stream.indirect.gather [hbm4b:s4+s22], $0x80, s0, s22, $0xb8;
	[tilespmem:$0x1FC00] =	vst v63  }
0x6d: {  	_ =	swait.ge [sflag:s23], $0x4000  }
0x6e: {  	[sflag:s23] =	ssyncset.done $0x0  }
0x6f: {  	s31 =	simm.s32 $0x80;
	[sflag:s23] =	ssyncadd.s32 $0xFFFFC000  }
0x70: {  	[tilespmem:s24], [sflag:$0x2] =	stream.indirect.gather [hbm4b:s4+s22], $0x80, s31, s22, $0xb8;
	[tilespmem:$0x1FC00] =	vst v63  }
0x71: {  	s31 =	simm.s32 $0x2800  }
0x72: {  	[spmem:s2] =	stream.indirect.scatter.add.f32 [tilespmem:s18], [sflag:$0x3], $0x80, s31, s22, $0xb8;
	[tilespmem:$0x1FC00] =	vst v63  }
0x73: {  	_ =	swait.ge [sflag:s19], $0x4000  }
0x74: {  	[sflag:s19] =	ssyncset.done $0x0  }
0x75: {  	[sflag:s19] =	ssyncadd.s32 $0xFFFFC000  }
0x76: {  	_ =	swait.ge [sflag:s25], $0x4000  }
0x77: {  	[sflag:s25] =	ssyncset.done $0x0  }
0x78: {  	s31 =	simm.s32 $0x100;
	[sflag:s25] =	ssyncadd.s32 $0xFFFFC000  }
0x79: {  	[tilespmem:s18], [sflag:$0x1] =	stream.indirect.gather [hbm4b:s4+s22], $0x80, s31, s22, $0xb8;
	[tilespmem:$0x1FC00] =	vst v63  }
0x7a: {  	s31 =	simm.s32 $0x2880  }
0x7b: {  	[spmem:s2] =	stream.indirect.scatter.add.f32 [tilespmem:s24], [sflag:$0x3], $0x80, s31, s22, $0xb8;
	[tilespmem:$0x1FC00] =	vst v63  }
0x7c: {  	_ =	swait.ge [sflag:s19], $0x4000  }
0x7d: {  	s30 =	simm.s32 $0x400;
	[sflag:s19] =	ssyncset.done $0x0  }
.LBB2_6:
0x7e: {  	p0 =	sne.s32 s30, $0x4800  }
0x7f: {  	[sflag:s19] =	ssyncadd.s32 $0xFFFFC000;
	s0 =	smov.u32 s30;
	s30 =	sadd.s32 $0x400, s30  }
0x80: {  	_ = 	snop  }
0x81: {  	_ =	swait.ge [sflag:s23], $0x4000  }
0x82: {  	s0 =	sshra.s32 s0, $0x2;
	[sflag:s23] =	ssyncset.done $0x0  }
0x83: {  	s31 =	sadd.s32 $0x80, s0;
	[sflag:s23] =	ssyncadd.s32 $0xFFFFC000  }
0x84: {  	[tilespmem:s24], [sflag:$0x2] =	stream.indirect.gather [hbm4b:s4+s22], $0x80, s31, s22, $0xb8;
	[tilespmem:$0x1FC00] =	vst v63  }
0x85: {  	s31 =	sadd.s32 $0x2800, s0  }
0x86: {  	[spmem:s2] =	stream.indirect.scatter.add.f32 [tilespmem:s18], [sflag:$0x3], $0x80, s31, s22, $0xb8;
	[tilespmem:$0x1FC00] =	vst v63  }
0x87: {  	_ =	swait.ge [sflag:s19], $0x4000  }
0x88: {  	[sflag:s19] =	ssyncset.done $0x0  }
0x89: {  	[sflag:s19] =	ssyncadd.s32 $0xFFFFC000  }
0x8a: {  	_ =	swait.ge [sflag:s25], $0x4000  }
0x8b: {  	[sflag:s25] =	ssyncset.done $0x0  }
0x8c: {  	s31 =	sadd.s32 $0x100, s0;
	[sflag:s25] =	ssyncadd.s32 $0xFFFFC000  }
0x8d: {  	[tilespmem:s18], [sflag:$0x1] =	stream.indirect.gather [hbm4b:s4+s22], $0x80, s31, s22, $0xb8;
	[tilespmem:$0x1FC00] =	vst v63  }
.Ltmp2:
0x8e: {  	_ = 	snop;
	(pc) =	sbr.rel @p0 .LBB2_6-.Ltmp2, $4  }
0x8f: {  	s0 =	sadd.s32 $0x2880, s0  }
0x90: {  	[spmem:s2] =	stream.indirect.scatter.add.f32 [tilespmem:s24], [sflag:$0x3], $0x80, s0, s22, $0xb8;
	[tilespmem:$0x1FC00] =	vst v63  }
0x91: {  	_ =	swait.ge [sflag:s19], $0x4000  }
0x92: {  	[sflag:s19] =	ssyncset.done $0x0  }
0x93: {  	[sflag:s19] =	ssyncadd.s32 $0xFFFFC000  }
0x94: {  	_ =	swait.ge [sflag:s23], $0x4000  }
0x95: {  	[sflag:s23] =	ssyncset.done $0x0  }
0x96: {  	[sflag:s23] =	ssyncadd.s32 $0xFFFFC000  }
0x97: {  	[tilespmem:s24], [sflag:$0x2] =	stream.indirect.gather [hbm4b:s4+s22], $0x80, s26, s22, $0xb8;
	[tilespmem:$0x1FC00] =	vst v63  }
0x98: {  	_ = 	snop  }
0x99: {  	[spmem:s2] =	stream.indirect.scatter.add.f32 [tilespmem:s18], [sflag:$0x3], $0x80, s28, s22, $0xb8;
	[tilespmem:$0x1FC00] =	vst v63  }
0x9a: {  	_ =	swait.ge [sflag:s19], $0x4000  }
0x9b: {  	[sflag:s19] =	ssyncset.done $0x0  }
0x9c: {  	[sflag:s19] =	ssyncadd.s32 $0xFFFFC000  }
0x9d: {  	_ =	swait.ge [sflag:s25], $0x4000  }
0x9e: {  	[sflag:s25] =	ssyncset.done $0x0  }
0x9f: {  	[sflag:s25] =	ssyncadd.s32 $0xFFFFC000  }
0xa0: {  	[spmem:s2] =	stream.indirect.scatter.add.f32 [tilespmem:s24], [sflag:$0x3], $0x80, s29, s22, $0xb8;
	[tilespmem:$0x1FC00] =	vst v63  }
0xa1: {  	_ =	swait.ge [sflag:s19], $0x4000  }
0xa2: {  	[sflag:s19] =	ssyncset.done $0x0  }
0xa3: {  	s0 =	simm.s32 $0x0;
	[sflag:s19] =	ssyncadd.s32 $0xFFFFC000  }
0xa4: {  	[tilespmem:s0], [sflag:$0x3] =	stream.linear.gather [hbm4b:s13+s0], $0x1400, $0x38;
	[tilespmem:$0x1FC00] =	vst v63  }
0xa5: {  	_ =	swait.ge [sflag:s19], $0x1400  }
0xa6: {  	[sflag:s19] =	ssyncset.done $0x0  }
0xa7: {  	[sflag:s19] =	ssyncadd.s32 $0xFFFFEC00  }
0xa8: {  	[tilespmem:s20], [sflag:$0x3] =	stream.linear.gather [hbm4b:s14+s0], $0x1400, $0x38;
	[tilespmem:$0x1FC00] =	vst v63  }
0xa9: {  	_ =	swait.ge [sflag:s19], $0x1400  }
0xaa: {  	[sflag:s19] =	ssyncset.done $0x0  }
0xab: {  	[sflag:s19] =	ssyncadd.s32 $0xFFFFEC00  }
0xac: {  	[tilespmem:s21], [sflag:$0x3] =	stream.linear.gather [hbm4b:s15+s0], $0x1400, $0x38;
	[tilespmem:$0x1FC00] =	vst v63  }
0xad: {  	_ =	swait.ge [sflag:s19], $0x1400  }
0xae: {  	[sflag:s19] =	ssyncset.done $0x0  }
0xaf: {  	s30 =	simm.s32 $0x0;
	[sflag:s19] =	ssyncadd.s32 $0xFFFFEC00  }
0xb0: {  	v7 =	vld [tilespmem:s30+$0x1400]  }
0xb1: {  	v12 =	vld [tilespmem:s30+$0x1410]  }
0xb2: {  	v6 =	vld [tilespmem:s30+$0x1420]  }
0xb3: {  	v5 =	vld [tilespmem:s30+$0x1430]  }
0xb4: {  	v4 =	vld [tilespmem:s30+$0x1440]  }
0xb5: {  	v3 =	vld [tilespmem:s30+$0x1450]  }
0xb6: {  	v2 =	vld [tilespmem:s30+$0x1460]  }
0xb7: {  	v1 =	vld [tilespmem:s30+$0x1470]  }
0xb8: {  	v11 =	vld [tilespmem:s30+$0x0]  }
0xb9: {  	v10 =	vld [tilespmem:s30+$0x10]  }
0xba: {  	v9 =	vld [tilespmem:s30+$0x20]  }
0xbb: {  	v8 =	vld [tilespmem:s30+$0x30];
	v13 =	vmul.u32 $0x2710, v7  }
0xbc: {  	s31 =	simm.s32 $0x200;
	v12 =	vmul.u32 $0x2710, v12;
	v7 =	vld [tilespmem:s30+$0x40]  }
.LBB2_8:
0xbd: {  	p0 =	sne.s32 s31, $0x4E00;
	v11 =	vadd.s32 v11, v13;
	v6 =	vmul.u32 $0x2710, v6;
	v13 =	vld [tilespmem:s30+$0x50]  }
0xbe: {  	v5 =	vmul.u32 $0x2710, v5;
	[tilespmem:s30+$0x0] =	vst v11;
	v10 =	vadd.s32 v10, v12;
	v11 =	vld [tilespmem:s30+$0x60]  }
0xbf: {  	s0 =	sshra.s32 s31, $0x2;
	v4 =	vmul.u32 $0x2710, v4;
	[tilespmem:s30+$0x10] =	vst v10;
	v6 =	vadd.s32 v9, v6;
	v9 =	vld [tilespmem:s30+$0x70]  }
0xc0: {  	v3 =	vmul.u32 $0x2710, v3;
	v12 =	vld [tilespmem:s0+$0x1400];
	[tilespmem:s30+$0x20] =	vst v6;
	v5 =	vadd.s32 v8, v5  }
0xc1: {  	v2 =	vmul.u32 $0x2710, v2;
	v14 =	vld [tilespmem:s0+$0x1410];
	[tilespmem:s30+$0x30] =	vst v5;
	v4 =	vadd.s32 v7, v4  }
0xc2: {  	v1 =	vmul.u32 $0x2710, v1;
	v6 =	vld [tilespmem:s0+$0x1420];
	[tilespmem:s30+$0x40] =	vst v4;
	v3 =	vadd.s32 v13, v3  }
0xc3: {  	v5 =	vld [tilespmem:s0+$0x1430];
	[tilespmem:s30+$0x50] =	vst v3;
	v2 =	vadd.s32 v11, v2  }
0xc4: {  	v4 =	vld [tilespmem:s0+$0x1440];
	[tilespmem:s30+$0x60] =	vst v2;
	v1 =	vadd.s32 v9, v1  }
0xc5: {  	v3 =	vld [tilespmem:s0+$0x1450];
	[tilespmem:s30+$0x70] =	vst v1;
	s30 =	smov.u32 s0  }
0xc6: {  	v2 =	vld [tilespmem:s30+$0x1460]  }
0xc7: {  	v1 =	vld [tilespmem:s30+$0x1470]  }
.Ltmp3:
0xc8: {  	v11 =	vld [tilespmem:s30+$0x0];
	(pc) =	sbr.rel @p0 .LBB2_8-.Ltmp3, $4  }
0xc9: {  	v10 =	vld [tilespmem:s30+$0x10]  }
0xca: {  	v9 =	vld [tilespmem:s30+$0x20]  }
0xcb: {  	v13 =	vmul.u32 $0x2710, v12;
	v8 =	vld [tilespmem:s30+$0x30]  }
0xcc: {  	s31 =	sadd.s32 $0x200, s31;
	v12 =	vmul.u32 $0x2710, v14;
	v7 =	vld [tilespmem:s30+$0x40]  }
0xcd: {  	v11 =	vadd.s32 v11, v13;
	v61 =	vld [tilespmem:s30+$0x50];
	v6 =	vmul.u32 $0x2710, v6  }
0xce: {  	v62 =	vld [tilespmem:s30+$0x60];
	v5 =	vmul.u32 $0x2710, v5;
	[tilespmem:s30+$0x0] =	vst v11;
	v10 =	vadd.s32 v10, v12  }
0xcf: {  	v4 =	vmul.u32 $0x2710, v4;
	v63 =	vld [tilespmem:s30+$0x70];
	[tilespmem:s30+$0x10] =	vst v10;
	v6 =	vadd.s32 v9, v6  }
0xd0: {  	v3 =	vmul.u32 $0x2710, v3;
	[tilespmem:s30+$0x20] =	vst v6;
	v5 =	vadd.s32 v8, v5  }
0xd1: {  	v2 =	vmul.u32 $0x2710, v2;
	[tilespmem:s30+$0x30] =	vst v5;
	v4 =	vadd.s32 v7, v4  }
0xd2: {  	v1 =	vmul.u32 $0x2710, v1;
	[tilespmem:s30+$0x40] =	vst v4;
	v3 =	vadd.s32 v61, v3  }
0xd3: {  	v2 =	vadd.s32 v62, v2;
	[tilespmem:s30+$0x50] =	vst v3  }
0xd4: {  	v1 =	vadd.s32 v63, v1;
	[tilespmem:s30+$0x60] =	vst v2  }
0xd5: {  	s0 =	simm.s32 $0x0;
	[tilespmem:s30+$0x70] =	vst v1  }
0xd6: {  	[tilespmem:s18], [sflag:$0x1] =	stream.indirect.gather [hbm4b:s4+s22], $0x80, s0, s22, $0xb8;
	[tilespmem:$0x1FC00] =	vst v63  }
0xd7: {  	_ =	swait.ge [sflag:s23], $0x4000  }
0xd8: {  	[sflag:s23] =	ssyncset.done $0x0  }
0xd9: {  	s31 =	simm.s32 $0x80;
	[sflag:s23] =	ssyncadd.s32 $0xFFFFC000  }
0xda: {  	[tilespmem:s24], [sflag:$0x2] =	stream.indirect.gather [hbm4b:s4+s22], $0x80, s31, s22, $0xb8;
	[tilespmem:$0x1FC00] =	vst v63  }
0xdb: {  	s31 =	simm.s32 $0x2800  }
0xdc: {  	[spmem:s2] =	stream.indirect.scatter.add.f32 [tilespmem:s18], [sflag:$0x3], $0x80, s31, s22, $0xb8;
	[tilespmem:$0x1FC00] =	vst v63  }
0xdd: {  	_ =	swait.ge [sflag:s19], $0x4000  }
0xde: {  	[sflag:s19] =	ssyncset.done $0x0  }
0xdf: {  	[sflag:s19] =	ssyncadd.s32 $0xFFFFC000  }
0xe0: {  	_ =	swait.ge [sflag:s25], $0x4000  }
0xe1: {  	[sflag:s25] =	ssyncset.done $0x0  }
0xe2: {  	s31 =	simm.s32 $0x100;
	[sflag:s25] =	ssyncadd.s32 $0xFFFFC000  }
0xe3: {  	[tilespmem:s18], [sflag:$0x1] =	stream.indirect.gather [hbm4b:s4+s22], $0x80, s31, s22, $0xb8;
	[tilespmem:$0x1FC00] =	vst v63  }
0xe4: {  	s31 =	simm.s32 $0x2880  }
0xe5: {  	[spmem:s2] =	stream.indirect.scatter.add.f32 [tilespmem:s24], [sflag:$0x3], $0x80, s31, s22, $0xb8;
	[tilespmem:$0x1FC00] =	vst v63  }
0xe6: {  	_ =	swait.ge [sflag:s19], $0x4000  }
0xe7: {  	s30 =	simm.s32 $0x400;
	[sflag:s19] =	ssyncset.done $0x0  }
.LBB2_10:
0xe8: {  	p0 =	sne.s32 s30, $0x4800  }
0xe9: {  	[sflag:s19] =	ssyncadd.s32 $0xFFFFC000;
	s0 =	smov.u32 s30;
	s30 =	sadd.s32 $0x400, s30  }
0xea: {  	_ = 	snop  }
0xeb: {  	_ =	swait.ge [sflag:s23], $0x4000  }
0xec: {  	s0 =	sshra.s32 s0, $0x2;
	[sflag:s23] =	ssyncset.done $0x0  }
0xed: {  	s31 =	sadd.s32 $0x80, s0;
	[sflag:s23] =	ssyncadd.s32 $0xFFFFC000  }
0xee: {  	[tilespmem:s24], [sflag:$0x2] =	stream.indirect.gather [hbm4b:s4+s22], $0x80, s31, s22, $0xb8;
	[tilespmem:$0x1FC00] =	vst v63  }
0xef: {  	s31 =	sadd.s32 $0x2800, s0  }
0xf0: {  	[spmem:s2] =	stream.indirect.scatter.add.f32 [tilespmem:s18], [sflag:$0x3], $0x80, s31, s22, $0xb8;
	[tilespmem:$0x1FC00] =	vst v63  }
0xf1: {  	_ =	swait.ge [sflag:s19], $0x4000  }
0xf2: {  	[sflag:s19] =	ssyncset.done $0x0  }
0xf3: {  	[sflag:s19] =	ssyncadd.s32 $0xFFFFC000  }
0xf4: {  	_ =	swait.ge [sflag:s25], $0x4000  }
0xf5: {  	[sflag:s25] =	ssyncset.done $0x0  }
0xf6: {  	s31 =	sadd.s32 $0x100, s0;
	[sflag:s25] =	ssyncadd.s32 $0xFFFFC000  }
0xf7: {  	[tilespmem:s18], [sflag:$0x1] =	stream.indirect.gather [hbm4b:s4+s22], $0x80, s31, s22, $0xb8;
	[tilespmem:$0x1FC00] =	vst v63  }
.Ltmp4:
0xf8: {  	_ = 	snop;
	(pc) =	sbr.rel @p0 .LBB2_10-.Ltmp4, $4  }
0xf9: {  	s0 =	sadd.s32 $0x2880, s0  }
0xfa: {  	[spmem:s2] =	stream.indirect.scatter.add.f32 [tilespmem:s24], [sflag:$0x3], $0x80, s0, s22, $0xb8;
	[tilespmem:$0x1FC00] =	vst v63  }
0xfb: {  	_ =	swait.ge [sflag:s19], $0x4000  }
0xfc: {  	[sflag:s19] =	ssyncset.done $0x0  }
0xfd: {  	[sflag:s19] =	ssyncadd.s32 $0xFFFFC000  }
0xfe: {  	_ =	swait.ge [sflag:s23], $0x4000  }
0xff: {  	[sflag:s23] =	ssyncset.done $0x0  }
0x100: {  	[sflag:s23] =	ssyncadd.s32 $0xFFFFC000  }
0x101: {  	[tilespmem:s24], [sflag:$0x2] =	stream.indirect.gather [hbm4b:s4+s22], $0x80, s26, s22, $0xb8;
	[tilespmem:$0x1FC00] =	vst v63  }
0x102: {  	_ = 	snop  }
0x103: {  	[spmem:s2] =	stream.indirect.scatter.add.f32 [tilespmem:s18], [sflag:$0x3], $0x80, s28, s22, $0xb8;
	[tilespmem:$0x1FC00] =	vst v63  }
0x104: {  	_ =	swait.ge [sflag:s19], $0x4000  }
0x105: {  	[sflag:s19] =	ssyncset.done $0x0  }
0x106: {  	[sflag:s19] =	ssyncadd.s32 $0xFFFFC000  }
0x107: {  	_ =	swait.ge [sflag:s25], $0x4000  }
0x108: {  	[sflag:s25] =	ssyncset.done $0x0  }
0x109: {  	[sflag:s25] =	ssyncadd.s32 $0xFFFFC000  }
0x10a: {  	[spmem:s2] =	stream.indirect.scatter.add.f32 [tilespmem:s24], [sflag:$0x3], $0x80, s29, s22, $0xb8;
	[tilespmem:$0x1FC00] =	vst v63  }
0x10b: {  	_ =	swait.ge [sflag:s19], $0x4000  }
0x10c: {  	s0 =	sshll.u32 s1, $0x6;
	s3 =	sadd.s32 $0x1, s3;
	[sflag:s19] =	ssyncset.done $0x0  }
0x10d: {  	s30 =	sshrl.u32 s5, $0x3;
	p0 =	sne.s32 s3, s17;
	[sflag:s19] =	ssyncadd.s32 $0xFFFFC000  }
.Ltmp5:
0x10e: {  	s0 =	sor.u32 $0x1C03, s0;
	[bflag:$0x0] =	sbarrier.arrive $0xFFFF;
	(pc) =	sbr.rel @p0 .LBB2_1-.Ltmp5, $4  }
0x10f: {  	[hbm:s16], [sflag:s0] =	dma.local [spmem:s30], $0x2800  }
0x110: {  	_ =	swait.ge [sflag:s19], $0x2800  }
0x111: {  	[sflag:s19] =	ssyncset.done $0x0  }
0x112: {  	[sflag:s19] =	ssyncadd.s32 $0xFFFFD800  }
0x113: {  	_ =	sfence.sel $0x180000  }
0x114: {  	[bflag:$0x0] =	sbarrier.arrive $0xFFFF  }
0x115: {  	_ =	strace $0x90000047  }
0x116: {  	[bflag:$0x2] =	sbarrier.arrive $0xFFFF  }
0x117: {  	p0 =	sne.s32 s1, $0x0;
	s0 =	rddreg [dreg:$0x3]  }
0x118: {  	s0 =	sadd.s32 @!p0 $0x100000, s0  }
0x119: {  	[sflag:s0] =	ssyncadd.tile.s32 @!p0 $0x1;
	_ =	shalt  }
.Lfunc_end2:
_tile_overlayer_lowered:
.L_overlay_start_2:
0x11a: {  	(tag) =	ssettag $0x2  }
0x11b: {  	s0 =	rddreg [dreg:$0x0];
	s2 =	stileid.u32  }
0x11c: {  	s1 =	rddreg [dreg:$0x1];
	p0 =	sne.s32 s2, $0x0  }
0x11d: {  	s3 =	rddreg [dreg:$0x2];
	[bflag:$0x3] =	sbarrier.arrive $0xFFFF;
	s2 =	simm.s32 @!p0 $0x1C03  }
0x11e: {  	[timem:s3], [sflag:s2] =	dma.local @!p0 [hbm:s0], s1  }
0x11f: {  	s0 =	simm.s32 @!p0 $0x3  }
0x120: {  	_ =	swait.ge @!p0 [sflag:s0], s1  }
0x121: {  	s1 =	ssub.s32 @!p0 $0x0, s1;
	[sflag:s0] =	ssyncset.done @!p0 $0x0  }
0x122: {  	[sflag:s0] =	ssyncadd.s32 @!p0 s1  }
0x123: {  	[bflag:$0x3] =	sbarrier.arrive $0xFFFF  }
0x124: {  	_ =	shalt  }

</sc_bundles>
